<compile_context>
chip_gen: v7x
topology: tpu7x:2x2x1
jax: 0.10.2.dev20260603
libtpu: 0.0.44.dev20260713+nightly
codegen_flags: <defaults>
</compile_context>

<pallas_src>
import functools

import jax
import jax.numpy as jnp
from jax import lax
from jax.experimental import pallas as pl
from jax.experimental.pallas import tpu as pltpu
from jax.experimental.pallas import tpu_sc as plsc

N_NODES = 10000
N_EDGES = 320000
D_IN = 128
D_HID = 16
D_OUT = 5

NC = 2
NS = 16
NW = NC * NS
CH = 128
NBUF = 8
NINF = NBUF // 2
K = NBUF * (-(-N_EDGES // (NW * CH * NBUF)))
E_PAD = NW * K * CH
N_ACC = 10240
ZR = N_ACC // NS

_mesh = plsc.VectorSubcoreMesh(core_axis_name="c", subcore_axis_name="s")
_sc_params = pltpu.CompilerParams(use_tc_tiling_on_sc=False)


def _zero_accum(s, zbuf, accum):
  def zrow(ii, _):
    for u in range(8):
      zbuf[ii * 8 + u, :] = jnp.zeros((D_HID,), jnp.float32)
    return ()
  lax.fori_loop(0, ZR // 8, zrow, ())
  pltpu.sync_copy(zbuf, accum.at[pl.ds(s * ZR, ZR)])
  plsc.subcore_barrier()


def _flush_accum(c, s, accum, out_hbm):
  plsc.subcore_barrier()
  pltpu.sync_copy(accum.at[pl.ds(s * ZR, ZR)],
                  out_hbm.at[c, pl.ds(s * ZR, ZR)])


@functools.partial(
    pl.kernel,
    out_type=jax.ShapeDtypeStruct((NC, N_ACC, D_HID), jnp.float32),
    mesh=_mesh,
    compiler_params=_sc_params,
    scratch_types=[
        pltpu.VMEM((K, CH), jnp.int32),
        pltpu.VMEM((CH, D_HID), jnp.float32),
        pltpu.VMEM((ZR, D_HID), jnp.float32),
        pltpu.VMEM_SHARED((N_ACC, D_HID), jnp.float32),
    ],
)
def _sc_degree(dst_hbm, out_hbm, dst_v, ones_v, zbuf, accum):
  c = lax.axis_index("c")
  s = lax.axis_index("s")
  wid = s * NC + c
  _zero_accum(s, zbuf, accum)

  def orow(ii, _):
    for u in range(8):
      ones_v[ii * 8 + u, :] = jnp.ones((D_HID,), jnp.float32)
    return ()
  lax.fori_loop(0, CH // 8, orow, ())
  pltpu.sync_copy(dst_hbm.at[wid], dst_v)

  def body(j, _):
    pltpu.sync_copy(ones_v, accum.at[dst_v.at[j]], add=True)
    return ()
  lax.fori_loop(0, K, body, ())
  _flush_accum(c, s, accum, out_hbm)


@functools.partial(
    pl.kernel,
    out_type=jax.ShapeDtypeStruct((NC, N_ACC, D_HID), jnp.float32),
    mesh=_mesh,
    compiler_params=_sc_params,
    scratch_types=[
        pltpu.VMEM((K, CH), jnp.int32),
        pltpu.VMEM((K, CH), jnp.int32),
        [pltpu.VMEM((CH, D_HID), jnp.float32)] * NBUF,
        pltpu.VMEM((ZR, D_HID), jnp.float32),
        pltpu.VMEM_SHARED((N_ACC, D_HID), jnp.float32),
        [pltpu.SemaphoreType.DMA] * NBUF,
        [pltpu.SemaphoreType.DMA] * NBUF,
    ],
)
def _sc_aggregate(table_hbm, src_hbm, dst_hbm, out_hbm,
                  src_v, dst_v, rows, zbuf, accum, gsem, ssem):
  c = lax.axis_index("c")
  s = lax.axis_index("s")
  wid = s * NC + c
  _zero_accum(s, zbuf, accum)
  pltpu.sync_copy(src_hbm.at[wid], src_v)
  pltpu.sync_copy(dst_hbm.at[wid], dst_v)

  for r in range(NINF):
    pltpu.async_copy(table_hbm.at[src_v.at[r]], rows[r], gsem[r])

  def body(jj, _):
    for r in range(NBUF):
      j = jj * NBUF + r
      rd = (r + NINF) % NBUF
      pltpu.make_async_copy(table_hbm.at[src_v.at[j]], rows[r], gsem[r]).wait()
      pltpu.async_copy(rows[r], accum.at[dst_v.at[j]], ssem[r], add=True)

      @pl.when(j >= NINF)
      def _():
        pltpu.make_async_copy(rows[rd], accum.at[dst_v.at[j - NINF]],
                              ssem[rd]).wait()

      @pl.when(j + NINF < K)
      def _():
        pltpu.async_copy(table_hbm.at[src_v.at[j + NINF]], rows[rd], gsem[rd])
    return ()

  lax.fori_loop(0, K // NBUF, body, ())
  for i in range(K - NINF, K):
    pltpu.make_async_copy(rows[i % NBUF], accum.at[dst_v.at[i]],
                          ssem[i % NBUF]).wait()
  _flush_accum(c, s, accum, out_hbm)


def _tc1_body(deg_ref, x_ref, w1_ref, dinv_ref, p_ref):
  deg = deg_ref[0, :N_NODES, :] + deg_ref[1, :N_NODES, :] + 1.0
  dinv = lax.rsqrt(deg)
  dinv_ref[...] = dinv
  p_ref[...] = jnp.dot(x_ref[...], w1_ref[...],
                       preferred_element_type=jnp.float32) * dinv


def _tc2_body(agg_ref, p_ref, dinv_ref, b1_ref, q_ref):
  dinv = dinv_ref[...]
  s = agg_ref[0, :N_NODES, :] + agg_ref[1, :N_NODES, :] + p_ref[...]
  h = jnp.maximum(dinv * s + b1_ref[...], 0.0)
  q_ref[...] = h * dinv


def _tc3_body(agg_ref, q_ref, dinv_ref, w2_ref, b2_ref, out_ref):
  s = agg_ref[0, :N_NODES, :] + agg_ref[1, :N_NODES, :] + q_ref[...]
  z = jnp.dot(dinv_ref[...] * s, w2_ref[...],
              preferred_element_type=jnp.float32) + b2_ref[...]
  m = jnp.max(z, axis=1, keepdims=True)
  zs = z - m
  out_ref[...] = zs - jnp.log(jnp.sum(jnp.exp(zs), axis=1, keepdims=True))


def kernel(x, edge_index, W1, b1, W2, b2):
  src = jnp.concatenate(
      [edge_index[0], jnp.zeros((E_PAD - N_EDGES,), jnp.int32)])
  dst = jnp.concatenate(
      [edge_index[1], jnp.full((E_PAD - N_EDGES,), N_NODES, jnp.int32)])
  src3 = src.reshape(NW, K, CH)
  dst3 = dst.reshape(NW, K, CH)

  deg16 = _sc_degree(dst3)

  dinv, p = pl.pallas_call(
      _tc1_body,
      out_shape=(
          jax.ShapeDtypeStruct((N_NODES, D_HID), jnp.float32),
          jax.ShapeDtypeStruct((N_NODES, D_HID), jnp.float32),
      ),
  )(deg16, x, W1)

  agg1 = _sc_aggregate(p, src3, dst3)

  q = pl.pallas_call(
      _tc2_body,
      out_shape=jax.ShapeDtypeStruct((N_NODES, D_HID), jnp.float32),
  )(agg1, p, dinv, b1.reshape(1, D_HID))

  agg2 = _sc_aggregate(q, src3, dst3)

  out = pl.pallas_call(
      _tc3_body,
      out_shape=jax.ShapeDtypeStruct((N_NODES, D_OUT), jnp.float32),
  )(agg2, q, dinv, W2, b2.reshape(1, D_OUT))
  return out

# --- scband reference (transcript-rebuilt; emitter-appended) ---
"""Pipeline reference for scband-gcn-1331439862510 (READ-ONLY COPY).

The authoritative reference and input builder live on the scoring server;
editing this copy changes nothing except your own understanding.
"""

import jax, jax.numpy as jnp
import numpy as np

N = 10000
E = 320000
D_IN = 128
D_HID = 16
D_OUT = 5


def setup_inputs(seed: int = 0) -> dict:
    key = jax.random.key(seed)
    ks = jax.random.split(key, 6)
    x = jax.random.normal(ks[0], (N, D_IN), dtype=jnp.float32)
    edge_index = jax.random.randint(ks[1], (2, E), 0, N, dtype=jnp.int32)
    W1 = jax.random.normal(ks[2], (D_IN, D_HID), dtype=jnp.float32) * (1.0 / np.sqrt(D_IN))
    b1 = jnp.zeros((D_HID,), dtype=jnp.float32)
    W2 = jax.random.normal(ks[3], (D_HID, D_OUT), dtype=jnp.float32) * (1.0 / np.sqrt(D_HID))
    b2 = jnp.zeros((D_OUT,), dtype=jnp.float32)
    return {"x": x, "edge_index": edge_index, "W1": W1, "b1": b1, "W2": W2, "b2": b2}


def _gcn_conv(x, edge_index, W, b, num_nodes):
    # GCNConv with added self-loops and symmetric normalization (PyG semantics)
    loop = jnp.arange(num_nodes, dtype=edge_index.dtype)
    src = jnp.concatenate([edge_index[0], loop])
    dst = jnp.concatenate([edge_index[1], loop])
    h = x @ W  # linear transform first (fewer features to gather)
    ones = jnp.ones(dst.shape[0], dtype=jnp.float32)
    deg = jnp.zeros((num_nodes,), dtype=jnp.float32).at[dst].add(ones)
    deg_inv_sqrt = jnp.where(deg > 0, jax.lax.rsqrt(jnp.maximum(deg, 1e-12)), 0.0)
    norm = deg_inv_sqrt[src] * deg_inv_sqrt[dst]
    msg = h[src] * norm[:, None]  # gather (SparseCore)
    out = jnp.zeros((num_nodes, W.shape[1]), dtype=jnp.float32).at[dst].add(msg)  # scatter-add
    return out + b


def reference(x, edge_index, W1, b1, W2, b2):
    h = jax.nn.relu(_gcn_conv(x, edge_index, W1, b1, N))
    # F.dropout(x, training=self.training) is identity in eval mode
    out = _gcn_conv(h, edge_index, W2, b2, N)
    return jax.nn.log_softmax(out, axis=1)

if __name__ == "__main__":
    import jax
    _d = setup_inputs()
    print(jax.jit(kernel)(*tuple(_d.values())))

</pallas_src>

<mosaic_0001>
#map = affine_map<(d0, d1) -> (0, 0)>
#map1 = affine_map<(d0, d1) -> (0, 0, 0)>
module attributes {stable_mosaic.version = 14 : i64} {
  func.func @_sc_aggregate(%arg0: i32, %arg1: i32, %arg2: memref<10000x16xf32, #tpu.memory_space<hbm>>, %arg3: memref<32x80x128xi32, #tpu.memory_space<hbm>>, %arg4: memref<32x80x128xi32, #tpu.memory_space<hbm>>, %arg5: memref<2x10240x16xf32, #tpu.memory_space<hbm>>, %arg6: memref<80x128xi32, #tpu.memory_space<vmem>>, %arg7: memref<80x128xi32, #tpu.memory_space<vmem>>, %arg8: memref<128x16xf32, #tpu.memory_space<vmem>>, %arg9: memref<128x16xf32, #tpu.memory_space<vmem>>, %arg10: memref<128x16xf32, #tpu.memory_space<vmem>>, %arg11: memref<128x16xf32, #tpu.memory_space<vmem>>, %arg12: memref<128x16xf32, #tpu.memory_space<vmem>>, %arg13: memref<128x16xf32, #tpu.memory_space<vmem>>, %arg14: memref<128x16xf32, #tpu.memory_space<vmem>>, %arg15: memref<128x16xf32, #tpu.memory_space<vmem>>, %arg16: memref<640x16xf32, #tpu.memory_space<vmem>>, %arg17: memref<10240x16xf32, #tpu.memory_space<vmem_shared>>, %arg18: memref<!tpu.dma_semaphore, #tpu.memory_space<semaphore_mem>>, %arg19: memref<!tpu.dma_semaphore, #tpu.memory_space<semaphore_mem>>, %arg20: memref<!tpu.dma_semaphore, #tpu.memory_space<semaphore_mem>>, %arg21: memref<!tpu.dma_semaphore, #tpu.memory_space<semaphore_mem>>, %arg22: memref<!tpu.dma_semaphore, #tpu.memory_space<semaphore_mem>>, %arg23: memref<!tpu.dma_semaphore, #tpu.memory_space<semaphore_mem>>, %arg24: memref<!tpu.dma_semaphore, #tpu.memory_space<semaphore_mem>>, %arg25: memref<!tpu.dma_semaphore, #tpu.memory_space<semaphore_mem>>, %arg26: memref<!tpu.dma_semaphore, #tpu.memory_space<semaphore_mem>>, %arg27: memref<!tpu.dma_semaphore, #tpu.memory_space<semaphore_mem>>, %arg28: memref<!tpu.dma_semaphore, #tpu.memory_space<semaphore_mem>>, %arg29: memref<!tpu.dma_semaphore, #tpu.memory_space<semaphore_mem>>, %arg30: memref<!tpu.dma_semaphore, #tpu.memory_space<semaphore_mem>>, %arg31: memref<!tpu.dma_semaphore, #tpu.memory_space<semaphore_mem>>, %arg32: memref<!tpu.dma_semaphore, #tpu.memory_space<semaphore_mem>>, %arg33: memref<!tpu.dma_semaphore, #tpu.memory_space<semaphore_mem>>) attributes {dimension_semantics = [#tpu.dimension_semantics<core_parallel>, #tpu.dimension_semantics<subcore_parallel>], iteration_bounds = array<i64: 2, 16>, scalar_prefetch = 0 : i64, scratch_operands = 28 : i64, tpu.core_type = #tpu.core_type<sc_vector_subcore>, window_params = [{transform_indices = #map}, {transform_indices = #map1}, {transform_indices = #map1}, {transform_indices = #map1}]} {
    %mul3A = arith.constant 2 : i32
    %mul3A_0 = arith.muli %arg1, %mul3A : i32
    %add3A = arith.addi %mul3A_0, %arg0 : i32
    %scan3A = arith.constant 0 : i32
    %scan3A_1 = arith.constant 80 : i32
    %scan3A_2 = arith.addi %scan3A, %scan3A_1 : i32
    %scan3A_3 = arith.constant 1 : i32
    scf.for %scan3A_71 = %scan3A to %scan3A_2 step %scan3A_3  : i32 {
      %broadcast_in_dim3A = arith.constant 0.000000e+00 : f32
      %broadcast_in_dim3A_72 = vector.broadcast %broadcast_in_dim3A : f32 to vector<16xf32>
      %mul3A_73 = arith.constant 8 : i32
      %mul3A_74 = arith.muli %scan3A_71, %mul3A_73 : i32
      %add3A_75 = arith.constant 0 : i32
      %add3A_76 = arith.addi %mul3A_74, %add3A_75 : i32
      %swap3A = arith.index_cast %add3A_76 : i32 to index
      %swap3A_77 = arith.constant 0 : index
      %swap3A_78 = tpu.vector_load %arg16[%swap3A, %swap3A_77] {strides = array<i32>} : memref<640x16xf32, #tpu.memory_space<vmem>>, vector<1x16xf32>,
      %swap3A_79 = vector.shape_cast %swap3A_78 : vector<1x16xf32> to vector<16xf32>
      %swap3A_80 = vector.shape_cast %broadcast_in_dim3A_72 : vector<16xf32> to vector<1x16xf32>
      tpu.vector_store %arg16[%swap3A, %swap3A_77], %swap3A_80 {strides = array<i32>} : memref<640x16xf32, #tpu.memory_space<vmem>>, vector<1x16xf32>,
      %broadcast_in_dim3A_81 = arith.constant 0.000000e+00 : f32
      %broadcast_in_dim3A_82 = vector.broadcast %broadcast_in_dim3A_81 : f32 to vector<16xf32>
      %mul3A_83 = arith.constant 8 : i32
      %mul3A_84 = arith.muli %scan3A_71, %mul3A_83 : i32
      %add3A_85 = arith.constant 1 : i32
      %add3A_86 = arith.addi %mul3A_84, %add3A_85 : i32
      %swap3A_87 = arith.index_cast %add3A_86 : i32 to index
      %swap3A_88 = arith.constant 0 : index
      %swap3A_89 = tpu.vector_load %arg16[%swap3A_87, %swap3A_88] {strides = array<i32>} : memref<640x16xf32, #tpu.memory_space<vmem>>, vector<1x16xf32>,
      %swap3A_90 = vector.shape_cast %swap3A_89 : vector<1x16xf32> to vector<16xf32>
      %swap3A_91 = vector.shape_cast %broadcast_in_dim3A_82 : vector<16xf32> to vector<1x16xf32>
      tpu.vector_store %arg16[%swap3A_87, %swap3A_88], %swap3A_91 {strides = array<i32>} : memref<640x16xf32, #tpu.memory_space<vmem>>, vector<1x16xf32>,
      %broadcast_in_dim3A_92 = arith.constant 0.000000e+00 : f32
      %broadcast_in_dim3A_93 = vector.broadcast %broadcast_in_dim3A_92 : f32 to vector<16xf32>
      %mul3A_94 = arith.constant 8 : i32
      %mul3A_95 = arith.muli %scan3A_71, %mul3A_94 : i32
      %add3A_96 = arith.constant 2 : i32
      %add3A_97 = arith.addi %mul3A_95, %add3A_96 : i32
      %swap3A_98 = arith.index_cast %add3A_97 : i32 to index
      %swap3A_99 = arith.constant 0 : index
      %swap3A_100 = tpu.vector_load %arg16[%swap3A_98, %swap3A_99] {strides = array<i32>} : memref<640x16xf32, #tpu.memory_space<vmem>>, vector<1x16xf32>,
      %swap3A_101 = vector.shape_cast %swap3A_100 : vector<1x16xf32> to vector<16xf32>
      %swap3A_102 = vector.shape_cast %broadcast_in_dim3A_93 : vector<16xf32> to vector<1x16xf32>
      tpu.vector_store %arg16[%swap3A_98, %swap3A_99], %swap3A_102 {strides = array<i32>} : memref<640x16xf32, #tpu.memory_space<vmem>>, vector<1x16xf32>,
      %broadcast_in_dim3A_103 = arith.constant 0.000000e+00 : f32
      %broadcast_in_dim3A_104 = vector.broadcast %broadcast_in_dim3A_103 : f32 to vector<16xf32>
      %mul3A_105 = arith.constant 8 : i32
      %mul3A_106 = arith.muli %scan3A_71, %mul3A_105 : i32
      %add3A_107 = arith.constant 3 : i32
      %add3A_108 = arith.addi %mul3A_106, %add3A_107 : i32
      %swap3A_109 = arith.index_cast %add3A_108 : i32 to index
      %swap3A_110 = arith.constant 0 : index
      %swap3A_111 = tpu.vector_load %arg16[%swap3A_109, %swap3A_110] {strides = array<i32>} : memref<640x16xf32, #tpu.memory_space<vmem>>, vector<1x16xf32>,
      %swap3A_112 = vector.shape_cast %swap3A_111 : vector<1x16xf32> to vector<16xf32>
      %swap3A_113 = vector.shape_cast %broadcast_in_dim3A_104 : vector<16xf32> to vector<1x16xf32>
      tpu.vector_store %arg16[%swap3A_109, %swap3A_110], %swap3A_113 {strides = array<i32>} : memref<640x16xf32, #tpu.memory_space<vmem>>, vector<1x16xf32>,
      %broadcast_in_dim3A_114 = arith.constant 0.000000e+00 : f32
      %broadcast_in_dim3A_115 = vector.broadcast %broadcast_in_dim3A_114 : f32 to vector<16xf32>
      %mul3A_116 = arith.constant 8 : i32
      %mul3A_117 = arith.muli %scan3A_71, %mul3A_116 : i32
      %add3A_118 = arith.constant 4 : i32
      %add3A_119 = arith.addi %mul3A_117, %add3A_118 : i32
      %swap3A_120 = arith.index_cast %add3A_119 : i32 to index
      %swap3A_121 = arith.constant 0 : index
      %swap3A_122 = tpu.vector_load %arg16[%swap3A_120, %swap3A_121] {strides = array<i32>} : memref<640x16xf32, #tpu.memory_space<vmem>>, vector<1x16xf32>,
      %swap3A_123 = vector.shape_cast %swap3A_122 : vector<1x16xf32> to vector<16xf32>
      %swap3A_124 = vector.shape_cast %broadcast_in_dim3A_115 : vector<16xf32> to vector<1x16xf32>
      tpu.vector_store %arg16[%swap3A_120, %swap3A_121], %swap3A_124 {strides = array<i32>} : memref<640x16xf32, #tpu.memory_space<vmem>>, vector<1x16xf32>,
      %broadcast_in_dim3A_125 = arith.constant 0.000000e+00 : f32
      %broadcast_in_dim3A_126 = vector.broadcast %broadcast_in_dim3A_125 : f32 to vector<16xf32>
      %mul3A_127 = arith.constant 8 : i32
      %mul3A_128 = arith.muli %scan3A_71, %mul3A_127 : i32
      %add3A_129 = arith.constant 5 : i32
      %add3A_130 = arith.addi %mul3A_128, %add3A_129 : i32
      %swap3A_131 = arith.index_cast %add3A_130 : i32 to index
      %swap3A_132 = arith.constant 0 : index
      %swap3A_133 = tpu.vector_load %arg16[%swap3A_131, %swap3A_132] {strides = array<i32>} : memref<640x16xf32, #tpu.memory_space<vmem>>, vector<1x16xf32>,
      %swap3A_134 = vector.shape_cast %swap3A_133 : vector<1x16xf32> to vector<16xf32>
      %swap3A_135 = vector.shape_cast %broadcast_in_dim3A_126 : vector<16xf32> to vector<1x16xf32>
      tpu.vector_store %arg16[%swap3A_131, %swap3A_132], %swap3A_135 {strides = array<i32>} : memref<640x16xf32, #tpu.memory_space<vmem>>, vector<1x16xf32>,
      %broadcast_in_dim3A_136 = arith.constant 0.000000e+00 : f32
      %broadcast_in_dim3A_137 = vector.broadcast %broadcast_in_dim3A_136 : f32 to vector<16xf32>
      %mul3A_138 = arith.constant 8 : i32
      %mul3A_139 = arith.muli %scan3A_71, %mul3A_138 : i32
      %add3A_140 = arith.constant 6 : i32
      %add3A_141 = arith.addi %mul3A_139, %add3A_140 : i32
      %swap3A_142 = arith.index_cast %add3A_141 : i32 to index
      %swap3A_143 = arith.constant 0 : index
      %swap3A_144 = tpu.vector_load %arg16[%swap3A_142, %swap3A_143] {strides = array<i32>} : memref<640x16xf32, #tpu.memory_space<vmem>>, vector<1x16xf32>,
      %swap3A_145 = vector.shape_cast %swap3A_144 : vector<1x16xf32> to vector<16xf32>
      %swap3A_146 = vector.shape_cast %broadcast_in_dim3A_137 : vector<16xf32> to vector<1x16xf32>
      tpu.vector_store %arg16[%swap3A_142, %swap3A_143], %swap3A_146 {strides = array<i32>} : memref<640x16xf32, #tpu.memory_space<vmem>>, vector<1x16xf32>,
      %broadcast_in_dim3A_147 = arith.constant 0.000000e+00 : f32
      %broadcast_in_dim3A_148 = vector.broadcast %broadcast_in_dim3A_147 : f32 to vector<16xf32>
      %mul3A_149 = arith.constant 8 : i32
      %mul3A_150 = arith.muli %scan3A_71, %mul3A_149 : i32
      %add3A_151 = arith.constant 7 : i32
      %add3A_152 = arith.addi %mul3A_150, %add3A_151 : i32
      %swap3A_153 = arith.index_cast %add3A_152 : i32 to index
      %swap3A_154 = arith.constant 0 : index
      %swap3A_155 = tpu.vector_load %arg16[%swap3A_153, %swap3A_154] {strides = array<i32>} : memref<640x16xf32, #tpu.memory_space<vmem>>, vector<1x16xf32>,
      %swap3A_156 = vector.shape_cast %swap3A_155 : vector<1x16xf32> to vector<16xf32>
      %swap3A_157 = vector.shape_cast %broadcast_in_dim3A_148 : vector<16xf32> to vector<1x16xf32>
      tpu.vector_store %arg16[%swap3A_153, %swap3A_154], %swap3A_157 {strides = array<i32>} : memref<640x16xf32, #tpu.memory_space<vmem>>, vector<1x16xf32>,
    }
    %scan3A_4 = arith.constant 80 : i32
    %mul3A_5 = arith.constant 640 : i32
    %mul3A_6 = arith.muli %arg1, %mul3A_5 : i32
    "tpu.region"() ({
      %run_scoped3A = tpu.sem_alloc : memref<!tpu.dma_semaphore, #tpu.memory_space<semaphore_mem>>
      %dma_start3A_71 = arith.constant 0 : i32
      %dma_start3A_72 = tpu.memref_slice %arg17[%mul3A_6, %dma_start3A_71] : memref<10240x16xf32, #tpu.memory_space<vmem_shared>> -> memref<640x16xf32, #tpu.memory_space<vmem_shared>>
      %dma_start3A_73 = arith.constant 0 : i32
      %dma_start3A_74 = tpu.memref_slice %arg17[%mul3A_6, %dma_start3A_73] : memref<10240x16xf32, #tpu.memory_space<vmem_shared>> -> memref<640x16xf32, #tpu.memory_space<vmem_shared>>
      tpu.enqueue_dma source(%arg16 : memref<640x16xf32, #tpu.memory_space<vmem>>) target(%dma_start3A_74 : memref<640x16xf32, #tpu.memory_space<vmem_shared>>) target_semaphore(%run_scoped3A : memref<!tpu.dma_semaphore, #tpu.memory_space<semaphore_mem>>)
      %dma_wait3A_75 = arith.constant 0 : i32
      %dma_wait3A_76 = tpu.memref_slice %arg17[%mul3A_6, %dma_wait3A_75] : memref<10240x16xf32, #tpu.memory_space<vmem_shared>> -> memref<640x16xf32, #tpu.memory_space<vmem_shared>>
      %dma_wait3A_77 = arith.constant 0 : i32
      %dma_wait3A_78 = tpu.memref_slice %arg17[%mul3A_6, %dma_wait3A_77] : memref<10240x16xf32, #tpu.memory_space<vmem_shared>> -> memref<640x16xf32, #tpu.memory_space<vmem_shared>>
      tpu.wait_dma2 semaphore(%run_scoped3A : memref<!tpu.dma_semaphore, #tpu.memory_space<semaphore_mem>>) src(%arg16 : memref<640x16xf32, #tpu.memory_space<vmem>>) dst(%dma_wait3A_78 : memref<640x16xf32, #tpu.memory_space<vmem_shared>>)
      tpu.yield
    }) : () -> ()
    %barrier3A = arith.constant 0 : index
    tpu.barrier barrier_id(%barrier3A)
    "tpu.region"() ({
      %run_scoped3A = tpu.sem_alloc : memref<!tpu.dma_semaphore, #tpu.memory_space<semaphore_mem>>
      %dma_start3A_71 = arith.constant 0 : i32
      %dma_start3A_72 = arith.constant 0 : i32
      %dma_start3A_73 = tpu.memref_slice %arg3[%add3A, %dma_start3A_71, %dma_start3A_72] : memref<32x80x128xi32, #tpu.memory_space<hbm>> -> memref<1x80x128xi32, #tpu.memory_space<hbm>>
      %dma_start3A_74 = tpu.memref_squeeze %dma_start3A_73 : memref<1x80x128xi32, #tpu.memory_space<hbm>> -> memref<80x128xi32, #tpu.memory_space<hbm>>
      %dma_start3A_75 = arith.constant 0 : i32
      %dma_start3A_76 = arith.constant 0 : i32
      %dma_start3A_77 = tpu.memref_slice %arg3[%add3A, %dma_start3A_75, %dma_start3A_76] : memref<32x80x128xi32, #tpu.memory_space<hbm>> -> memref<1x80x128xi32, #tpu.memory_space<hbm>>
      %dma_start3A_78 = tpu.memref_squeeze %dma_start3A_77 : memref<1x80x128xi32, #tpu.memory_space<hbm>> -> memref<80x128xi32, #tpu.memory_space<hbm>>
      tpu.enqueue_dma source(%dma_start3A_78 : memref<80x128xi32, #tpu.memory_space<hbm>>) target(%arg6 : memref<80x128xi32, #tpu.memory_space<vmem>>) target_semaphore(%run_scoped3A : memref<!tpu.dma_semaphore, #tpu.memory_space<semaphore_mem>>)
      %dma_wait3A_79 = arith.constant 0 : i32
      %dma_wait3A_80 = arith.constant 0 : i32
      %dma_wait3A_81 = tpu.memref_slice %arg3[%add3A, %dma_wait3A_79, %dma_wait3A_80] : memref<32x80x128xi32, #tpu.memory_space<hbm>> -> memref<1x80x128xi32, #tpu.memory_space<hbm>>
      %dma_wait3A_82 = tpu.memref_squeeze %dma_wait3A_81 : memref<1x80x128xi32, #tpu.memory_space<hbm>> -> memref<80x128xi32, #tpu.memory_space<hbm>>
      %dma_wait3A_83 = arith.constant 0 : i32
      %dma_wait3A_84 = arith.constant 0 : i32
      %dma_wait3A_85 = tpu.memref_slice %arg3[%add3A, %dma_wait3A_83, %dma_wait3A_84] : memref<32x80x128xi32, #tpu.memory_space<hbm>> -> memref<1x80x128xi32, #tpu.memory_space<hbm>>
      %dma_wait3A_86 = tpu.memref_squeeze %dma_wait3A_85 : memref<1x80x128xi32, #tpu.memory_space<hbm>> -> memref<80x128xi32, #tpu.memory_space<hbm>>
      tpu.wait_dma2 semaphore(%run_scoped3A : memref<!tpu.dma_semaphore, #tpu.memory_space<semaphore_mem>>) src(%dma_wait3A_86 : memref<80x128xi32, #tpu.memory_space<hbm>>) dst(%arg6 : memref<80x128xi32, #tpu.memory_space<vmem>>)
      tpu.yield
    }) : () -> ()
    "tpu.region"() ({
      %run_scoped3A = tpu.sem_alloc : memref<!tpu.dma_semaphore, #tpu.memory_space<semaphore_mem>>
      %dma_start3A_71 = arith.constant 0 : i32
      %dma_start3A_72 = arith.constant 0 : i32
      %dma_start3A_73 = tpu.memref_slice %arg4[%add3A, %dma_start3A_71, %dma_start3A_72] : memref<32x80x128xi32, #tpu.memory_space<hbm>> -> memref<1x80x128xi32, #tpu.memory_space<hbm>>
      %dma_start3A_74 = tpu.memref_squeeze %dma_start3A_73 : memref<1x80x128xi32, #tpu.memory_space<hbm>> -> memref<80x128xi32, #tpu.memory_space<hbm>>
      %dma_start3A_75 = arith.constant 0 : i32
      %dma_start3A_76 = arith.constant 0 : i32
      %dma_start3A_77 = tpu.memref_slice %arg4[%add3A, %dma_start3A_75, %dma_start3A_76] : memref<32x80x128xi32, #tpu.memory_space<hbm>> -> memref<1x80x128xi32, #tpu.memory_space<hbm>>
      %dma_start3A_78 = tpu.memref_squeeze %dma_start3A_77 : memref<1x80x128xi32, #tpu.memory_space<hbm>> -> memref<80x128xi32, #tpu.memory_space<hbm>>
      tpu.enqueue_dma source(%dma_start3A_78 : memref<80x128xi32, #tpu.memory_space<hbm>>) target(%arg7 : memref<80x128xi32, #tpu.memory_space<vmem>>) target_semaphore(%run_scoped3A : memref<!tpu.dma_semaphore, #tpu.memory_space<semaphore_mem>>)
      %dma_wait3A_79 = arith.constant 0 : i32
      %dma_wait3A_80 = arith.constant 0 : i32
      %dma_wait3A_81 = tpu.memref_slice %arg4[%add3A, %dma_wait3A_79, %dma_wait3A_80] : memref<32x80x128xi32, #tpu.memory_space<hbm>> -> memref<1x80x128xi32, #tpu.memory_space<hbm>>
      %dma_wait3A_82 = tpu.memref_squeeze %dma_wait3A_81 : memref<1x80x128xi32, #tpu.memory_space<hbm>> -> memref<80x128xi32, #tpu.memory_space<hbm>>
      %dma_wait3A_83 = arith.constant 0 : i32
      %dma_wait3A_84 = arith.constant 0 : i32
      %dma_wait3A_85 = tpu.memref_slice %arg4[%add3A, %dma_wait3A_83, %dma_wait3A_84] : memref<32x80x128xi32, #tpu.memory_space<hbm>> -> memref<1x80x128xi32, #tpu.memory_space<hbm>>
      %dma_wait3A_86 = tpu.memref_squeeze %dma_wait3A_85 : memref<1x80x128xi32, #tpu.memory_space<hbm>> -> memref<80x128xi32, #tpu.memory_space<hbm>>
      tpu.wait_dma2 semaphore(%run_scoped3A : memref<!tpu.dma_semaphore, #tpu.memory_space<semaphore_mem>>) src(%dma_wait3A_86 : memref<80x128xi32, #tpu.memory_space<hbm>>) dst(%arg7 : memref<80x128xi32, #tpu.memory_space<vmem>>)
      tpu.yield
    }) : () -> ()
    %dma_start3A = arith.constant 0 : i32
    %dma_start3A_7 = arith.constant 0 : i32
    %dma_start3A_8 = tpu.memref_slice %arg6[%dma_start3A, %dma_start3A_7] : memref<80x128xi32, #tpu.memory_space<vmem>> -> memref<1x128xi32, #tpu.memory_space<vmem>>
    %dma_start3A_9 = tpu.memref_squeeze %dma_start3A_8 : memref<1x128xi32, #tpu.memory_space<vmem>> -> memref<128xi32, #tpu.memory_space<vmem>>
    %dma_start3A_10 = arith.constant 0 : i32
    %dma_start3A_11 = arith.constant 0 : i32
    %dma_start3A_12 = tpu.memref_slice %arg2[%dma_start3A_10, %dma_start3A_11] : memref<10000x16xf32, #tpu.memory_space<hbm>> -> memref<10000x16xf32, #tpu.memory_space<hbm>>
    tpu.enqueue_indirect_dma source(%dma_start3A_12 : memref<10000x16xf32, #tpu.memory_space<hbm>>) target(%arg8 : memref<128x16xf32, #tpu.memory_space<vmem>>) offsets(%dma_start3A_9 : memref<128xi32, #tpu.memory_space<vmem>>) semaphore(%arg18 : memref<!tpu.dma_semaphore, #tpu.memory_space<semaphore_mem>>)
    %dma_start3A_13 = arith.constant 1 : i32
    %dma_start3A_14 = arith.constant 0 : i32
    %dma_start3A_15 = tpu.memref_slice %arg6[%dma_start3A_13, %dma_start3A_14] : memref<80x128xi32, #tpu.memory_space<vmem>> -> memref<1x128xi32, #tpu.memory_space<vmem>>
    %dma_start3A_16 = tpu.memref_squeeze %dma_start3A_15 : memref<1x128xi32, #tpu.memory_space<vmem>> -> memref<128xi32, #tpu.memory_space<vmem>>
    %dma_start3A_17 = arith.constant 0 : i32
    %dma_start3A_18 = arith.constant 0 : i32
    %dma_start3A_19 = tpu.memref_slice %arg2[%dma_start3A_17, %dma_start3A_18] : memref<10000x16xf32, #tpu.memory_space<hbm>> -> memref<10000x16xf32, #tpu.memory_space<hbm>>
    tpu.enqueue_indirect_dma source(%dma_start3A_19 : memref<10000x16xf32, #tpu.memory_space<hbm>>) target(%arg9 : memref<128x16xf32, #tpu.memory_space<vmem>>) offsets(%dma_start3A_16 : memref<128xi32, #tpu.memory_space<vmem>>) semaphore(%arg19 : memref<!tpu.dma_semaphore, #tpu.memory_space<semaphore_mem>>)
    %dma_start3A_20 = arith.constant 2 : i32
    %dma_start3A_21 = arith.constant 0 : i32
    %dma_start3A_22 = tpu.memref_slice %arg6[%dma_start3A_20, %dma_start3A_21] : memref<80x128xi32, #tpu.memory_space<vmem>> -> memref<1x128xi32, #tpu.memory_space<vmem>>
    %dma_start3A_23 = tpu.memref_squeeze %dma_start3A_22 : memref<1x128xi32, #tpu.memory_space<vmem>> -> memref<128xi32, #tpu.memory_space<vmem>>
    %dma_start3A_24 = arith.constant 0 : i32
    %dma_start3A_25 = arith.constant 0 : i32
    %dma_start3A_26 = tpu.memref_slice %arg2[%dma_start3A_24, %dma_start3A_25] : memref<10000x16xf32, #tpu.memory_space<hbm>> -> memref<10000x16xf32, #tpu.memory_space<hbm>>
    tpu.enqueue_indirect_dma source(%dma_start3A_26 : memref<10000x16xf32, #tpu.memory_space<hbm>>) target(%arg10 : memref<128x16xf32, #tpu.memory_space<vmem>>) offsets(%dma_start3A_23 : memref<128xi32, #tpu.memory_space<vmem>>) semaphore(%arg20 : memref<!tpu.dma_semaphore, #tpu.memory_space<semaphore_mem>>)
    %dma_start3A_27 = arith.constant 3 : i32
    %dma_start3A_28 = arith.constant 0 : i32
    %dma_start3A_29 = tpu.memref_slice %arg6[%dma_start3A_27, %dma_start3A_28] : memref<80x128xi32, #tpu.memory_space<vmem>> -> memref<1x128xi32, #tpu.memory_space<vmem>>
    %dma_start3A_30 = tpu.memref_squeeze %dma_start3A_29 : memref<1x128xi32, #tpu.memory_space<vmem>> -> memref<128xi32, #tpu.memory_space<vmem>>
    %dma_start3A_31 = arith.constant 0 : i32
    %dma_start3A_32 = arith.constant 0 : i32
    %dma_start3A_33 = tpu.memref_slice %arg2[%dma_start3A_31, %dma_start3A_32] : memref<10000x16xf32, #tpu.memory_space<hbm>> -> memref<10000x16xf32, #tpu.memory_space<hbm>>
    tpu.enqueue_indirect_dma source(%dma_start3A_33 : memref<10000x16xf32, #tpu.memory_space<hbm>>) target(%arg11 : memref<128x16xf32, #tpu.memory_space<vmem>>) offsets(%dma_start3A_30 : memref<128xi32, #tpu.memory_space<vmem>>) semaphore(%arg21 : memref<!tpu.dma_semaphore, #tpu.memory_space<semaphore_mem>>)
    %scan3A_34 = arith.constant 0 : i32
    %scan3A_35 = arith.constant 10 : i32
    %scan3A_36 = arith.addi %scan3A_34, %scan3A_35 : i32
    %scan3A_37 = arith.constant 1 : i32
    scf.for %scan3A_71 = %scan3A_34 to %scan3A_36 step %scan3A_37  : i32 {
      %mul3A_72 = arith.constant 8 : i32
      %mul3A_73 = arith.muli %scan3A_71, %mul3A_72 : i32
      %add3A_74 = arith.constant 0 : i32
      %add3A_75 = arith.addi %mul3A_73, %add3A_74 : i32
      %dma_wait3A_76 = arith.constant 0 : i32
      %dma_wait3A_77 = tpu.memref_slice %arg6[%add3A_75, %dma_wait3A_76] : memref<80x128xi32, #tpu.memory_space<vmem>> -> memref<1x128xi32, #tpu.memory_space<vmem>>
      %dma_wait3A_78 = tpu.memref_squeeze %dma_wait3A_77 : memref<1x128xi32, #tpu.memory_space<vmem>> -> memref<128xi32, #tpu.memory_space<vmem>>
      %dma_wait3A_79 = arith.constant 0 : i32
      %dma_wait3A_80 = arith.constant 0 : i32
      %dma_wait3A_81 = tpu.memref_slice %arg2[%dma_wait3A_79, %dma_wait3A_80] : memref<10000x16xf32, #tpu.memory_space<hbm>> -> memref<10000x16xf32, #tpu.memory_space<hbm>>
      tpu.wait_indirect_dma semaphore(%arg18 : memref<!tpu.dma_semaphore, #tpu.memory_space<semaphore_mem>>) src(%dma_wait3A_81 : memref<10000x16xf32, #tpu.memory_space<hbm>>) dst(%arg8 : memref<128x16xf32, #tpu.memory_space<vmem>>)
      %dma_start3A_82 = arith.constant 0 : i32
      %dma_start3A_83 = tpu.memref_slice %arg7[%add3A_75, %dma_start3A_82] : memref<80x128xi32, #tpu.memory_space<vmem>> -> memref<1x128xi32, #tpu.memory_space<vmem>>
      %dma_start3A_84 = tpu.memref_squeeze %dma_start3A_83 : memref<1x128xi32, #tpu.memory_space<vmem>> -> memref<128xi32, #tpu.memory_space<vmem>>
      %dma_start3A_85 = arith.constant 0 : i32
      %dma_start3A_86 = arith.constant 0 : i32
      %dma_start3A_87 = tpu.memref_slice %arg17[%dma_start3A_85, %dma_start3A_86] : memref<10240x16xf32, #tpu.memory_space<vmem_shared>> -> memref<10240x16xf32, #tpu.memory_space<vmem_shared>>
      tpu.enqueue_indirect_dma source(%arg8 : memref<128x16xf32, #tpu.memory_space<vmem>>) target(%dma_start3A_87 : memref<10240x16xf32, #tpu.memory_space<vmem_shared>>) offsets(%dma_start3A_84 : memref<128xi32, #tpu.memory_space<vmem>>) semaphore(%arg26 : memref<!tpu.dma_semaphore, #tpu.memory_space<semaphore_mem>>) {add = true}
      %ge3A = arith.constant 4 : i32
      %ge3A_88 = arith.cmpi sge, %add3A_75, %ge3A : i32
      %convert_element_type3A = arith.extui %ge3A_88 : i1 to i32
      %cond3A = arith.constant 0 : i32
      %cond3A_89 = arith.cmpi ne, %convert_element_type3A, %cond3A : i32
      scf.if %cond3A_89 {
        %sub3A = arith.constant 4 : i32
        %sub3A_292 = arith.subi %add3A_75, %sub3A : i32
        %dma_wait3A_293 = arith.constant 0 : i32
        %dma_wait3A_294 = tpu.memref_slice %arg7[%sub3A_292, %dma_wait3A_293] : memref<80x128xi32, #tpu.memory_space<vmem>> -> memref<1x128xi32, #tpu.memory_space<vmem>>
        %dma_wait3A_295 = tpu.memref_squeeze %dma_wait3A_294 : memref<1x128xi32, #tpu.memory_space<vmem>> -> memref<128xi32, #tpu.memory_space<vmem>>
        %dma_wait3A_296 = arith.constant 0 : i32
        %dma_wait3A_297 = arith.constant 0 : i32
        %dma_wait3A_298 = tpu.memref_slice %arg17[%dma_wait3A_296, %dma_wait3A_297] : memref<10240x16xf32, #tpu.memory_space<vmem_shared>> -> memref<10240x16xf32, #tpu.memory_space<vmem_shared>>
        tpu.wait_indirect_dma semaphore(%arg30 : memref<!tpu.dma_semaphore, #tpu.memory_space<semaphore_mem>>) src(%arg12 : memref<128x16xf32, #tpu.memory_space<vmem>>) dst(%dma_wait3A_298 : memref<10240x16xf32, #tpu.memory_space<vmem_shared>>)
      } else {
      }
      %add3A_90 = arith.constant 4 : i32
      %add3A_91 = arith.addi %add3A_75, %add3A_90 : i32
      %lt3A = arith.constant 80 : i32
      %lt3A_92 = arith.cmpi slt, %add3A_91, %lt3A : i32
      %convert_element_type3A_93 = arith.extui %lt3A_92 : i1 to i32
      %cond3A_94 = arith.constant 0 : i32
      %cond3A_95 = arith.cmpi ne, %convert_element_type3A_93, %cond3A_94 : i32
      scf.if %cond3A_95 {
        %add3A_292 = arith.constant 4 : i32
        %add3A_293 = arith.addi %add3A_75, %add3A_292 : i32
        %dma_start3A_294 = arith.constant 0 : i32
        %dma_start3A_295 = tpu.memref_slice %arg6[%add3A_293, %dma_start3A_294] : memref<80x128xi32, #tpu.memory_space<vmem>> -> memref<1x128xi32, #tpu.memory_space<vmem>>
        %dma_start3A_296 = tpu.memref_squeeze %dma_start3A_295 : memref<1x128xi32, #tpu.memory_space<vmem>> -> memref<128xi32, #tpu.memory_space<vmem>>
        %dma_start3A_297 = arith.constant 0 : i32
        %dma_start3A_298 = arith.constant 0 : i32
        %dma_start3A_299 = tpu.memref_slice %arg2[%dma_start3A_297, %dma_start3A_298] : memref<10000x16xf32, #tpu.memory_space<hbm>> -> memref<10000x16xf32, #tpu.memory_space<hbm>>
        tpu.enqueue_indirect_dma source(%dma_start3A_299 : memref<10000x16xf32, #tpu.memory_space<hbm>>) target(%arg12 : memref<128x16xf32, #tpu.memory_space<vmem>>) offsets(%dma_start3A_296 : memref<128xi32, #tpu.memory_space<vmem>>) semaphore(%arg22 : memref<!tpu.dma_semaphore, #tpu.memory_space<semaphore_mem>>)
      } else {
      }
      %mul3A_96 = arith.constant 8 : i32
      %mul3A_97 = arith.muli %scan3A_71, %mul3A_96 : i32
      %add3A_98 = arith.constant 1 : i32
      %add3A_99 = arith.addi %mul3A_97, %add3A_98 : i32
      %dma_wait3A_100 = arith.constant 0 : i32
      %dma_wait3A_101 = tpu.memref_slice %arg6[%add3A_99, %dma_wait3A_100] : memref<80x128xi32, #tpu.memory_space<vmem>> -> memref<1x128xi32, #tpu.memory_space<vmem>>
      %dma_wait3A_102 = tpu.memref_squeeze %dma_wait3A_101 : memref<1x128xi32, #tpu.memory_space<vmem>> -> memref<128xi32, #tpu.memory_space<vmem>>
      %dma_wait3A_103 = arith.constant 0 : i32
      %dma_wait3A_104 = arith.constant 0 : i32
      %dma_wait3A_105 = tpu.memref_slice %arg2[%dma_wait3A_103, %dma_wait3A_104] : memref<10000x16xf32, #tpu.memory_space<hbm>> -> memref<10000x16xf32, #tpu.memory_space<hbm>>
      tpu.wait_indirect_dma semaphore(%arg19 : memref<!tpu.dma_semaphore, #tpu.memory_space<semaphore_mem>>) src(%dma_wait3A_105 : memref<10000x16xf32, #tpu.memory_space<hbm>>) dst(%arg9 : memref<128x16xf32, #tpu.memory_space<vmem>>)
      %dma_start3A_106 = arith.constant 0 : i32
      %dma_start3A_107 = tpu.memref_slice %arg7[%add3A_99, %dma_start3A_106] : memref<80x128xi32, #tpu.memory_space<vmem>> -> memref<1x128xi32, #tpu.memory_space<vmem>>
      %dma_start3A_108 = tpu.memref_squeeze %dma_start3A_107 : memref<1x128xi32, #tpu.memory_space<vmem>> -> memref<128xi32, #tpu.memory_space<vmem>>
      %dma_start3A_109 = arith.constant 0 : i32
      %dma_start3A_110 = arith.constant 0 : i32
      %dma_start3A_111 = tpu.memref_slice %arg17[%dma_start3A_109, %dma_start3A_110] : memref<10240x16xf32, #tpu.memory_space<vmem_shared>> -> memref<10240x16xf32, #tpu.memory_space<vmem_shared>>
      tpu.enqueue_indirect_dma source(%arg9 : memref<128x16xf32, #tpu.memory_space<vmem>>) target(%dma_start3A_111 : memref<10240x16xf32, #tpu.memory_space<vmem_shared>>) offsets(%dma_start3A_108 : memref<128xi32, #tpu.memory_space<vmem>>) semaphore(%arg27 : memref<!tpu.dma_semaphore, #tpu.memory_space<semaphore_mem>>) {add = true}
      %ge3A_112 = arith.constant 4 : i32
      %ge3A_113 = arith.cmpi sge, %add3A_99, %ge3A_112 : i32
      %convert_element_type3A_114 = arith.extui %ge3A_113 : i1 to i32
      %cond3A_115 = arith.constant 0 : i32
      %cond3A_116 = arith.cmpi ne, %convert_element_type3A_114, %cond3A_115 : i32
      scf.if %cond3A_116 {
        %sub3A = arith.constant 4 : i32
        %sub3A_292 = arith.subi %add3A_99, %sub3A : i32
        %dma_wait3A_293 = arith.constant 0 : i32
        %dma_wait3A_294 = tpu.memref_slice %arg7[%sub3A_292, %dma_wait3A_293] : memref<80x128xi32, #tpu.memory_space<vmem>> -> memref<1x128xi32, #tpu.memory_space<vmem>>
        %dma_wait3A_295 = tpu.memref_squeeze %dma_wait3A_294 : memref<1x128xi32, #tpu.memory_space<vmem>> -> memref<128xi32, #tpu.memory_space<vmem>>
        %dma_wait3A_296 = arith.constant 0 : i32
        %dma_wait3A_297 = arith.constant 0 : i32
        %dma_wait3A_298 = tpu.memref_slice %arg17[%dma_wait3A_296, %dma_wait3A_297] : memref<10240x16xf32, #tpu.memory_space<vmem_shared>> -> memref<10240x16xf32, #tpu.memory_space<vmem_shared>>
        tpu.wait_indirect_dma semaphore(%arg31 : memref<!tpu.dma_semaphore, #tpu.memory_space<semaphore_mem>>) src(%arg13 : memref<128x16xf32, #tpu.memory_space<vmem>>) dst(%dma_wait3A_298 : memref<10240x16xf32, #tpu.memory_space<vmem_shared>>)
      } else {
      }
      %add3A_117 = arith.constant 4 : i32
      %add3A_118 = arith.addi %add3A_99, %add3A_117 : i32
      %lt3A_119 = arith.constant 80 : i32
      %lt3A_120 = arith.cmpi slt, %add3A_118, %lt3A_119 : i32
      %convert_element_type3A_121 = arith.extui %lt3A_120 : i1 to i32
      %cond3A_122 = arith.constant 0 : i32
      %cond3A_123 = arith.cmpi ne, %convert_element_type3A_121, %cond3A_122 : i32
      scf.if %cond3A_123 {
        %add3A_292 = arith.constant 4 : i32
        %add3A_293 = arith.addi %add3A_99, %add3A_292 : i32
        %dma_start3A_294 = arith.constant 0 : i32
        %dma_start3A_295 = tpu.memref_slice %arg6[%add3A_293, %dma_start3A_294] : memref<80x128xi32, #tpu.memory_space<vmem>> -> memref<1x128xi32, #tpu.memory_space<vmem>>
        %dma_start3A_296 = tpu.memref_squeeze %dma_start3A_295 : memref<1x128xi32, #tpu.memory_space<vmem>> -> memref<128xi32, #tpu.memory_space<vmem>>
        %dma_start3A_297 = arith.constant 0 : i32
        %dma_start3A_298 = arith.constant 0 : i32
        %dma_start3A_299 = tpu.memref_slice %arg2[%dma_start3A_297, %dma_start3A_298] : memref<10000x16xf32, #tpu.memory_space<hbm>> -> memref<10000x16xf32, #tpu.memory_space<hbm>>
        tpu.enqueue_indirect_dma source(%dma_start3A_299 : memref<10000x16xf32, #tpu.memory_space<hbm>>) target(%arg13 : memref<128x16xf32, #tpu.memory_space<vmem>>) offsets(%dma_start3A_296 : memref<128xi32, #tpu.memory_space<vmem>>) semaphore(%arg23 : memref<!tpu.dma_semaphore, #tpu.memory_space<semaphore_mem>>)
      } else {
      }
      %mul3A_124 = arith.constant 8 : i32
      %mul3A_125 = arith.muli %scan3A_71, %mul3A_124 : i32
      %add3A_126 = arith.constant 2 : i32
      %add3A_127 = arith.addi %mul3A_125, %add3A_126 : i32
      %dma_wait3A_128 = arith.constant 0 : i32
      %dma_wait3A_129 = tpu.memref_slice %arg6[%add3A_127, %dma_wait3A_128] : memref<80x128xi32, #tpu.memory_space<vmem>> -> memref<1x128xi32, #tpu.memory_space<vmem>>
      %dma_wait3A_130 = tpu.memref_squeeze %dma_wait3A_129 : memref<1x128xi32, #tpu.memory_space<vmem>> -> memref<128xi32, #tpu.memory_space<vmem>>
      %dma_wait3A_131 = arith.constant 0 : i32
      %dma_wait3A_132 = arith.constant 0 : i32
      %dma_wait3A_133 = tpu.memref_slice %arg2[%dma_wait3A_131, %dma_wait3A_132] : memref<10000x16xf32, #tpu.memory_space<hbm>> -> memref<10000x16xf32, #tpu.memory_space<hbm>>
      tpu.wait_indirect_dma semaphore(%arg20 : memref<!tpu.dma_semaphore, #tpu.memory_space<semaphore_mem>>) src(%dma_wait3A_133 : memref<10000x16xf32, #tpu.memory_space<hbm>>) dst(%arg10 : memref<128x16xf32, #tpu.memory_space<vmem>>)
      %dma_start3A_134 = arith.constant 0 : i32
      %dma_start3A_135 = tpu.memref_slice %arg7[%add3A_127, %dma_start3A_134] : memref<80x128xi32, #tpu.memory_space<vmem>> -> memref<1x128xi32, #tpu.memory_space<vmem>>
      %dma_start3A_136 = tpu.memref_squeeze %dma_start3A_135 : memref<1x128xi32, #tpu.memory_space<vmem>> -> memref<128xi32, #tpu.memory_space<vmem>>
      %dma_start3A_137 = arith.constant 0 : i32
      %dma_start3A_138 = arith.constant 0 : i32
      %dma_start3A_139 = tpu.memref_slice %arg17[%dma_start3A_137, %dma_start3A_138] : memref<10240x16xf32, #tpu.memory_space<vmem_shared>> -> memref<10240x16xf32, #tpu.memory_space<vmem_shared>>
      tpu.enqueue_indirect_dma source(%arg10 : memref<128x16xf32, #tpu.memory_space<vmem>>) target(%dma_start3A_139 : memref<10240x16xf32, #tpu.memory_space<vmem_shared>>) offsets(%dma_start3A_136 : memref<128xi32, #tpu.memory_space<vmem>>) semaphore(%arg28 : memref<!tpu.dma_semaphore, #tpu.memory_space<semaphore_mem>>) {add = true}
      %ge3A_140 = arith.constant 4 : i32
      %ge3A_141 = arith.cmpi sge, %add3A_127, %ge3A_140 : i32
      %convert_element_type3A_142 = arith.extui %ge3A_141 : i1 to i32
      %cond3A_143 = arith.constant 0 : i32
      %cond3A_144 = arith.cmpi ne, %convert_element_type3A_142, %cond3A_143 : i32
      scf.if %cond3A_144 {
        %sub3A = arith.constant 4 : i32
        %sub3A_292 = arith.subi %add3A_127, %sub3A : i32
        %dma_wait3A_293 = arith.constant 0 : i32
        %dma_wait3A_294 = tpu.memref_slice %arg7[%sub3A_292, %dma_wait3A_293] : memref<80x128xi32, #tpu.memory_space<vmem>> -> memref<1x128xi32, #tpu.memory_space<vmem>>
        %dma_wait3A_295 = tpu.memref_squeeze %dma_wait3A_294 : memref<1x128xi32, #tpu.memory_space<vmem>> -> memref<128xi32, #tpu.memory_space<vmem>>
        %dma_wait3A_296 = arith.constant 0 : i32
        %dma_wait3A_297 = arith.constant 0 : i32
        %dma_wait3A_298 = tpu.memref_slice %arg17[%dma_wait3A_296, %dma_wait3A_297] : memref<10240x16xf32, #tpu.memory_space<vmem_shared>> -> memref<10240x16xf32, #tpu.memory_space<vmem_shared>>
        tpu.wait_indirect_dma semaphore(%arg32 : memref<!tpu.dma_semaphore, #tpu.memory_space<semaphore_mem>>) src(%arg14 : memref<128x16xf32, #tpu.memory_space<vmem>>) dst(%dma_wait3A_298 : memref<10240x16xf32, #tpu.memory_space<vmem_shared>>)
      } else {
      }
      %add3A_145 = arith.constant 4 : i32
      %add3A_146 = arith.addi %add3A_127, %add3A_145 : i32
      %lt3A_147 = arith.constant 80 : i32
      %lt3A_148 = arith.cmpi slt, %add3A_146, %lt3A_147 : i32
      %convert_element_type3A_149 = arith.extui %lt3A_148 : i1 to i32
      %cond3A_150 = arith.constant 0 : i32
      %cond3A_151 = arith.cmpi ne, %convert_element_type3A_149, %cond3A_150 : i32
      scf.if %cond3A_151 {
        %add3A_292 = arith.constant 4 : i32
        %add3A_293 = arith.addi %add3A_127, %add3A_292 : i32
        %dma_start3A_294 = arith.constant 0 : i32
        %dma_start3A_295 = tpu.memref_slice %arg6[%add3A_293, %dma_start3A_294] : memref<80x128xi32, #tpu.memory_space<vmem>> -> memref<1x128xi32, #tpu.memory_space<vmem>>
        %dma_start3A_296 = tpu.memref_squeeze %dma_start3A_295 : memref<1x128xi32, #tpu.memory_space<vmem>> -> memref<128xi32, #tpu.memory_space<vmem>>
        %dma_start3A_297 = arith.constant 0 : i32
        %dma_start3A_298 = arith.constant 0 : i32
        %dma_start3A_299 = tpu.memref_slice %arg2[%dma_start3A_297, %dma_start3A_298] : memref<10000x16xf32, #tpu.memory_space<hbm>> -> memref<10000x16xf32, #tpu.memory_space<hbm>>
        tpu.enqueue_indirect_dma source(%dma_start3A_299 : memref<10000x16xf32, #tpu.memory_space<hbm>>) target(%arg14 : memref<128x16xf32, #tpu.memory_space<vmem>>) offsets(%dma_start3A_296 : memref<128xi32, #tpu.memory_space<vmem>>) semaphore(%arg24 : memref<!tpu.dma_semaphore, #tpu.memory_space<semaphore_mem>>)
      } else {
      }
      %mul3A_152 = arith.constant 8 : i32
      %mul3A_153 = arith.muli %scan3A_71, %mul3A_152 : i32
      %add3A_154 = arith.constant 3 : i32
      %add3A_155 = arith.addi %mul3A_153, %add3A_154 : i32
      %dma_wait3A_156 = arith.constant 0 : i32
      %dma_wait3A_157 = tpu.memref_slice %arg6[%add3A_155, %dma_wait3A_156] : memref<80x128xi32, #tpu.memory_space<vmem>> -> memref<1x128xi32, #tpu.memory_space<vmem>>
      %dma_wait3A_158 = tpu.memref_squeeze %dma_wait3A_157 : memref<1x128xi32, #tpu.memory_space<vmem>> -> memref<128xi32, #tpu.memory_space<vmem>>
      %dma_wait3A_159 = arith.constant 0 : i32
      %dma_wait3A_160 = arith.constant 0 : i32
      %dma_wait3A_161 = tpu.memref_slice %arg2[%dma_wait3A_159, %dma_wait3A_160] : memref<10000x16xf32, #tpu.memory_space<hbm>> -> memref<10000x16xf32, #tpu.memory_space<hbm>>
      tpu.wait_indirect_dma semaphore(%arg21 : memref<!tpu.dma_semaphore, #tpu.memory_space<semaphore_mem>>) src(%dma_wait3A_161 : memref<10000x16xf32, #tpu.memory_space<hbm>>) dst(%arg11 : memref<128x16xf32, #tpu.memory_space<vmem>>)
      %dma_start3A_162 = arith.constant 0 : i32
      %dma_start3A_163 = tpu.memref_slice %arg7[%add3A_155, %dma_start3A_162] : memref<80x128xi32, #tpu.memory_space<vmem>> -> memref<1x128xi32, #tpu.memory_space<vmem>>
      %dma_start3A_164 = tpu.memref_squeeze %dma_start3A_163 : memref<1x128xi32, #tpu.memory_space<vmem>> -> memref<128xi32, #tpu.memory_space<vmem>>
      %dma_start3A_165 = arith.constant 0 : i32
      %dma_start3A_166 = arith.constant 0 : i32
      %dma_start3A_167 = tpu.memref_slice %arg17[%dma_start3A_165, %dma_start3A_166] : memref<10240x16xf32, #tpu.memory_space<vmem_shared>> -> memref<10240x16xf32, #tpu.memory_space<vmem_shared>>
      tpu.enqueue_indirect_dma source(%arg11 : memref<128x16xf32, #tpu.memory_space<vmem>>) target(%dma_start3A_167 : memref<10240x16xf32, #tpu.memory_space<vmem_shared>>) offsets(%dma_start3A_164 : memref<128xi32, #tpu.memory_space<vmem>>) semaphore(%arg29 : memref<!tpu.dma_semaphore, #tpu.memory_space<semaphore_mem>>) {add = true}
      %ge3A_168 = arith.constant 4 : i32
      %ge3A_169 = arith.cmpi sge, %add3A_155, %ge3A_168 : i32
      %convert_element_type3A_170 = arith.extui %ge3A_169 : i1 to i32
      %cond3A_171 = arith.constant 0 : i32
      %cond3A_172 = arith.cmpi ne, %convert_element_type3A_170, %cond3A_171 : i32
      scf.if %cond3A_172 {
        %sub3A = arith.constant 4 : i32
        %sub3A_292 = arith.subi %add3A_155, %sub3A : i32
        %dma_wait3A_293 = arith.constant 0 : i32
        %dma_wait3A_294 = tpu.memref_slice %arg7[%sub3A_292, %dma_wait3A_293] : memref<80x128xi32, #tpu.memory_space<vmem>> -> memref<1x128xi32, #tpu.memory_space<vmem>>
        %dma_wait3A_295 = tpu.memref_squeeze %dma_wait3A_294 : memref<1x128xi32, #tpu.memory_space<vmem>> -> memref<128xi32, #tpu.memory_space<vmem>>
        %dma_wait3A_296 = arith.constant 0 : i32
        %dma_wait3A_297 = arith.constant 0 : i32
        %dma_wait3A_298 = tpu.memref_slice %arg17[%dma_wait3A_296, %dma_wait3A_297] : memref<10240x16xf32, #tpu.memory_space<vmem_shared>> -> memref<10240x16xf32, #tpu.memory_space<vmem_shared>>
        tpu.wait_indirect_dma semaphore(%arg33 : memref<!tpu.dma_semaphore, #tpu.memory_space<semaphore_mem>>) src(%arg15 : memref<128x16xf32, #tpu.memory_space<vmem>>) dst(%dma_wait3A_298 : memref<10240x16xf32, #tpu.memory_space<vmem_shared>>)
      } else {
      }
      %add3A_173 = arith.constant 4 : i32
      %add3A_174 = arith.addi %add3A_155, %add3A_173 : i32
      %lt3A_175 = arith.constant 80 : i32
      %lt3A_176 = arith.cmpi slt, %add3A_174, %lt3A_175 : i32
      %convert_element_type3A_177 = arith.extui %lt3A_176 : i1 to i32
      %cond3A_178 = arith.constant 0 : i32
      %cond3A_179 = arith.cmpi ne, %convert_element_type3A_177, %cond3A_178 : i32
      scf.if %cond3A_179 {
        %add3A_292 = arith.constant 4 : i32
        %add3A_293 = arith.addi %add3A_155, %add3A_292 : i32
        %dma_start3A_294 = arith.constant 0 : i32
        %dma_start3A_295 = tpu.memref_slice %arg6[%add3A_293, %dma_start3A_294] : memref<80x128xi32, #tpu.memory_space<vmem>> -> memref<1x128xi32, #tpu.memory_space<vmem>>
        %dma_start3A_296 = tpu.memref_squeeze %dma_start3A_295 : memref<1x128xi32, #tpu.memory_space<vmem>> -> memref<128xi32, #tpu.memory_space<vmem>>
        %dma_start3A_297 = arith.constant 0 : i32
        %dma_start3A_298 = arith.constant 0 : i32
        %dma_start3A_299 = tpu.memref_slice %arg2[%dma_start3A_297, %dma_start3A_298] : memref<10000x16xf32, #tpu.memory_space<hbm>> -> memref<10000x16xf32, #tpu.memory_space<hbm>>
        tpu.enqueue_indirect_dma source(%dma_start3A_299 : memref<10000x16xf32, #tpu.memory_space<hbm>>) target(%arg15 : memref<128x16xf32, #tpu.memory_space<vmem>>) offsets(%dma_start3A_296 : memref<128xi32, #tpu.memory_space<vmem>>) semaphore(%arg25 : memref<!tpu.dma_semaphore, #tpu.memory_space<semaphore_mem>>)
      } else {
      }
      %mul3A_180 = arith.constant 8 : i32
      %mul3A_181 = arith.muli %scan3A_71, %mul3A_180 : i32
      %add3A_182 = arith.constant 4 : i32
      %add3A_183 = arith.addi %mul3A_181, %add3A_182 : i32
      %dma_wait3A_184 = arith.constant 0 : i32
      %dma_wait3A_185 = tpu.memref_slice %arg6[%add3A_183, %dma_wait3A_184] : memref<80x128xi32, #tpu.memory_space<vmem>> -> memref<1x128xi32, #tpu.memory_space<vmem>>
      %dma_wait3A_186 = tpu.memref_squeeze %dma_wait3A_185 : memref<1x128xi32, #tpu.memory_space<vmem>> -> memref<128xi32, #tpu.memory_space<vmem>>
      %dma_wait3A_187 = arith.constant 0 : i32
      %dma_wait3A_188 = arith.constant 0 : i32
      %dma_wait3A_189 = tpu.memref_slice %arg2[%dma_wait3A_187, %dma_wait3A_188] : memref<10000x16xf32, #tpu.memory_space<hbm>> -> memref<10000x16xf32, #tpu.memory_space<hbm>>
      tpu.wait_indirect_dma semaphore(%arg22 : memref<!tpu.dma_semaphore, #tpu.memory_space<semaphore_mem>>) src(%dma_wait3A_189 : memref<10000x16xf32, #tpu.memory_space<hbm>>) dst(%arg12 : memref<128x16xf32, #tpu.memory_space<vmem>>)
      %dma_start3A_190 = arith.constant 0 : i32
      %dma_start3A_191 = tpu.memref_slice %arg7[%add3A_183, %dma_start3A_190] : memref<80x128xi32, #tpu.memory_space<vmem>> -> memref<1x128xi32, #tpu.memory_space<vmem>>
      %dma_start3A_192 = tpu.memref_squeeze %dma_start3A_191 : memref<1x128xi32, #tpu.memory_space<vmem>> -> memref<128xi32, #tpu.memory_space<vmem>>
      %dma_start3A_193 = arith.constant 0 : i32
      %dma_start3A_194 = arith.constant 0 : i32
      %dma_start3A_195 = tpu.memref_slice %arg17[%dma_start3A_193, %dma_start3A_194] : memref<10240x16xf32, #tpu.memory_space<vmem_shared>> -> memref<10240x16xf32, #tpu.memory_space<vmem_shared>>
      tpu.enqueue_indirect_dma source(%arg12 : memref<128x16xf32, #tpu.memory_space<vmem>>) target(%dma_start3A_195 : memref<10240x16xf32, #tpu.memory_space<vmem_shared>>) offsets(%dma_start3A_192 : memref<128xi32, #tpu.memory_space<vmem>>) semaphore(%arg30 : memref<!tpu.dma_semaphore, #tpu.memory_space<semaphore_mem>>) {add = true}
      %ge3A_196 = arith.constant 4 : i32
      %ge3A_197 = arith.cmpi sge, %add3A_183, %ge3A_196 : i32
      %convert_element_type3A_198 = arith.extui %ge3A_197 : i1 to i32
      %cond3A_199 = arith.constant 0 : i32
      %cond3A_200 = arith.cmpi ne, %convert_element_type3A_198, %cond3A_199 : i32
      scf.if %cond3A_200 {
        %sub3A = arith.constant 4 : i32
        %sub3A_292 = arith.subi %add3A_183, %sub3A : i32
        %dma_wait3A_293 = arith.constant 0 : i32
        %dma_wait3A_294 = tpu.memref_slice %arg7[%sub3A_292, %dma_wait3A_293] : memref<80x128xi32, #tpu.memory_space<vmem>> -> memref<1x128xi32, #tpu.memory_space<vmem>>
        %dma_wait3A_295 = tpu.memref_squeeze %dma_wait3A_294 : memref<1x128xi32, #tpu.memory_space<vmem>> -> memref<128xi32, #tpu.memory_space<vmem>>
        %dma_wait3A_296 = arith.constant 0 : i32
        %dma_wait3A_297 = arith.constant 0 : i32
        %dma_wait3A_298 = tpu.memref_slice %arg17[%dma_wait3A_296, %dma_wait3A_297] : memref<10240x16xf32, #tpu.memory_space<vmem_shared>> -> memref<10240x16xf32, #tpu.memory_space<vmem_shared>>
        tpu.wait_indirect_dma semaphore(%arg26 : memref<!tpu.dma_semaphore, #tpu.memory_space<semaphore_mem>>) src(%arg8 : memref<128x16xf32, #tpu.memory_space<vmem>>) dst(%dma_wait3A_298 : memref<10240x16xf32, #tpu.memory_space<vmem_shared>>)
      } else {
      }
      %add3A_201 = arith.constant 4 : i32
      %add3A_202 = arith.addi %add3A_183, %add3A_201 : i32
      %lt3A_203 = arith.constant 80 : i32
      %lt3A_204 = arith.cmpi slt, %add3A_202, %lt3A_203 : i32
      %convert_element_type3A_205 = arith.extui %lt3A_204 : i1 to i32
      %cond3A_206 = arith.constant 0 : i32
      %cond3A_207 = arith.cmpi ne, %convert_element_type3A_205, %cond3A_206 : i32
      scf.if %cond3A_207 {
        %add3A_292 = arith.constant 4 : i32
        %add3A_293 = arith.addi %add3A_183, %add3A_292 : i32
        %dma_start3A_294 = arith.constant 0 : i32
        %dma_start3A_295 = tpu.memref_slice %arg6[%add3A_293, %dma_start3A_294] : memref<80x128xi32, #tpu.memory_space<vmem>> -> memref<1x128xi32, #tpu.memory_space<vmem>>
        %dma_start3A_296 = tpu.memref_squeeze %dma_start3A_295 : memref<1x128xi32, #tpu.memory_space<vmem>> -> memref<128xi32, #tpu.memory_space<vmem>>
        %dma_start3A_297 = arith.constant 0 : i32
        %dma_start3A_298 = arith.constant 0 : i32
        %dma_start3A_299 = tpu.memref_slice %arg2[%dma_start3A_297, %dma_start3A_298] : memref<10000x16xf32, #tpu.memory_space<hbm>> -> memref<10000x16xf32, #tpu.memory_space<hbm>>
        tpu.enqueue_indirect_dma source(%dma_start3A_299 : memref<10000x16xf32, #tpu.memory_space<hbm>>) target(%arg8 : memref<128x16xf32, #tpu.memory_space<vmem>>) offsets(%dma_start3A_296 : memref<128xi32, #tpu.memory_space<vmem>>) semaphore(%arg18 : memref<!tpu.dma_semaphore, #tpu.memory_space<semaphore_mem>>)
      } else {
      }
      %mul3A_208 = arith.constant 8 : i32
      %mul3A_209 = arith.muli %scan3A_71, %mul3A_208 : i32
      %add3A_210 = arith.constant 5 : i32
      %add3A_211 = arith.addi %mul3A_209, %add3A_210 : i32
      %dma_wait3A_212 = arith.constant 0 : i32
      %dma_wait3A_213 = tpu.memref_slice %arg6[%add3A_211, %dma_wait3A_212] : memref<80x128xi32, #tpu.memory_space<vmem>> -> memref<1x128xi32, #tpu.memory_space<vmem>>
      %dma_wait3A_214 = tpu.memref_squeeze %dma_wait3A_213 : memref<1x128xi32, #tpu.memory_space<vmem>> -> memref<128xi32, #tpu.memory_space<vmem>>
      %dma_wait3A_215 = arith.constant 0 : i32
      %dma_wait3A_216 = arith.constant 0 : i32
      %dma_wait3A_217 = tpu.memref_slice %arg2[%dma_wait3A_215, %dma_wait3A_216] : memref<10000x16xf32, #tpu.memory_space<hbm>> -> memref<10000x16xf32, #tpu.memory_space<hbm>>
      tpu.wait_indirect_dma semaphore(%arg23 : memref<!tpu.dma_semaphore, #tpu.memory_space<semaphore_mem>>) src(%dma_wait3A_217 : memref<10000x16xf32, #tpu.memory_space<hbm>>) dst(%arg13 : memref<128x16xf32, #tpu.memory_space<vmem>>)
      %dma_start3A_218 = arith.constant 0 : i32
      %dma_start3A_219 = tpu.memref_slice %arg7[%add3A_211, %dma_start3A_218] : memref<80x128xi32, #tpu.memory_space<vmem>> -> memref<1x128xi32, #tpu.memory_space<vmem>>
      %dma_start3A_220 = tpu.memref_squeeze %dma_start3A_219 : memref<1x128xi32, #tpu.memory_space<vmem>> -> memref<128xi32, #tpu.memory_space<vmem>>
      %dma_start3A_221 = arith.constant 0 : i32
      %dma_start3A_222 = arith.constant 0 : i32
      %dma_start3A_223 = tpu.memref_slice %arg17[%dma_start3A_221, %dma_start3A_222] : memref<10240x16xf32, #tpu.memory_space<vmem_shared>> -> memref<10240x16xf32, #tpu.memory_space<vmem_shared>>
      tpu.enqueue_indirect_dma source(%arg13 : memref<128x16xf32, #tpu.memory_space<vmem>>) target(%dma_start3A_223 : memref<10240x16xf32, #tpu.memory_space<vmem_shared>>) offsets(%dma_start3A_220 : memref<128xi32, #tpu.memory_space<vmem>>) semaphore(%arg31 : memref<!tpu.dma_semaphore, #tpu.memory_space<semaphore_mem>>) {add = true}
      %ge3A_224 = arith.constant 4 : i32
      %ge3A_225 = arith.cmpi sge, %add3A_211, %ge3A_224 : i32
      %convert_element_type3A_226 = arith.extui %ge3A_225 : i1 to i32
      %cond3A_227 = arith.constant 0 : i32
      %cond3A_228 = arith.cmpi ne, %convert_element_type3A_226, %cond3A_227 : i32
      scf.if %cond3A_228 {
        %sub3A = arith.constant 4 : i32
        %sub3A_292 = arith.subi %add3A_211, %sub3A : i32
        %dma_wait3A_293 = arith.constant 0 : i32
        %dma_wait3A_294 = tpu.memref_slice %arg7[%sub3A_292, %dma_wait3A_293] : memref<80x128xi32, #tpu.memory_space<vmem>> -> memref<1x128xi32, #tpu.memory_space<vmem>>
        %dma_wait3A_295 = tpu.memref_squeeze %dma_wait3A_294 : memref<1x128xi32, #tpu.memory_space<vmem>> -> memref<128xi32, #tpu.memory_space<vmem>>
        %dma_wait3A_296 = arith.constant 0 : i32
        %dma_wait3A_297 = arith.constant 0 : i32
        %dma_wait3A_298 = tpu.memref_slice %arg17[%dma_wait3A_296, %dma_wait3A_297] : memref<10240x16xf32, #tpu.memory_space<vmem_shared>> -> memref<10240x16xf32, #tpu.memory_space<vmem_shared>>
        tpu.wait_indirect_dma semaphore(%arg27 : memref<!tpu.dma_semaphore, #tpu.memory_space<semaphore_mem>>) src(%arg9 : memref<128x16xf32, #tpu.memory_space<vmem>>) dst(%dma_wait3A_298 : memref<10240x16xf32, #tpu.memory_space<vmem_shared>>)
      } else {
      }
      %add3A_229 = arith.constant 4 : i32
      %add3A_230 = arith.addi %add3A_211, %add3A_229 : i32
      %lt3A_231 = arith.constant 80 : i32
      %lt3A_232 = arith.cmpi slt, %add3A_230, %lt3A_231 : i32
      %convert_element_type3A_233 = arith.extui %lt3A_232 : i1 to i32
      %cond3A_234 = arith.constant 0 : i32
      %cond3A_235 = arith.cmpi ne, %convert_element_type3A_233, %cond3A_234 : i32
      scf.if %cond3A_235 {
        %add3A_292 = arith.constant 4 : i32
        %add3A_293 = arith.addi %add3A_211, %add3A_292 : i32
        %dma_start3A_294 = arith.constant 0 : i32
        %dma_start3A_295 = tpu.memref_slice %arg6[%add3A_293, %dma_start3A_294] : memref<80x128xi32, #tpu.memory_space<vmem>> -> memref<1x128xi32, #tpu.memory_space<vmem>>
        %dma_start3A_296 = tpu.memref_squeeze %dma_start3A_295 : memref<1x128xi32, #tpu.memory_space<vmem>> -> memref<128xi32, #tpu.memory_space<vmem>>
        %dma_start3A_297 = arith.constant 0 : i32
        %dma_start3A_298 = arith.constant 0 : i32
        %dma_start3A_299 = tpu.memref_slice %arg2[%dma_start3A_297, %dma_start3A_298] : memref<10000x16xf32, #tpu.memory_space<hbm>> -> memref<10000x16xf32, #tpu.memory_space<hbm>>
        tpu.enqueue_indirect_dma source(%dma_start3A_299 : memref<10000x16xf32, #tpu.memory_space<hbm>>) target(%arg9 : memref<128x16xf32, #tpu.memory_space<vmem>>) offsets(%dma_start3A_296 : memref<128xi32, #tpu.memory_space<vmem>>) semaphore(%arg19 : memref<!tpu.dma_semaphore, #tpu.memory_space<semaphore_mem>>)
      } else {
      }
      %mul3A_236 = arith.constant 8 : i32
      %mul3A_237 = arith.muli %scan3A_71, %mul3A_236 : i32
      %add3A_238 = arith.constant 6 : i32
      %add3A_239 = arith.addi %mul3A_237, %add3A_238 : i32
      %dma_wait3A_240 = arith.constant 0 : i32
      %dma_wait3A_241 = tpu.memref_slice %arg6[%add3A_239, %dma_wait3A_240] : memref<80x128xi32, #tpu.memory_space<vmem>> -> memref<1x128xi32, #tpu.memory_space<vmem>>
      %dma_wait3A_242 = tpu.memref_squeeze %dma_wait3A_241 : memref<1x128xi32, #tpu.memory_space<vmem>> -> memref<128xi32, #tpu.memory_space<vmem>>
      %dma_wait3A_243 = arith.constant 0 : i32
      %dma_wait3A_244 = arith.constant 0 : i32
      %dma_wait3A_245 = tpu.memref_slice %arg2[%dma_wait3A_243, %dma_wait3A_244] : memref<10000x16xf32, #tpu.memory_space<hbm>> -> memref<10000x16xf32, #tpu.memory_space<hbm>>
      tpu.wait_indirect_dma semaphore(%arg24 : memref<!tpu.dma_semaphore, #tpu.memory_space<semaphore_mem>>) src(%dma_wait3A_245 : memref<10000x16xf32, #tpu.memory_space<hbm>>) dst(%arg14 : memref<128x16xf32, #tpu.memory_space<vmem>>)
      %dma_start3A_246 = arith.constant 0 : i32
      %dma_start3A_247 = tpu.memref_slice %arg7[%add3A_239, %dma_start3A_246] : memref<80x128xi32, #tpu.memory_space<vmem>> -> memref<1x128xi32, #tpu.memory_space<vmem>>
      %dma_start3A_248 = tpu.memref_squeeze %dma_start3A_247 : memref<1x128xi32, #tpu.memory_space<vmem>> -> memref<128xi32, #tpu.memory_space<vmem>>
      %dma_start3A_249 = arith.constant 0 : i32
      %dma_start3A_250 = arith.constant 0 : i32
      %dma_start3A_251 = tpu.memref_slice %arg17[%dma_start3A_249, %dma_start3A_250] : memref<10240x16xf32, #tpu.memory_space<vmem_shared>> -> memref<10240x16xf32, #tpu.memory_space<vmem_shared>>
      tpu.enqueue_indirect_dma source(%arg14 : memref<128x16xf32, #tpu.memory_space<vmem>>) target(%dma_start3A_251 : memref<10240x16xf32, #tpu.memory_space<vmem_shared>>) offsets(%dma_start3A_248 : memref<128xi32, #tpu.memory_space<vmem>>) semaphore(%arg32 : memref<!tpu.dma_semaphore, #tpu.memory_space<semaphore_mem>>) {add = true}
      %ge3A_252 = arith.constant 4 : i32
      %ge3A_253 = arith.cmpi sge, %add3A_239, %ge3A_252 : i32
      %convert_element_type3A_254 = arith.extui %ge3A_253 : i1 to i32
      %cond3A_255 = arith.constant 0 : i32
      %cond3A_256 = arith.cmpi ne, %convert_element_type3A_254, %cond3A_255 : i32
      scf.if %cond3A_256 {
        %sub3A = arith.constant 4 : i32
        %sub3A_292 = arith.subi %add3A_239, %sub3A : i32
        %dma_wait3A_293 = arith.constant 0 : i32
        %dma_wait3A_294 = tpu.memref_slice %arg7[%sub3A_292, %dma_wait3A_293] : memref<80x128xi32, #tpu.memory_space<vmem>> -> memref<1x128xi32, #tpu.memory_space<vmem>>
        %dma_wait3A_295 = tpu.memref_squeeze %dma_wait3A_294 : memref<1x128xi32, #tpu.memory_space<vmem>> -> memref<128xi32, #tpu.memory_space<vmem>>
        %dma_wait3A_296 = arith.constant 0 : i32
        %dma_wait3A_297 = arith.constant 0 : i32
        %dma_wait3A_298 = tpu.memref_slice %arg17[%dma_wait3A_296, %dma_wait3A_297] : memref<10240x16xf32, #tpu.memory_space<vmem_shared>> -> memref<10240x16xf32, #tpu.memory_space<vmem_shared>>
        tpu.wait_indirect_dma semaphore(%arg28 : memref<!tpu.dma_semaphore, #tpu.memory_space<semaphore_mem>>) src(%arg10 : memref<128x16xf32, #tpu.memory_space<vmem>>) dst(%dma_wait3A_298 : memref<10240x16xf32, #tpu.memory_space<vmem_shared>>)
      } else {
      }
      %add3A_257 = arith.constant 4 : i32
      %add3A_258 = arith.addi %add3A_239, %add3A_257 : i32
      %lt3A_259 = arith.constant 80 : i32
      %lt3A_260 = arith.cmpi slt, %add3A_258, %lt3A_259 : i32
      %convert_element_type3A_261 = arith.extui %lt3A_260 : i1 to i32
      %cond3A_262 = arith.constant 0 : i32
      %cond3A_263 = arith.cmpi ne, %convert_element_type3A_261, %cond3A_262 : i32
      scf.if %cond3A_263 {
        %add3A_292 = arith.constant 4 : i32
        %add3A_293 = arith.addi %add3A_239, %add3A_292 : i32
        %dma_start3A_294 = arith.constant 0 : i32
        %dma_start3A_295 = tpu.memref_slice %arg6[%add3A_293, %dma_start3A_294] : memref<80x128xi32, #tpu.memory_space<vmem>> -> memref<1x128xi32, #tpu.memory_space<vmem>>
        %dma_start3A_296 = tpu.memref_squeeze %dma_start3A_295 : memref<1x128xi32, #tpu.memory_space<vmem>> -> memref<128xi32, #tpu.memory_space<vmem>>
        %dma_start3A_297 = arith.constant 0 : i32
        %dma_start3A_298 = arith.constant 0 : i32
        %dma_start3A_299 = tpu.memref_slice %arg2[%dma_start3A_297, %dma_start3A_298] : memref<10000x16xf32, #tpu.memory_space<hbm>> -> memref<10000x16xf32, #tpu.memory_space<hbm>>
        tpu.enqueue_indirect_dma source(%dma_start3A_299 : memref<10000x16xf32, #tpu.memory_space<hbm>>) target(%arg10 : memref<128x16xf32, #tpu.memory_space<vmem>>) offsets(%dma_start3A_296 : memref<128xi32, #tpu.memory_space<vmem>>) semaphore(%arg20 : memref<!tpu.dma_semaphore, #tpu.memory_space<semaphore_mem>>)
      } else {
      }
      %mul3A_264 = arith.constant 8 : i32
      %mul3A_265 = arith.muli %scan3A_71, %mul3A_264 : i32
      %add3A_266 = arith.constant 7 : i32
      %add3A_267 = arith.addi %mul3A_265, %add3A_266 : i32
      %dma_wait3A_268 = arith.constant 0 : i32
      %dma_wait3A_269 = tpu.memref_slice %arg6[%add3A_267, %dma_wait3A_268] : memref<80x128xi32, #tpu.memory_space<vmem>> -> memref<1x128xi32, #tpu.memory_space<vmem>>
      %dma_wait3A_270 = tpu.memref_squeeze %dma_wait3A_269 : memref<1x128xi32, #tpu.memory_space<vmem>> -> memref<128xi32, #tpu.memory_space<vmem>>
      %dma_wait3A_271 = arith.constant 0 : i32
      %dma_wait3A_272 = arith.constant 0 : i32
      %dma_wait3A_273 = tpu.memref_slice %arg2[%dma_wait3A_271, %dma_wait3A_272] : memref<10000x16xf32, #tpu.memory_space<hbm>> -> memref<10000x16xf32, #tpu.memory_space<hbm>>
      tpu.wait_indirect_dma semaphore(%arg25 : memref<!tpu.dma_semaphore, #tpu.memory_space<semaphore_mem>>) src(%dma_wait3A_273 : memref<10000x16xf32, #tpu.memory_space<hbm>>) dst(%arg15 : memref<128x16xf32, #tpu.memory_space<vmem>>)
      %dma_start3A_274 = arith.constant 0 : i32
      %dma_start3A_275 = tpu.memref_slice %arg7[%add3A_267, %dma_start3A_274] : memref<80x128xi32, #tpu.memory_space<vmem>> -> memref<1x128xi32, #tpu.memory_space<vmem>>
      %dma_start3A_276 = tpu.memref_squeeze %dma_start3A_275 : memref<1x128xi32, #tpu.memory_space<vmem>> -> memref<128xi32, #tpu.memory_space<vmem>>
      %dma_start3A_277 = arith.constant 0 : i32
      %dma_start3A_278 = arith.constant 0 : i32
      %dma_start3A_279 = tpu.memref_slice %arg17[%dma_start3A_277, %dma_start3A_278] : memref<10240x16xf32, #tpu.memory_space<vmem_shared>> -> memref<10240x16xf32, #tpu.memory_space<vmem_shared>>
      tpu.enqueue_indirect_dma source(%arg15 : memref<128x16xf32, #tpu.memory_space<vmem>>) target(%dma_start3A_279 : memref<10240x16xf32, #tpu.memory_space<vmem_shared>>) offsets(%dma_start3A_276 : memref<128xi32, #tpu.memory_space<vmem>>) semaphore(%arg33 : memref<!tpu.dma_semaphore, #tpu.memory_space<semaphore_mem>>) {add = true}
      %ge3A_280 = arith.constant 4 : i32
      %ge3A_281 = arith.cmpi sge, %add3A_267, %ge3A_280 : i32
      %convert_element_type3A_282 = arith.extui %ge3A_281 : i1 to i32
      %cond3A_283 = arith.constant 0 : i32
      %cond3A_284 = arith.cmpi ne, %convert_element_type3A_282, %cond3A_283 : i32
      scf.if %cond3A_284 {
        %sub3A = arith.constant 4 : i32
        %sub3A_292 = arith.subi %add3A_267, %sub3A : i32
        %dma_wait3A_293 = arith.constant 0 : i32
        %dma_wait3A_294 = tpu.memref_slice %arg7[%sub3A_292, %dma_wait3A_293] : memref<80x128xi32, #tpu.memory_space<vmem>> -> memref<1x128xi32, #tpu.memory_space<vmem>>
        %dma_wait3A_295 = tpu.memref_squeeze %dma_wait3A_294 : memref<1x128xi32, #tpu.memory_space<vmem>> -> memref<128xi32, #tpu.memory_space<vmem>>
        %dma_wait3A_296 = arith.constant 0 : i32
        %dma_wait3A_297 = arith.constant 0 : i32
        %dma_wait3A_298 = tpu.memref_slice %arg17[%dma_wait3A_296, %dma_wait3A_297] : memref<10240x16xf32, #tpu.memory_space<vmem_shared>> -> memref<10240x16xf32, #tpu.memory_space<vmem_shared>>
        tpu.wait_indirect_dma semaphore(%arg29 : memref<!tpu.dma_semaphore, #tpu.memory_space<semaphore_mem>>) src(%arg11 : memref<128x16xf32, #tpu.memory_space<vmem>>) dst(%dma_wait3A_298 : memref<10240x16xf32, #tpu.memory_space<vmem_shared>>)
      } else {
      }
      %add3A_285 = arith.constant 4 : i32
      %add3A_286 = arith.addi %add3A_267, %add3A_285 : i32
      %lt3A_287 = arith.constant 80 : i32
      %lt3A_288 = arith.cmpi slt, %add3A_286, %lt3A_287 : i32
      %convert_element_type3A_289 = arith.extui %lt3A_288 : i1 to i32
      %cond3A_290 = arith.constant 0 : i32
      %cond3A_291 = arith.cmpi ne, %convert_element_type3A_289, %cond3A_290 : i32
      scf.if %cond3A_291 {
        %add3A_292 = arith.constant 4 : i32
        %add3A_293 = arith.addi %add3A_267, %add3A_292 : i32
        %dma_start3A_294 = arith.constant 0 : i32
        %dma_start3A_295 = tpu.memref_slice %arg6[%add3A_293, %dma_start3A_294] : memref<80x128xi32, #tpu.memory_space<vmem>> -> memref<1x128xi32, #tpu.memory_space<vmem>>
        %dma_start3A_296 = tpu.memref_squeeze %dma_start3A_295 : memref<1x128xi32, #tpu.memory_space<vmem>> -> memref<128xi32, #tpu.memory_space<vmem>>
        %dma_start3A_297 = arith.constant 0 : i32
        %dma_start3A_298 = arith.constant 0 : i32
        %dma_start3A_299 = tpu.memref_slice %arg2[%dma_start3A_297, %dma_start3A_298] : memref<10000x16xf32, #tpu.memory_space<hbm>> -> memref<10000x16xf32, #tpu.memory_space<hbm>>
        tpu.enqueue_indirect_dma source(%dma_start3A_299 : memref<10000x16xf32, #tpu.memory_space<hbm>>) target(%arg11 : memref<128x16xf32, #tpu.memory_space<vmem>>) offsets(%dma_start3A_296 : memref<128xi32, #tpu.memory_space<vmem>>) semaphore(%arg21 : memref<!tpu.dma_semaphore, #tpu.memory_space<semaphore_mem>>)
      } else {
      }
    }
    %scan3A_38 = arith.constant 10 : i32
    %dma_wait3A = arith.constant 76 : i32
    %dma_wait3A_39 = arith.constant 0 : i32
    %dma_wait3A_40 = tpu.memref_slice %arg7[%dma_wait3A, %dma_wait3A_39] : memref<80x128xi32, #tpu.memory_space<vmem>> -> memref<1x128xi32, #tpu.memory_space<vmem>>
    %dma_wait3A_41 = tpu.memref_squeeze %dma_wait3A_40 : memref<1x128xi32, #tpu.memory_space<vmem>> -> memref<128xi32, #tpu.memory_space<vmem>>
    %dma_wait3A_42 = arith.constant 0 : i32
    %dma_wait3A_43 = arith.constant 0 : i32
    %dma_wait3A_44 = tpu.memref_slice %arg17[%dma_wait3A_42, %dma_wait3A_43] : memref<10240x16xf32, #tpu.memory_space<vmem_shared>> -> memref<10240x16xf32, #tpu.memory_space<vmem_shared>>
    tpu.wait_indirect_dma semaphore(%arg30 : memref<!tpu.dma_semaphore, #tpu.memory_space<semaphore_mem>>) src(%arg12 : memref<128x16xf32, #tpu.memory_space<vmem>>) dst(%dma_wait3A_44 : memref<10240x16xf32, #tpu.memory_space<vmem_shared>>)
    %dma_wait3A_45 = arith.constant 77 : i32
    %dma_wait3A_46 = arith.constant 0 : i32
    %dma_wait3A_47 = tpu.memref_slice %arg7[%dma_wait3A_45, %dma_wait3A_46] : memref<80x128xi32, #tpu.memory_space<vmem>> -> memref<1x128xi32, #tpu.memory_space<vmem>>
    %dma_wait3A_48 = tpu.memref_squeeze %dma_wait3A_47 : memref<1x128xi32, #tpu.memory_space<vmem>> -> memref<128xi32, #tpu.memory_space<vmem>>
    %dma_wait3A_49 = arith.constant 0 : i32
    %dma_wait3A_50 = arith.constant 0 : i32
    %dma_wait3A_51 = tpu.memref_slice %arg17[%dma_wait3A_49, %dma_wait3A_50] : memref<10240x16xf32, #tpu.memory_space<vmem_shared>> -> memref<10240x16xf32, #tpu.memory_space<vmem_shared>>
    tpu.wait_indirect_dma semaphore(%arg31 : memref<!tpu.dma_semaphore, #tpu.memory_space<semaphore_mem>>) src(%arg13 : memref<128x16xf32, #tpu.memory_space<vmem>>) dst(%dma_wait3A_51 : memref<10240x16xf32, #tpu.memory_space<vmem_shared>>)
    %dma_wait3A_52 = arith.constant 78 : i32
    %dma_wait3A_53 = arith.constant 0 : i32
    %dma_wait3A_54 = tpu.memref_slice %arg7[%dma_wait3A_52, %dma_wait3A_53] : memref<80x128xi32, #tpu.memory_space<vmem>> -> memref<1x128xi32, #tpu.memory_space<vmem>>
    %dma_wait3A_55 = tpu.memref_squeeze %dma_wait3A_54 : memref<1x128xi32, #tpu.memory_space<vmem>> -> memref<128xi32, #tpu.memory_space<vmem>>
    %dma_wait3A_56 = arith.constant 0 : i32
    %dma_wait3A_57 = arith.constant 0 : i32
    %dma_wait3A_58 = tpu.memref_slice %arg17[%dma_wait3A_56, %dma_wait3A_57] : memref<10240x16xf32, #tpu.memory_space<vmem_shared>> -> memref<10240x16xf32, #tpu.memory_space<vmem_shared>>
    tpu.wait_indirect_dma semaphore(%arg32 : memref<!tpu.dma_semaphore, #tpu.memory_space<semaphore_mem>>) src(%arg14 : memref<128x16xf32, #tpu.memory_space<vmem>>) dst(%dma_wait3A_58 : memref<10240x16xf32, #tpu.memory_space<vmem_shared>>)
    %dma_wait3A_59 = arith.constant 79 : i32
    %dma_wait3A_60 = arith.constant 0 : i32
    %dma_wait3A_61 = tpu.memref_slice %arg7[%dma_wait3A_59, %dma_wait3A_60] : memref<80x128xi32, #tpu.memory_space<vmem>> -> memref<1x128xi32, #tpu.memory_space<vmem>>
    %dma_wait3A_62 = tpu.memref_squeeze %dma_wait3A_61 : memref<1x128xi32, #tpu.memory_space<vmem>> -> memref<128xi32, #tpu.memory_space<vmem>>
    %dma_wait3A_63 = arith.constant 0 : i32
    %dma_wait3A_64 = arith.constant 0 : i32
    %dma_wait3A_65 = tpu.memref_slice %arg17[%dma_wait3A_63, %dma_wait3A_64] : memref<10240x16xf32, #tpu.memory_space<vmem_shared>> -> memref<10240x16xf32, #tpu.memory_space<vmem_shared>>
    tpu.wait_indirect_dma semaphore(%arg33 : memref<!tpu.dma_semaphore, #tpu.memory_space<semaphore_mem>>) src(%arg15 : memref<128x16xf32, #tpu.memory_space<vmem>>) dst(%dma_wait3A_65 : memref<10240x16xf32, #tpu.memory_space<vmem_shared>>)
    %barrier3A_66 = arith.constant 0 : index
    tpu.barrier barrier_id(%barrier3A_66)
    %mul3A_67 = arith.constant 640 : i32
    %mul3A_68 = arith.muli %arg1, %mul3A_67 : i32
    %mul3A_69 = arith.constant 640 : i32
    %mul3A_70 = arith.muli %arg1, %mul3A_69 : i32
    "tpu.region"() ({
      %run_scoped3A = tpu.sem_alloc : memref<!tpu.dma_semaphore, #tpu.memory_space<semaphore_mem>>
      %dma_start3A_71 = arith.constant 0 : i32
      %dma_start3A_72 = tpu.memref_slice %arg5[%arg0, %mul3A_70, %dma_start3A_71] : memref<2x10240x16xf32, #tpu.memory_space<hbm>> -> memref<1x640x16xf32, #tpu.memory_space<hbm>>
      %dma_start3A_73 = tpu.memref_squeeze %dma_start3A_72 : memref<1x640x16xf32, #tpu.memory_space<hbm>> -> memref<640x16xf32, #tpu.memory_space<hbm>>
      %dma_start3A_74 = arith.constant 0 : i32
      %dma_start3A_75 = tpu.memref_slice %arg17[%mul3A_68, %dma_start3A_74] : memref<10240x16xf32, #tpu.memory_space<vmem_shared>> -> memref<640x16xf32, #tpu.memory_space<vmem_shared>>
      tpu.enqueue_dma source(%dma_start3A_75 : memref<640x16xf32, #tpu.memory_space<vmem_shared>>) target(%dma_start3A_73 : memref<640x16xf32, #tpu.memory_space<hbm>>) target_semaphore(%run_scoped3A : memref<!tpu.dma_semaphore, #tpu.memory_space<semaphore_mem>>)
      %dma_wait3A_76 = arith.constant 0 : i32
      %dma_wait3A_77 = tpu.memref_slice %arg5[%arg0, %mul3A_70, %dma_wait3A_76] : memref<2x10240x16xf32, #tpu.memory_space<hbm>> -> memref<1x640x16xf32, #tpu.memory_space<hbm>>
      %dma_wait3A_78 = tpu.memref_squeeze %dma_wait3A_77 : memref<1x640x16xf32, #tpu.memory_space<hbm>> -> memref<640x16xf32, #tpu.memory_space<hbm>>
      %dma_wait3A_79 = arith.constant 0 : i32
      %dma_wait3A_80 = tpu.memref_slice %arg17[%mul3A_68, %dma_wait3A_79] : memref<10240x16xf32, #tpu.memory_space<vmem_shared>> -> memref<640x16xf32, #tpu.memory_space<vmem_shared>>
      tpu.wait_dma2 semaphore(%run_scoped3A : memref<!tpu.dma_semaphore, #tpu.memory_space<semaphore_mem>>) src(%dma_wait3A_80 : memref<640x16xf32, #tpu.memory_space<vmem_shared>>) dst(%dma_wait3A_78 : memref<640x16xf32, #tpu.memory_space<hbm>>)
      tpu.yield
    }) : () -> ()
    return
  }
}

#map = affine_map<(d0, d1) -> (0, 0)>
#map1 = affine_map<(d0, d1) -> (0, 0, 0)>
module attributes {stable_mosaic.version = 14 : i64} {
  func.func @_sc_aggregate(%arg0: i32, %arg1: i32, %arg2: memref<10000x16xf32, #tpu.memory_space<hbm>>, %arg3: memref<32x80x128xi32, #tpu.memory_space<hbm>>, %arg4: memref<32x80x128xi32, #tpu.memory_space<hbm>>, %arg5: memref<2x10240x16xf32, #tpu.memory_space<hbm>>, %arg6: memref<80x128xi32, #tpu.memory_space<vmem>>, %arg7: memref<80x128xi32, #tpu.memory_space<vmem>>, %arg8: memref<128x16xf32, #tpu.memory_space<vmem>>, %arg9: memref<128x16xf32, #tpu.memory_space<vmem>>, %arg10: memref<128x16xf32, #tpu.memory_space<vmem>>, %arg11: memref<128x16xf32, #tpu.memory_space<vmem>>, %arg12: memref<128x16xf32, #tpu.memory_space<vmem>>, %arg13: memref<128x16xf32, #tpu.memory_space<vmem>>, %arg14: memref<128x16xf32, #tpu.memory_space<vmem>>, %arg15: memref<128x16xf32, #tpu.memory_space<vmem>>, %arg16: memref<640x16xf32, #tpu.memory_space<vmem>>, %arg17: memref<10240x16xf32, #tpu.memory_space<vmem_shared>>, %arg18: memref<!tpu.dma_semaphore, #tpu.memory_space<semaphore_mem>>, %arg19: memref<!tpu.dma_semaphore, #tpu.memory_space<semaphore_mem>>, %arg20: memref<!tpu.dma_semaphore, #tpu.memory_space<semaphore_mem>>, %arg21: memref<!tpu.dma_semaphore, #tpu.memory_space<semaphore_mem>>, %arg22: memref<!tpu.dma_semaphore, #tpu.memory_space<semaphore_mem>>, %arg23: memref<!tpu.dma_semaphore, #tpu.memory_space<semaphore_mem>>, %arg24: memref<!tpu.dma_semaphore, #tpu.memory_space<semaphore_mem>>, %arg25: memref<!tpu.dma_semaphore, #tpu.memory_space<semaphore_mem>>, %arg26: memref<!tpu.dma_semaphore, #tpu.memory_space<semaphore_mem>>, %arg27: memref<!tpu.dma_semaphore, #tpu.memory_space<semaphore_mem>>, %arg28: memref<!tpu.dma_semaphore, #tpu.memory_space<semaphore_mem>>, %arg29: memref<!tpu.dma_semaphore, #tpu.memory_space<semaphore_mem>>, %arg30: memref<!tpu.dma_semaphore, #tpu.memory_space<semaphore_mem>>, %arg31: memref<!tpu.dma_semaphore, #tpu.memory_space<semaphore_mem>>, %arg32: memref<!tpu.dma_semaphore, #tpu.memory_space<semaphore_mem>>, %arg33: memref<!tpu.dma_semaphore, #tpu.memory_space<semaphore_mem>>) attributes {dimension_semantics = [#tpu.dimension_semantics<core_parallel>, #tpu.dimension_semantics<subcore_parallel>], iteration_bounds = array<i64: 2, 16>, scalar_prefetch = 0 : i64, scratch_operands = 28 : i64, tpu.core_type = #tpu.core_type<sc_vector_subcore>, window_params = [{transform_indices = #map}, {transform_indices = #map1}, {transform_indices = #map1}, {transform_indices = #map1}]} {
    %mul3A = arith.constant 2 : i32
    %mul3A_0 = arith.muli %arg1, %mul3A : i32
    %add3A = arith.addi %mul3A_0, %arg0 : i32
    %scan3A = arith.constant 0 : i32
    %scan3A_1 = arith.constant 80 : i32
    %scan3A_2 = arith.addi %scan3A, %scan3A_1 : i32
    %scan3A_3 = arith.constant 1 : i32
    scf.for %scan3A_71 = %scan3A to %scan3A_2 step %scan3A_3  : i32 {
      %broadcast_in_dim3A = arith.constant 0.000000e+00 : f32
      %broadcast_in_dim3A_72 = vector.broadcast %broadcast_in_dim3A : f32 to vector<16xf32>
      %mul3A_73 = arith.constant 8 : i32
      %mul3A_74 = arith.muli %scan3A_71, %mul3A_73 : i32
      %add3A_75 = arith.constant 0 : i32
      %add3A_76 = arith.addi %mul3A_74, %add3A_75 : i32
      %swap3A = arith.index_cast %add3A_76 : i32 to index
      %swap3A_77 = arith.constant 0 : index
      %swap3A_78 = tpu.vector_load %arg16[%swap3A, %swap3A_77] {strides = array<i32>} : memref<640x16xf32, #tpu.memory_space<vmem>>, vector<1x16xf32>,
      %swap3A_79 = vector.shape_cast %swap3A_78 : vector<1x16xf32> to vector<16xf32>
      %swap3A_80 = vector.shape_cast %broadcast_in_dim3A_72 : vector<16xf32> to vector<1x16xf32>
      tpu.vector_store %arg16[%swap3A, %swap3A_77], %swap3A_80 {strides = array<i32>} : memref<640x16xf32, #tpu.memory_space<vmem>>, vector<1x16xf32>,
      %broadcast_in_dim3A_81 = arith.constant 0.000000e+00 : f32
      %broadcast_in_dim3A_82 = vector.broadcast %broadcast_in_dim3A_81 : f32 to vector<16xf32>
      %mul3A_83 = arith.constant 8 : i32
      %mul3A_84 = arith.muli %scan3A_71, %mul3A_83 : i32
      %add3A_85 = arith.constant 1 : i32
      %add3A_86 = arith.addi %mul3A_84, %add3A_85 : i32
      %swap3A_87 = arith.index_cast %add3A_86 : i32 to index
      %swap3A_88 = arith.constant 0 : index
      %swap3A_89 = tpu.vector_load %arg16[%swap3A_87, %swap3A_88] {strides = array<i32>} : memref<640x16xf32, #tpu.memory_space<vmem>>, vector<1x16xf32>,
      %swap3A_90 = vector.shape_cast %swap3A_89 : vector<1x16xf32> to vector<16xf32>
      %swap3A_91 = vector.shape_cast %broadcast_in_dim3A_82 : vector<16xf32> to vector<1x16xf32>
      tpu.vector_store %arg16[%swap3A_87, %swap3A_88], %swap3A_91 {strides = array<i32>} : memref<640x16xf32, #tpu.memory_space<vmem>>, vector<1x16xf32>,
      %broadcast_in_dim3A_92 = arith.constant 0.000000e+00 : f32
      %broadcast_in_dim3A_93 = vector.broadcast %broadcast_in_dim3A_92 : f32 to vector<16xf32>
      %mul3A_94 = arith.constant 8 : i32
      %mul3A_95 = arith.muli %scan3A_71, %mul3A_94 : i32
      %add3A_96 = arith.constant 2 : i32
      %add3A_97 = arith.addi %mul3A_95, %add3A_96 : i32
      %swap3A_98 = arith.index_cast %add3A_97 : i32 to index
      %swap3A_99 = arith.constant 0 : index
      %swap3A_100 = tpu.vector_load %arg16[%swap3A_98, %swap3A_99] {strides = array<i32>} : memref<640x16xf32, #tpu.memory_space<vmem>>, vector<1x16xf32>,
      %swap3A_101 = vector.shape_cast %swap3A_100 : vector<1x16xf32> to vector<16xf32>
      %swap3A_102 = vector.shape_cast %broadcast_in_dim3A_93 : vector<16xf32> to vector<1x16xf32>
      tpu.vector_store %arg16[%swap3A_98, %swap3A_99], %swap3A_102 {strides = array<i32>} : memref<640x16xf32, #tpu.memory_space<vmem>>, vector<1x16xf32>,
      %broadcast_in_dim3A_103 = arith.constant 0.000000e+00 : f32
      %broadcast_in_dim3A_104 = vector.broadcast %broadcast_in_dim3A_103 : f32 to vector<16xf32>
      %mul3A_105 = arith.constant 8 : i32
      %mul3A_106 = arith.muli %scan3A_71, %mul3A_105 : i32
      %add3A_107 = arith.constant 3 : i32
      %add3A_108 = arith.addi %mul3A_106, %add3A_107 : i32
      %swap3A_109 = arith.index_cast %add3A_108 : i32 to index
      %swap3A_110 = arith.constant 0 : index
      %swap3A_111 = tpu.vector_load %arg16[%swap3A_109, %swap3A_110] {strides = array<i32>} : memref<640x16xf32, #tpu.memory_space<vmem>>, vector<1x16xf32>,
      %swap3A_112 = vector.shape_cast %swap3A_111 : vector<1x16xf32> to vector<16xf32>
      %swap3A_113 = vector.shape_cast %broadcast_in_dim3A_104 : vector<16xf32> to vector<1x16xf32>
      tpu.vector_store %arg16[%swap3A_109, %swap3A_110], %swap3A_113 {strides = array<i32>} : memref<640x16xf32, #tpu.memory_space<vmem>>, vector<1x16xf32>,
      %broadcast_in_dim3A_114 = arith.constant 0.000000e+00 : f32
      %broadcast_in_dim3A_115 = vector.broadcast %broadcast_in_dim3A_114 : f32 to vector<16xf32>
      %mul3A_116 = arith.constant 8 : i32
      %mul3A_117 = arith.muli %scan3A_71, %mul3A_116 : i32
      %add3A_118 = arith.constant 4 : i32
      %add3A_119 = arith.addi %mul3A_117, %add3A_118 : i32
      %swap3A_120 = arith.index_cast %add3A_119 : i32 to index
      %swap3A_121 = arith.constant 0 : index
      %swap3A_122 = tpu.vector_load %arg16[%swap3A_120, %swap3A_121] {strides = array<i32>} : memref<640x16xf32, #tpu.memory_space<vmem>>, vector<1x16xf32>,
      %swap3A_123 = vector.shape_cast %swap3A_122 : vector<1x16xf32> to vector<16xf32>
      %swap3A_124 = vector.shape_cast %broadcast_in_dim3A_115 : vector<16xf32> to vector<1x16xf32>
      tpu.vector_store %arg16[%swap3A_120, %swap3A_121], %swap3A_124 {strides = array<i32>} : memref<640x16xf32, #tpu.memory_space<vmem>>, vector<1x16xf32>,
      %broadcast_in_dim3A_125 = arith.constant 0.000000e+00 : f32
      %broadcast_in_dim3A_126 = vector.broadcast %broadcast_in_dim3A_125 : f32 to vector<16xf32>
      %mul3A_127 = arith.constant 8 : i32
      %mul3A_128 = arith.muli %scan3A_71, %mul3A_127 : i32
      %add3A_129 = arith.constant 5 : i32
      %add3A_130 = arith.addi %mul3A_128, %add3A_129 : i32
      %swap3A_131 = arith.index_cast %add3A_130 : i32 to index
      %swap3A_132 = arith.constant 0 : index
      %swap3A_133 = tpu.vector_load %arg16[%swap3A_131, %swap3A_132] {strides = array<i32>} : memref<640x16xf32, #tpu.memory_space<vmem>>, vector<1x16xf32>,
      %swap3A_134 = vector.shape_cast %swap3A_133 : vector<1x16xf32> to vector<16xf32>
      %swap3A_135 = vector.shape_cast %broadcast_in_dim3A_126 : vector<16xf32> to vector<1x16xf32>
      tpu.vector_store %arg16[%swap3A_131, %swap3A_132], %swap3A_135 {strides = array<i32>} : memref<640x16xf32, #tpu.memory_space<vmem>>, vector<1x16xf32>,
      %broadcast_in_dim3A_136 = arith.constant 0.000000e+00 : f32
      %broadcast_in_dim3A_137 = vector.broadcast %broadcast_in_dim3A_136 : f32 to vector<16xf32>
      %mul3A_138 = arith.constant 8 : i32
      %mul3A_139 = arith.muli %scan3A_71, %mul3A_138 : i32
      %add3A_140 = arith.constant 6 : i32
      %add3A_141 = arith.addi %mul3A_139, %add3A_140 : i32
      %swap3A_142 = arith.index_cast %add3A_141 : i32 to index
      %swap3A_143 = arith.constant 0 : index
      %swap3A_144 = tpu.vector_load %arg16[%swap3A_142, %swap3A_143] {strides = array<i32>} : memref<640x16xf32, #tpu.memory_space<vmem>>, vector<1x16xf32>,
      %swap3A_145 = vector.shape_cast %swap3A_144 : vector<1x16xf32> to vector<16xf32>
      %swap3A_146 = vector.shape_cast %broadcast_in_dim3A_137 : vector<16xf32> to vector<1x16xf32>
      tpu.vector_store %arg16[%swap3A_142, %swap3A_143], %swap3A_146 {strides = array<i32>} : memref<640x16xf32, #tpu.memory_space<vmem>>, vector<1x16xf32>,
      %broadcast_in_dim3A_147 = arith.constant 0.000000e+00 : f32
      %broadcast_in_dim3A_148 = vector.broadcast %broadcast_in_dim3A_147 : f32 to vector<16xf32>
      %mul3A_149 = arith.constant 8 : i32
      %mul3A_150 = arith.muli %scan3A_71, %mul3A_149 : i32
      %add3A_151 = arith.constant 7 : i32
      %add3A_152 = arith.addi %mul3A_150, %add3A_151 : i32
      %swap3A_153 = arith.index_cast %add3A_152 : i32 to index
      %swap3A_154 = arith.constant 0 : index
      %swap3A_155 = tpu.vector_load %arg16[%swap3A_153, %swap3A_154] {strides = array<i32>} : memref<640x16xf32, #tpu.memory_space<vmem>>, vector<1x16xf32>,
      %swap3A_156 = vector.shape_cast %swap3A_155 : vector<1x16xf32> to vector<16xf32>
      %swap3A_157 = vector.shape_cast %broadcast_in_dim3A_148 : vector<16xf32> to vector<1x16xf32>
      tpu.vector_store %arg16[%swap3A_153, %swap3A_154], %swap3A_157 {strides = array<i32>} : memref<640x16xf32, #tpu.memory_space<vmem>>, vector<1x16xf32>,
    }
    %scan3A_4 = arith.constant 80 : i32
    %mul3A_5 = arith.constant 640 : i32
    %mul3A_6 = arith.muli %arg1, %mul3A_5 : i32
    "tpu.region"() ({
      %run_scoped3A = tpu.sem_alloc : memref<!tpu.dma_semaphore, #tpu.memory_space<semaphore_mem>>
      %dma_start3A_71 = arith.constant 0 : i32
      %dma_start3A_72 = tpu.memref_slice %arg17[%mul3A_6, %dma_start3A_71] : memref<10240x16xf32, #tpu.memory_space<vmem_shared>> -> memref<640x16xf32, #tpu.memory_space<vmem_shared>>
      %dma_start3A_73 = arith.constant 0 : i32
      %dma_start3A_74 = tpu.memref_slice %arg17[%mul3A_6, %dma_start3A_73] : memref<10240x16xf32, #tpu.memory_space<vmem_shared>> -> memref<640x16xf32, #tpu.memory_space<vmem_shared>>
      tpu.enqueue_dma source(%arg16 : memref<640x16xf32, #tpu.memory_space<vmem>>) target(%dma_start3A_74 : memref<640x16xf32, #tpu.memory_space<vmem_shared>>) target_semaphore(%run_scoped3A : memref<!tpu.dma_semaphore, #tpu.memory_space<semaphore_mem>>)
      %dma_wait3A_75 = arith.constant 0 : i32
      %dma_wait3A_76 = tpu.memref_slice %arg17[%mul3A_6, %dma_wait3A_75] : memref<10240x16xf32, #tpu.memory_space<vmem_shared>> -> memref<640x16xf32, #tpu.memory_space<vmem_shared>>
      %dma_wait3A_77 = arith.constant 0 : i32
      %dma_wait3A_78 = tpu.memref_slice %arg17[%mul3A_6, %dma_wait3A_77] : memref<10240x16xf32, #tpu.memory_space<vmem_shared>> -> memref<640x16xf32, #tpu.memory_space<vmem_shared>>
      tpu.wait_dma2 semaphore(%run_scoped3A : memref<!tpu.dma_semaphore, #tpu.memory_space<semaphore_mem>>) src(%arg16 : memref<640x16xf32, #tpu.memory_space<vmem>>) dst(%dma_wait3A_78 : memref<640x16xf32, #tpu.memory_space<vmem_shared>>)
      tpu.yield
    }) : () -> ()
    %barrier3A = arith.constant 0 : index
    tpu.barrier barrier_id(%barrier3A)
    "tpu.region"() ({
      %run_scoped3A = tpu.sem_alloc : memref<!tpu.dma_semaphore, #tpu.memory_space<semaphore_mem>>
      %dma_start3A_71 = arith.constant 0 : i32
      %dma_start3A_72 = arith.constant 0 : i32
      %dma_start3A_73 = tpu.memref_slice %arg3[%add3A, %dma_start3A_71, %dma_start3A_72] : memref<32x80x128xi32, #tpu.memory_space<hbm>> -> memref<1x80x128xi32, #tpu.memory_space<hbm>>
      %dma_start3A_74 = tpu.memref_squeeze %dma_start3A_73 : memref<1x80x128xi32, #tpu.memory_space<hbm>> -> memref<80x128xi32, #tpu.memory_space<hbm>>
      %dma_start3A_75 = arith.constant 0 : i32
      %dma_start3A_76 = arith.constant 0 : i32
      %dma_start3A_77 = tpu.memref_slice %arg3[%add3A, %dma_start3A_75, %dma_start3A_76] : memref<32x80x128xi32, #tpu.memory_space<hbm>> -> memref<1x80x128xi32, #tpu.memory_space<hbm>>
      %dma_start3A_78 = tpu.memref_squeeze %dma_start3A_77 : memref<1x80x128xi32, #tpu.memory_space<hbm>> -> memref<80x128xi32, #tpu.memory_space<hbm>>
      tpu.enqueue_dma source(%dma_start3A_78 : memref<80x128xi32, #tpu.memory_space<hbm>>) target(%arg6 : memref<80x128xi32, #tpu.memory_space<vmem>>) target_semaphore(%run_scoped3A : memref<!tpu.dma_semaphore, #tpu.memory_space<semaphore_mem>>)
      %dma_wait3A_79 = arith.constant 0 : i32
      %dma_wait3A_80 = arith.constant 0 : i32
      %dma_wait3A_81 = tpu.memref_slice %arg3[%add3A, %dma_wait3A_79, %dma_wait3A_80] : memref<32x80x128xi32, #tpu.memory_space<hbm>> -> memref<1x80x128xi32, #tpu.memory_space<hbm>>
      %dma_wait3A_82 = tpu.memref_squeeze %dma_wait3A_81 : memref<1x80x128xi32, #tpu.memory_space<hbm>> -> memref<80x128xi32, #tpu.memory_space<hbm>>
      %dma_wait3A_83 = arith.constant 0 : i32
      %dma_wait3A_84 = arith.constant 0 : i32
      %dma_wait3A_85 = tpu.memref_slice %arg3[%add3A, %dma_wait3A_83, %dma_wait3A_84] : memref<32x80x128xi32, #tpu.memory_space<hbm>> -> memref<1x80x128xi32, #tpu.memory_space<hbm>>
      %dma_wait3A_86 = tpu.memref_squeeze %dma_wait3A_85 : memref<1x80x128xi32, #tpu.memory_space<hbm>> -> memref<80x128xi32, #tpu.memory_space<hbm>>
      tpu.wait_dma2 semaphore(%run_scoped3A : memref<!tpu.dma_semaphore, #tpu.memory_space<semaphore_mem>>) src(%dma_wait3A_86 : memref<80x128xi32, #tpu.memory_space<hbm>>) dst(%arg6 : memref<80x128xi32, #tpu.memory_space<vmem>>)
      tpu.yield
    }) : () -> ()
    "tpu.region"() ({
      %run_scoped3A = tpu.sem_alloc : memref<!tpu.dma_semaphore, #tpu.memory_space<semaphore_mem>>
      %dma_start3A_71 = arith.constant 0 : i32
      %dma_start3A_72 = arith.constant 0 : i32
      %dma_start3A_73 = tpu.memref_slice %arg4[%add3A, %dma_start3A_71, %dma_start3A_72] : memref<32x80x128xi32, #tpu.memory_space<hbm>> -> memref<1x80x128xi32, #tpu.memory_space<hbm>>
      %dma_start3A_74 = tpu.memref_squeeze %dma_start3A_73 : memref<1x80x128xi32, #tpu.memory_space<hbm>> -> memref<80x128xi32, #tpu.memory_space<hbm>>
      %dma_start3A_75 = arith.constant 0 : i32
      %dma_start3A_76 = arith.constant 0 : i32
      %dma_start3A_77 = tpu.memref_slice %arg4[%add3A, %dma_start3A_75, %dma_start3A_76] : memref<32x80x128xi32, #tpu.memory_space<hbm>> -> memref<1x80x128xi32, #tpu.memory_space<hbm>>
      %dma_start3A_78 = tpu.memref_squeeze %dma_start3A_77 : memref<1x80x128xi32, #tpu.memory_space<hbm>> -> memref<80x128xi32, #tpu.memory_space<hbm>>
      tpu.enqueue_dma source(%dma_start3A_78 : memref<80x128xi32, #tpu.memory_space<hbm>>) target(%arg7 : memref<80x128xi32, #tpu.memory_space<vmem>>) target_semaphore(%run_scoped3A : memref<!tpu.dma_semaphore, #tpu.memory_space<semaphore_mem>>)
      %dma_wait3A_79 = arith.constant 0 : i32
      %dma_wait3A_80 = arith.constant 0 : i32
      %dma_wait3A_81 = tpu.memref_slice %arg4[%add3A, %dma_wait3A_79, %dma_wait3A_80] : memref<32x80x128xi32, #tpu.memory_space<hbm>> -> memref<1x80x128xi32, #tpu.memory_space<hbm>>
      %dma_wait3A_82 = tpu.memref_squeeze %dma_wait3A_81 : memref<1x80x128xi32, #tpu.memory_space<hbm>> -> memref<80x128xi32, #tpu.memory_space<hbm>>
      %dma_wait3A_83 = arith.constant 0 : i32
      %dma_wait3A_84 = arith.constant 0 : i32
      %dma_wait3A_85 = tpu.memref_slice %arg4[%add3A, %dma_wait3A_83, %dma_wait3A_84] : memref<32x80x128xi32, #tpu.memory_space<hbm>> -> memref<1x80x128xi32, #tpu.memory_space<hbm>>
      %dma_wait3A_86 = tpu.memref_squeeze %dma_wait3A_85 : memref<1x80x128xi32, #tpu.memory_space<hbm>> -> memref<80x128xi32, #tpu.memory_space<hbm>>
      tpu.wait_dma2 semaphore(%run_scoped3A : memref<!tpu.dma_semaphore, #tpu.memory_space<semaphore_mem>>) src(%dma_wait3A_86 : memref<80x128xi32, #tpu.memory_space<hbm>>) dst(%arg7 : memref<80x128xi32, #tpu.memory_space<vmem>>)
      tpu.yield
    }) : () -> ()
    %dma_start3A = arith.constant 0 : i32
    %dma_start3A_7 = arith.constant 0 : i32
    %dma_start3A_8 = tpu.memref_slice %arg6[%dma_start3A, %dma_start3A_7] : memref<80x128xi32, #tpu.memory_space<vmem>> -> memref<1x128xi32, #tpu.memory_space<vmem>>
    %dma_start3A_9 = tpu.memref_squeeze %dma_start3A_8 : memref<1x128xi32, #tpu.memory_space<vmem>> -> memref<128xi32, #tpu.memory_space<vmem>>
    %dma_start3A_10 = arith.constant 0 : i32
    %dma_start3A_11 = arith.constant 0 : i32
    %dma_start3A_12 = tpu.memref_slice %arg2[%dma_start3A_10, %dma_start3A_11] : memref<10000x16xf32, #tpu.memory_space<hbm>> -> memref<10000x16xf32, #tpu.memory_space<hbm>>
    tpu.enqueue_indirect_dma source(%dma_start3A_12 : memref<10000x16xf32, #tpu.memory_space<hbm>>) target(%arg8 : memref<128x16xf32, #tpu.memory_space<vmem>>) offsets(%dma_start3A_9 : memref<128xi32, #tpu.memory_space<vmem>>) semaphore(%arg18 : memref<!tpu.dma_semaphore, #tpu.memory_space<semaphore_mem>>)
    %dma_start3A_13 = arith.constant 1 : i32
    %dma_start3A_14 = arith.constant 0 : i32
    %dma_start3A_15 = tpu.memref_slice %arg6[%dma_start3A_13, %dma_start3A_14] : memref<80x128xi32, #tpu.memory_space<vmem>> -> memref<1x128xi32, #tpu.memory_space<vmem>>
    %dma_start3A_16 = tpu.memref_squeeze %dma_start3A_15 : memref<1x128xi32, #tpu.memory_space<vmem>> -> memref<128xi32, #tpu.memory_space<vmem>>
    %dma_start3A_17 = arith.constant 0 : i32
    %dma_start3A_18 = arith.constant 0 : i32
    %dma_start3A_19 = tpu.memref_slice %arg2[%dma_start3A_17, %dma_start3A_18] : memref<10000x16xf32, #tpu.memory_space<hbm>> -> memref<10000x16xf32, #tpu.memory_space<hbm>>
    tpu.enqueue_indirect_dma source(%dma_start3A_19 : memref<10000x16xf32, #tpu.memory_space<hbm>>) target(%arg9 : memref<128x16xf32, #tpu.memory_space<vmem>>) offsets(%dma_start3A_16 : memref<128xi32, #tpu.memory_space<vmem>>) semaphore(%arg19 : memref<!tpu.dma_semaphore, #tpu.memory_space<semaphore_mem>>)
    %dma_start3A_20 = arith.constant 2 : i32
    %dma_start3A_21 = arith.constant 0 : i32
    %dma_start3A_22 = tpu.memref_slice %arg6[%dma_start3A_20, %dma_start3A_21] : memref<80x128xi32, #tpu.memory_space<vmem>> -> memref<1x128xi32, #tpu.memory_space<vmem>>
    %dma_start3A_23 = tpu.memref_squeeze %dma_start3A_22 : memref<1x128xi32, #tpu.memory_space<vmem>> -> memref<128xi32, #tpu.memory_space<vmem>>
    %dma_start3A_24 = arith.constant 0 : i32
    %dma_start3A_25 = arith.constant 0 : i32
    %dma_start3A_26 = tpu.memref_slice %arg2[%dma_start3A_24, %dma_start3A_25] : memref<10000x16xf32, #tpu.memory_space<hbm>> -> memref<10000x16xf32, #tpu.memory_space<hbm>>
    tpu.enqueue_indirect_dma source(%dma_start3A_26 : memref<10000x16xf32, #tpu.memory_space<hbm>>) target(%arg10 : memref<128x16xf32, #tpu.memory_space<vmem>>) offsets(%dma_start3A_23 : memref<128xi32, #tpu.memory_space<vmem>>) semaphore(%arg20 : memref<!tpu.dma_semaphore, #tpu.memory_space<semaphore_mem>>)
    %dma_start3A_27 = arith.constant 3 : i32
    %dma_start3A_28 = arith.constant 0 : i32
    %dma_start3A_29 = tpu.memref_slice %arg6[%dma_start3A_27, %dma_start3A_28] : memref<80x128xi32, #tpu.memory_space<vmem>> -> memref<1x128xi32, #tpu.memory_space<vmem>>
    %dma_start3A_30 = tpu.memref_squeeze %dma_start3A_29 : memref<1x128xi32, #tpu.memory_space<vmem>> -> memref<128xi32, #tpu.memory_space<vmem>>
    %dma_start3A_31 = arith.constant 0 : i32
    %dma_start3A_32 = arith.constant 0 : i32
    %dma_start3A_33 = tpu.memref_slice %arg2[%dma_start3A_31, %dma_start3A_32] : memref<10000x16xf32, #tpu.memory_space<hbm>> -> memref<10000x16xf32, #tpu.memory_space<hbm>>
    tpu.enqueue_indirect_dma source(%dma_start3A_33 : memref<10000x16xf32, #tpu.memory_space<hbm>>) target(%arg11 : memref<128x16xf32, #tpu.memory_space<vmem>>) offsets(%dma_start3A_30 : memref<128xi32, #tpu.memory_space<vmem>>) semaphore(%arg21 : memref<!tpu.dma_semaphore, #tpu.memory_space<semaphore_mem>>)
    %scan3A_34 = arith.constant 0 : i32
    %scan3A_35 = arith.constant 10 : i32
    %scan3A_36 = arith.addi %scan3A_34, %scan3A_35 : i32
    %scan3A_37 = arith.constant 1 : i32
    scf.for %scan3A_71 = %scan3A_34 to %scan3A_36 step %scan3A_37  : i32 {
      %mul3A_72 = arith.constant 8 : i32
      %mul3A_73 = arith.muli %scan3A_71, %mul3A_72 : i32
      %add3A_74 = arith.constant 0 : i32
      %add3A_75 = arith.addi %mul3A_73, %add3A_74 : i32
      %dma_wait3A_76 = arith.constant 0 : i32
      %dma_wait3A_77 = tpu.memref_slice %arg6[%add3A_75, %dma_wait3A_76] : memref<80x128xi32, #tpu.memory_space<vmem>> -> memref<1x128xi32, #tpu.memory_space<vmem>>
      %dma_wait3A_78 = tpu.memref_squeeze %dma_wait3A_77 : memref<1x128xi32, #tpu.memory_space<vmem>> -> memref<128xi32, #tpu.memory_space<vmem>>
      %dma_wait3A_79 = arith.constant 0 : i32
      %dma_wait3A_80 = arith.constant 0 : i32
      %dma_wait3A_81 = tpu.memref_slice %arg2[%dma_wait3A_79, %dma_wait3A_80] : memref<10000x16xf32, #tpu.memory_space<hbm>> -> memref<10000x16xf32, #tpu.memory_space<hbm>>
      tpu.wait_indirect_dma semaphore(%arg18 : memref<!tpu.dma_semaphore, #tpu.memory_space<semaphore_mem>>) src(%dma_wait3A_81 : memref<10000x16xf32, #tpu.memory_space<hbm>>) dst(%arg8 : memref<128x16xf32, #tpu.memory_space<vmem>>)
      %dma_start3A_82 = arith.constant 0 : i32
      %dma_start3A_83 = tpu.memref_slice %arg7[%add3A_75, %dma_start3A_82] : memref<80x128xi32, #tpu.memory_space<vmem>> -> memref<1x128xi32, #tpu.memory_space<vmem>>
      %dma_start3A_84 = tpu.memref_squeeze %dma_start3A_83 : memref<1x128xi32, #tpu.memory_space<vmem>> -> memref<128xi32, #tpu.memory_space<vmem>>
      %dma_start3A_85 = arith.constant 0 : i32
      %dma_start3A_86 = arith.constant 0 : i32
      %dma_start3A_87 = tpu.memref_slice %arg17[%dma_start3A_85, %dma_start3A_86] : memref<10240x16xf32, #tpu.memory_space<vmem_shared>> -> memref<10240x16xf32, #tpu.memory_space<vmem_shared>>
      tpu.enqueue_indirect_dma source(%arg8 : memref<128x16xf32, #tpu.memory_space<vmem>>) target(%dma_start3A_87 : memref<10240x16xf32, #tpu.memory_space<vmem_shared>>) offsets(%dma_start3A_84 : memref<128xi32, #tpu.memory_space<vmem>>) semaphore(%arg26 : memref<!tpu.dma_semaphore, #tpu.memory_space<semaphore_mem>>) {add = true}
      %ge3A = arith.constant 4 : i32
      %ge3A_88 = arith.cmpi sge, %add3A_75, %ge3A : i32
      %convert_element_type3A = arith.extui %ge3A_88 : i1 to i32
      %cond3A = arith.constant 0 : i32
      %cond3A_89 = arith.cmpi ne, %convert_element_type3A, %cond3A : i32
      scf.if %cond3A_89 {
        %sub3A = arith.constant 4 : i32
        %sub3A_292 = arith.subi %add3A_75, %sub3A : i32
        %dma_wait3A_293 = arith.constant 0 : i32
        %dma_wait3A_294 = tpu.memref_slice %arg7[%sub3A_292, %dma_wait3A_293] : memref<80x128xi32, #tpu.memory_space<vmem>> -> memref<1x128xi32, #tpu.memory_space<vmem>>
        %dma_wait3A_295 = tpu.memref_squeeze %dma_wait3A_294 : memref<1x128xi32, #tpu.memory_space<vmem>> -> memref<128xi32, #tpu.memory_space<vmem>>
        %dma_wait3A_296 = arith.constant 0 : i32
        %dma_wait3A_297 = arith.constant 0 : i32
        %dma_wait3A_298 = tpu.memref_slice %arg17[%dma_wait3A_296, %dma_wait3A_297] : memref<10240x16xf32, #tpu.memory_space<vmem_shared>> -> memref<10240x16xf32, #tpu.memory_space<vmem_shared>>
        tpu.wait_indirect_dma semaphore(%arg30 : memref<!tpu.dma_semaphore, #tpu.memory_space<semaphore_mem>>) src(%arg12 : memref<128x16xf32, #tpu.memory_space<vmem>>) dst(%dma_wait3A_298 : memref<10240x16xf32, #tpu.memory_space<vmem_shared>>)
      } else {
      }
      %add3A_90 = arith.constant 4 : i32
      %add3A_91 = arith.addi %add3A_75, %add3A_90 : i32
      %lt3A = arith.constant 80 : i32
      %lt3A_92 = arith.cmpi slt, %add3A_91, %lt3A : i32
      %convert_element_type3A_93 = arith.extui %lt3A_92 : i1 to i32
      %cond3A_94 = arith.constant 0 : i32
      %cond3A_95 = arith.cmpi ne, %convert_element_type3A_93, %cond3A_94 : i32
      scf.if %cond3A_95 {
        %add3A_292 = arith.constant 4 : i32
        %add3A_293 = arith.addi %add3A_75, %add3A_292 : i32
        %dma_start3A_294 = arith.constant 0 : i32
        %dma_start3A_295 = tpu.memref_slice %arg6[%add3A_293, %dma_start3A_294] : memref<80x128xi32, #tpu.memory_space<vmem>> -> memref<1x128xi32, #tpu.memory_space<vmem>>
        %dma_start3A_296 = tpu.memref_squeeze %dma_start3A_295 : memref<1x128xi32, #tpu.memory_space<vmem>> -> memref<128xi32, #tpu.memory_space<vmem>>
        %dma_start3A_297 = arith.constant 0 : i32
        %dma_start3A_298 = arith.constant 0 : i32
        %dma_start3A_299 = tpu.memref_slice %arg2[%dma_start3A_297, %dma_start3A_298] : memref<10000x16xf32, #tpu.memory_space<hbm>> -> memref<10000x16xf32, #tpu.memory_space<hbm>>
        tpu.enqueue_indirect_dma source(%dma_start3A_299 : memref<10000x16xf32, #tpu.memory_space<hbm>>) target(%arg12 : memref<128x16xf32, #tpu.memory_space<vmem>>) offsets(%dma_start3A_296 : memref<128xi32, #tpu.memory_space<vmem>>) semaphore(%arg22 : memref<!tpu.dma_semaphore, #tpu.memory_space<semaphore_mem>>)
      } else {
      }
      %mul3A_96 = arith.constant 8 : i32
      %mul3A_97 = arith.muli %scan3A_71, %mul3A_96 : i32
      %add3A_98 = arith.constant 1 : i32
      %add3A_99 = arith.addi %mul3A_97, %add3A_98 : i32
      %dma_wait3A_100 = arith.constant 0 : i32
      %dma_wait3A_101 = tpu.memref_slice %arg6[%add3A_99, %dma_wait3A_100] : memref<80x128xi32, #tpu.memory_space<vmem>> -> memref<1x128xi32, #tpu.memory_space<vmem>>
      %dma_wait3A_102 = tpu.memref_squeeze %dma_wait3A_101 : memref<1x128xi32, #tpu.memory_space<vmem>> -> memref<128xi32, #tpu.memory_space<vmem>>
      %dma_wait3A_103 = arith.constant 0 : i32
      %dma_wait3A_104 = arith.constant 0 : i32
      %dma_wait3A_105 = tpu.memref_slice %arg2[%dma_wait3A_103, %dma_wait3A_104] : memref<10000x16xf32, #tpu.memory_space<hbm>> -> memref<10000x16xf32, #tpu.memory_space<hbm>>
      tpu.wait_indirect_dma semaphore(%arg19 : memref<!tpu.dma_semaphore, #tpu.memory_space<semaphore_mem>>) src(%dma_wait3A_105 : memref<10000x16xf32, #tpu.memory_space<hbm>>) dst(%arg9 : memref<128x16xf32, #tpu.memory_space<vmem>>)
      %dma_start3A_106 = arith.constant 0 : i32
      %dma_start3A_107 = tpu.memref_slice %arg7[%add3A_99, %dma_start3A_106] : memref<80x128xi32, #tpu.memory_space<vmem>> -> memref<1x128xi32, #tpu.memory_space<vmem>>
      %dma_start3A_108 = tpu.memref_squeeze %dma_start3A_107 : memref<1x128xi32, #tpu.memory_space<vmem>> -> memref<128xi32, #tpu.memory_space<vmem>>
      %dma_start3A_109 = arith.constant 0 : i32
      %dma_start3A_110 = arith.constant 0 : i32
      %dma_start3A_111 = tpu.memref_slice %arg17[%dma_start3A_109, %dma_start3A_110] : memref<10240x16xf32, #tpu.memory_space<vmem_shared>> -> memref<10240x16xf32, #tpu.memory_space<vmem_shared>>
      tpu.enqueue_indirect_dma source(%arg9 : memref<128x16xf32, #tpu.memory_space<vmem>>) target(%dma_start3A_111 : memref<10240x16xf32, #tpu.memory_space<vmem_shared>>) offsets(%dma_start3A_108 : memref<128xi32, #tpu.memory_space<vmem>>) semaphore(%arg27 : memref<!tpu.dma_semaphore, #tpu.memory_space<semaphore_mem>>) {add = true}
      %ge3A_112 = arith.constant 4 : i32
      %ge3A_113 = arith.cmpi sge, %add3A_99, %ge3A_112 : i32
      %convert_element_type3A_114 = arith.extui %ge3A_113 : i1 to i32
      %cond3A_115 = arith.constant 0 : i32
      %cond3A_116 = arith.cmpi ne, %convert_element_type3A_114, %cond3A_115 : i32
      scf.if %cond3A_116 {
        %sub3A = arith.constant 4 : i32
        %sub3A_292 = arith.subi %add3A_99, %sub3A : i32
        %dma_wait3A_293 = arith.constant 0 : i32
        %dma_wait3A_294 = tpu.memref_slice %arg7[%sub3A_292, %dma_wait3A_293] : memref<80x128xi32, #tpu.memory_space<vmem>> -> memref<1x128xi32, #tpu.memory_space<vmem>>
        %dma_wait3A_295 = tpu.memref_squeeze %dma_wait3A_294 : memref<1x128xi32, #tpu.memory_space<vmem>> -> memref<128xi32, #tpu.memory_space<vmem>>
        %dma_wait3A_296 = arith.constant 0 : i32
        %dma_wait3A_297 = arith.constant 0 : i32
        %dma_wait3A_298 = tpu.memref_slice %arg17[%dma_wait3A_296, %dma_wait3A_297] : memref<10240x16xf32, #tpu.memory_space<vmem_shared>> -> memref<10240x16xf32, #tpu.memory_space<vmem_shared>>
        tpu.wait_indirect_dma semaphore(%arg31 : memref<!tpu.dma_semaphore, #tpu.memory_space<semaphore_mem>>) src(%arg13 : memref<128x16xf32, #tpu.memory_space<vmem>>) dst(%dma_wait3A_298 : memref<10240x16xf32, #tpu.memory_space<vmem_shared>>)
      } else {
      }
      %add3A_117 = arith.constant 4 : i32
      %add3A_118 = arith.addi %add3A_99, %add3A_117 : i32
      %lt3A_119 = arith.constant 80 : i32
      %lt3A_120 = arith.cmpi slt, %add3A_118, %lt3A_119 : i32
      %convert_element_type3A_121 = arith.extui %lt3A_120 : i1 to i32
      %cond3A_122 = arith.constant 0 : i32
      %cond3A_123 = arith.cmpi ne, %convert_element_type3A_121, %cond3A_122 : i32
      scf.if %cond3A_123 {
        %add3A_292 = arith.constant 4 : i32
        %add3A_293 = arith.addi %add3A_99, %add3A_292 : i32
        %dma_start3A_294 = arith.constant 0 : i32
        %dma_start3A_295 = tpu.memref_slice %arg6[%add3A_293, %dma_start3A_294] : memref<80x128xi32, #tpu.memory_space<vmem>> -> memref<1x128xi32, #tpu.memory_space<vmem>>
        %dma_start3A_296 = tpu.memref_squeeze %dma_start3A_295 : memref<1x128xi32, #tpu.memory_space<vmem>> -> memref<128xi32, #tpu.memory_space<vmem>>
        %dma_start3A_297 = arith.constant 0 : i32
        %dma_start3A_298 = arith.constant 0 : i32
        %dma_start3A_299 = tpu.memref_slice %arg2[%dma_start3A_297, %dma_start3A_298] : memref<10000x16xf32, #tpu.memory_space<hbm>> -> memref<10000x16xf32, #tpu.memory_space<hbm>>
        tpu.enqueue_indirect_dma source(%dma_start3A_299 : memref<10000x16xf32, #tpu.memory_space<hbm>>) target(%arg13 : memref<128x16xf32, #tpu.memory_space<vmem>>) offsets(%dma_start3A_296 : memref<128xi32, #tpu.memory_space<vmem>>) semaphore(%arg23 : memref<!tpu.dma_semaphore, #tpu.memory_space<semaphore_mem>>)
      } else {
      }
      %mul3A_124 = arith.constant 8 : i32
      %mul3A_125 = arith.muli %scan3A_71, %mul3A_124 : i32
      %add3A_126 = arith.constant 2 : i32
      %add3A_127 = arith.addi %mul3A_125, %add3A_126 : i32
      %dma_wait3A_128 = arith.constant 0 : i32
      %dma_wait3A_129 = tpu.memref_slice %arg6[%add3A_127, %dma_wait3A_128] : memref<80x128xi32, #tpu.memory_space<vmem>> -> memref<1x128xi32, #tpu.memory_space<vmem>>
      %dma_wait3A_130 = tpu.memref_squeeze %dma_wait3A_129 : memref<1x128xi32, #tpu.memory_space<vmem>> -> memref<128xi32, #tpu.memory_space<vmem>>
      %dma_wait3A_131 = arith.constant 0 : i32
      %dma_wait3A_132 = arith.constant 0 : i32
      %dma_wait3A_133 = tpu.memref_slice %arg2[%dma_wait3A_131, %dma_wait3A_132] : memref<10000x16xf32, #tpu.memory_space<hbm>> -> memref<10000x16xf32, #tpu.memory_space<hbm>>
      tpu.wait_indirect_dma semaphore(%arg20 : memref<!tpu.dma_semaphore, #tpu.memory_space<semaphore_mem>>) src(%dma_wait3A_133 : memref<10000x16xf32, #tpu.memory_space<hbm>>) dst(%arg10 : memref<128x16xf32, #tpu.memory_space<vmem>>)
      %dma_start3A_134 = arith.constant 0 : i32
      %dma_start3A_135 = tpu.memref_slice %arg7[%add3A_127, %dma_start3A_134] : memref<80x128xi32, #tpu.memory_space<vmem>> -> memref<1x128xi32, #tpu.memory_space<vmem>>
      %dma_start3A_136 = tpu.memref_squeeze %dma_start3A_135 : memref<1x128xi32, #tpu.memory_space<vmem>> -> memref<128xi32, #tpu.memory_space<vmem>>
      %dma_start3A_137 = arith.constant 0 : i32
      %dma_start3A_138 = arith.constant 0 : i32
      %dma_start3A_139 = tpu.memref_slice %arg17[%dma_start3A_137, %dma_start3A_138] : memref<10240x16xf32, #tpu.memory_space<vmem_shared>> -> memref<10240x16xf32, #tpu.memory_space<vmem_shared>>
      tpu.enqueue_indirect_dma source(%arg10 : memref<128x16xf32, #tpu.memory_space<vmem>>) target(%dma_start3A_139 : memref<10240x16xf32, #tpu.memory_space<vmem_shared>>) offsets(%dma_start3A_136 : memref<128xi32, #tpu.memory_space<vmem>>) semaphore(%arg28 : memref<!tpu.dma_semaphore, #tpu.memory_space<semaphore_mem>>) {add = true}
      %ge3A_140 = arith.constant 4 : i32
      %ge3A_141 = arith.cmpi sge, %add3A_127, %ge3A_140 : i32
      %convert_element_type3A_142 = arith.extui %ge3A_141 : i1 to i32
      %cond3A_143 = arith.constant 0 : i32
      %cond3A_144 = arith.cmpi ne, %convert_element_type3A_142, %cond3A_143 : i32
      scf.if %cond3A_144 {
        %sub3A = arith.constant 4 : i32
        %sub3A_292 = arith.subi %add3A_127, %sub3A : i32
        %dma_wait3A_293 = arith.constant 0 : i32
        %dma_wait3A_294 = tpu.memref_slice %arg7[%sub3A_292, %dma_wait3A_293] : memref<80x128xi32, #tpu.memory_space<vmem>> -> memref<1x128xi32, #tpu.memory_space<vmem>>
        %dma_wait3A_295 = tpu.memref_squeeze %dma_wait3A_294 : memref<1x128xi32, #tpu.memory_space<vmem>> -> memref<128xi32, #tpu.memory_space<vmem>>
        %dma_wait3A_296 = arith.constant 0 : i32
        %dma_wait3A_297 = arith.constant 0 : i32
        %dma_wait3A_298 = tpu.memref_slice %arg17[%dma_wait3A_296, %dma_wait3A_297] : memref<10240x16xf32, #tpu.memory_space<vmem_shared>> -> memref<10240x16xf32, #tpu.memory_space<vmem_shared>>
        tpu.wait_indirect_dma semaphore(%arg32 : memref<!tpu.dma_semaphore, #tpu.memory_space<semaphore_mem>>) src(%arg14 : memref<128x16xf32, #tpu.memory_space<vmem>>) dst(%dma_wait3A_298 : memref<10240x16xf32, #tpu.memory_space<vmem_shared>>)
      } else {
      }
      %add3A_145 = arith.constant 4 : i32
      %add3A_146 = arith.addi %add3A_127, %add3A_145 : i32
      %lt3A_147 = arith.constant 80 : i32
      %lt3A_148 = arith.cmpi slt, %add3A_146, %lt3A_147 : i32
      %convert_element_type3A_149 = arith.extui %lt3A_148 : i1 to i32
      %cond3A_150 = arith.constant 0 : i32
      %cond3A_151 = arith.cmpi ne, %convert_element_type3A_149, %cond3A_150 : i32
      scf.if %cond3A_151 {
        %add3A_292 = arith.constant 4 : i32
        %add3A_293 = arith.addi %add3A_127, %add3A_292 : i32
        %dma_start3A_294 = arith.constant 0 : i32
        %dma_start3A_295 = tpu.memref_slice %arg6[%add3A_293, %dma_start3A_294] : memref<80x128xi32, #tpu.memory_space<vmem>> -> memref<1x128xi32, #tpu.memory_space<vmem>>
        %dma_start3A_296 = tpu.memref_squeeze %dma_start3A_295 : memref<1x128xi32, #tpu.memory_space<vmem>> -> memref<128xi32, #tpu.memory_space<vmem>>
        %dma_start3A_297 = arith.constant 0 : i32
        %dma_start3A_298 = arith.constant 0 : i32
        %dma_start3A_299 = tpu.memref_slice %arg2[%dma_start3A_297, %dma_start3A_298] : memref<10000x16xf32, #tpu.memory_space<hbm>> -> memref<10000x16xf32, #tpu.memory_space<hbm>>
        tpu.enqueue_indirect_dma source(%dma_start3A_299 : memref<10000x16xf32, #tpu.memory_space<hbm>>) target(%arg14 : memref<128x16xf32, #tpu.memory_space<vmem>>) offsets(%dma_start3A_296 : memref<128xi32, #tpu.memory_space<vmem>>) semaphore(%arg24 : memref<!tpu.dma_semaphore, #tpu.memory_space<semaphore_mem>>)
      } else {
      }
      %mul3A_152 = arith.constant 8 : i32
      %mul3A_153 = arith.muli %scan3A_71, %mul3A_152 : i32
      %add3A_154 = arith.constant 3 : i32
      %add3A_155 = arith.addi %mul3A_153, %add3A_154 : i32
      %dma_wait3A_156 = arith.constant 0 : i32
      %dma_wait3A_157 = tpu.memref_slice %arg6[%add3A_155, %dma_wait3A_156] : memref<80x128xi32, #tpu.memory_space<vmem>> -> memref<1x128xi32, #tpu.memory_space<vmem>>
      %dma_wait3A_158 = tpu.memref_squeeze %dma_wait3A_157 : memref<1x128xi32, #tpu.memory_space<vmem>> -> memref<128xi32, #tpu.memory_space<vmem>>
      %dma_wait3A_159 = arith.constant 0 : i32
      %dma_wait3A_160 = arith.constant 0 : i32
      %dma_wait3A_161 = tpu.memref_slice %arg2[%dma_wait3A_159, %dma_wait3A_160] : memref<10000x16xf32, #tpu.memory_space<hbm>> -> memref<10000x16xf32, #tpu.memory_space<hbm>>
      tpu.wait_indirect_dma semaphore(%arg21 : memref<!tpu.dma_semaphore, #tpu.memory_space<semaphore_mem>>) src(%dma_wait3A_161 : memref<10000x16xf32, #tpu.memory_space<hbm>>) dst(%arg11 : memref<128x16xf32, #tpu.memory_space<vmem>>)
      %dma_start3A_162 = arith.constant 0 : i32
      %dma_start3A_163 = tpu.memref_slice %arg7[%add3A_155, %dma_start3A_162] : memref<80x128xi32, #tpu.memory_space<vmem>> -> memref<1x128xi32, #tpu.memory_space<vmem>>
      %dma_start3A_164 = tpu.memref_squeeze %dma_start3A_163 : memref<1x128xi32, #tpu.memory_space<vmem>> -> memref<128xi32, #tpu.memory_space<vmem>>
      %dma_start3A_165 = arith.constant 0 : i32
      %dma_start3A_166 = arith.constant 0 : i32
      %dma_start3A_167 = tpu.memref_slice %arg17[%dma_start3A_165, %dma_start3A_166] : memref<10240x16xf32, #tpu.memory_space<vmem_shared>> -> memref<10240x16xf32, #tpu.memory_space<vmem_shared>>
      tpu.enqueue_indirect_dma source(%arg11 : memref<128x16xf32, #tpu.memory_space<vmem>>) target(%dma_start3A_167 : memref<10240x16xf32, #tpu.memory_space<vmem_shared>>) offsets(%dma_start3A_164 : memref<128xi32, #tpu.memory_space<vmem>>) semaphore(%arg29 : memref<!tpu.dma_semaphore, #tpu.memory_space<semaphore_mem>>) {add = true}
      %ge3A_168 = arith.constant 4 : i32
      %ge3A_169 = arith.cmpi sge, %add3A_155, %ge3A_168 : i32
      %convert_element_type3A_170 = arith.extui %ge3A_169 : i1 to i32
      %cond3A_171 = arith.constant 0 : i32
      %cond3A_172 = arith.cmpi ne, %convert_element_type3A_170, %cond3A_171 : i32
      scf.if %cond3A_172 {
        %sub3A = arith.constant 4 : i32
        %sub3A_292 = arith.subi %add3A_155, %sub3A : i32
        %dma_wait3A_293 = arith.constant 0 : i32
        %dma_wait3A_294 = tpu.memref_slice %arg7[%sub3A_292, %dma_wait3A_293] : memref<80x128xi32, #tpu.memory_space<vmem>> -> memref<1x128xi32, #tpu.memory_space<vmem>>
        %dma_wait3A_295 = tpu.memref_squeeze %dma_wait3A_294 : memref<1x128xi32, #tpu.memory_space<vmem>> -> memref<128xi32, #tpu.memory_space<vmem>>
        %dma_wait3A_296 = arith.constant 0 : i32
        %dma_wait3A_297 = arith.constant 0 : i32
        %dma_wait3A_298 = tpu.memref_slice %arg17[%dma_wait3A_296, %dma_wait3A_297] : memref<10240x16xf32, #tpu.memory_space<vmem_shared>> -> memref<10240x16xf32, #tpu.memory_space<vmem_shared>>
        tpu.wait_indirect_dma semaphore(%arg33 : memref<!tpu.dma_semaphore, #tpu.memory_space<semaphore_mem>>) src(%arg15 : memref<128x16xf32, #tpu.memory_space<vmem>>) dst(%dma_wait3A_298 : memref<10240x16xf32, #tpu.memory_space<vmem_shared>>)
      } else {
      }
      %add3A_173 = arith.constant 4 : i32
      %add3A_174 = arith.addi %add3A_155, %add3A_173 : i32
      %lt3A_175 = arith.constant 80 : i32
      %lt3A_176 = arith.cmpi slt, %add3A_174, %lt3A_175 : i32
      %convert_element_type3A_177 = arith.extui %lt3A_176 : i1 to i32
      %cond3A_178 = arith.constant 0 : i32
      %cond3A_179 = arith.cmpi ne, %convert_element_type3A_177, %cond3A_178 : i32
      scf.if %cond3A_179 {
        %add3A_292 = arith.constant 4 : i32
        %add3A_293 = arith.addi %add3A_155, %add3A_292 : i32
        %dma_start3A_294 = arith.constant 0 : i32
        %dma_start3A_295 = tpu.memref_slice %arg6[%add3A_293, %dma_start3A_294] : memref<80x128xi32, #tpu.memory_space<vmem>> -> memref<1x128xi32, #tpu.memory_space<vmem>>
        %dma_start3A_296 = tpu.memref_squeeze %dma_start3A_295 : memref<1x128xi32, #tpu.memory_space<vmem>> -> memref<128xi32, #tpu.memory_space<vmem>>
        %dma_start3A_297 = arith.constant 0 : i32
        %dma_start3A_298 = arith.constant 0 : i32
        %dma_start3A_299 = tpu.memref_slice %arg2[%dma_start3A_297, %dma_start3A_298] : memref<10000x16xf32, #tpu.memory_space<hbm>> -> memref<10000x16xf32, #tpu.memory_space<hbm>>
        tpu.enqueue_indirect_dma source(%dma_start3A_299 : memref<10000x16xf32, #tpu.memory_space<hbm>>) target(%arg15 : memref<128x16xf32, #tpu.memory_space<vmem>>) offsets(%dma_start3A_296 : memref<128xi32, #tpu.memory_space<vmem>>) semaphore(%arg25 : memref<!tpu.dma_semaphore, #tpu.memory_space<semaphore_mem>>)
      } else {
      }
      %mul3A_180 = arith.constant 8 : i32
      %mul3A_181 = arith.muli %scan3A_71, %mul3A_180 : i32
      %add3A_182 = arith.constant 4 : i32
      %add3A_183 = arith.addi %mul3A_181, %add3A_182 : i32
      %dma_wait3A_184 = arith.constant 0 : i32
      %dma_wait3A_185 = tpu.memref_slice %arg6[%add3A_183, %dma_wait3A_184] : memref<80x128xi32, #tpu.memory_space<vmem>> -> memref<1x128xi32, #tpu.memory_space<vmem>>
      %dma_wait3A_186 = tpu.memref_squeeze %dma_wait3A_185 : memref<1x128xi32, #tpu.memory_space<vmem>> -> memref<128xi32, #tpu.memory_space<vmem>>
      %dma_wait3A_187 = arith.constant 0 : i32
      %dma_wait3A_188 = arith.constant 0 : i32
      %dma_wait3A_189 = tpu.memref_slice %arg2[%dma_wait3A_187, %dma_wait3A_188] : memref<10000x16xf32, #tpu.memory_space<hbm>> -> memref<10000x16xf32, #tpu.memory_space<hbm>>
      tpu.wait_indirect_dma semaphore(%arg22 : memref<!tpu.dma_semaphore, #tpu.memory_space<semaphore_mem>>) src(%dma_wait3A_189 : memref<10000x16xf32, #tpu.memory_space<hbm>>) dst(%arg12 : memref<128x16xf32, #tpu.memory_space<vmem>>)
      %dma_start3A_190 = arith.constant 0 : i32
      %dma_start3A_191 = tpu.memref_slice %arg7[%add3A_183, %dma_start3A_190] : memref<80x128xi32, #tpu.memory_space<vmem>> -> memref<1x128xi32, #tpu.memory_space<vmem>>
      %dma_start3A_192 = tpu.memref_squeeze %dma_start3A_191 : memref<1x128xi32, #tpu.memory_space<vmem>> -> memref<128xi32, #tpu.memory_space<vmem>>
      %dma_start3A_193 = arith.constant 0 : i32
      %dma_start3A_194 = arith.constant 0 : i32
      %dma_start3A_195 = tpu.memref_slice %arg17[%dma_start3A_193, %dma_start3A_194] : memref<10240x16xf32, #tpu.memory_space<vmem_shared>> -> memref<10240x16xf32, #tpu.memory_space<vmem_shared>>
      tpu.enqueue_indirect_dma source(%arg12 : memref<128x16xf32, #tpu.memory_space<vmem>>) target(%dma_start3A_195 : memref<10240x16xf32, #tpu.memory_space<vmem_shared>>) offsets(%dma_start3A_192 : memref<128xi32, #tpu.memory_space<vmem>>) semaphore(%arg30 : memref<!tpu.dma_semaphore, #tpu.memory_space<semaphore_mem>>) {add = true}
      %ge3A_196 = arith.constant 4 : i32
      %ge3A_197 = arith.cmpi sge, %add3A_183, %ge3A_196 : i32
      %convert_element_type3A_198 = arith.extui %ge3A_197 : i1 to i32
      %cond3A_199 = arith.constant 0 : i32
      %cond3A_200 = arith.cmpi ne, %convert_element_type3A_198, %cond3A_199 : i32
      scf.if %cond3A_200 {
        %sub3A = arith.constant 4 : i32
        %sub3A_292 = arith.subi %add3A_183, %sub3A : i32
        %dma_wait3A_293 = arith.constant 0 : i32
        %dma_wait3A_294 = tpu.memref_slice %arg7[%sub3A_292, %dma_wait3A_293] : memref<80x128xi32, #tpu.memory_space<vmem>> -> memref<1x128xi32, #tpu.memory_space<vmem>>
        %dma_wait3A_295 = tpu.memref_squeeze %dma_wait3A_294 : memref<1x128xi32, #tpu.memory_space<vmem>> -> memref<128xi32, #tpu.memory_space<vmem>>
        %dma_wait3A_296 = arith.constant 0 : i32
        %dma_wait3A_297 = arith.constant 0 : i32
        %dma_wait3A_298 = tpu.memref_slice %arg17[%dma_wait3A_296, %dma_wait3A_297] : memref<10240x16xf32, #tpu.memory_space<vmem_shared>> -> memref<10240x16xf32, #tpu.memory_space<vmem_shared>>
        tpu.wait_indirect_dma semaphore(%arg26 : memref<!tpu.dma_semaphore, #tpu.memory_space<semaphore_mem>>) src(%arg8 : memref<128x16xf32, #tpu.memory_space<vmem>>) dst(%dma_wait3A_298 : memref<10240x16xf32, #tpu.memory_space<vmem_shared>>)
      } else {
      }
      %add3A_201 = arith.constant 4 : i32
      %add3A_202 = arith.addi %add3A_183, %add3A_201 : i32
      %lt3A_203 = arith.constant 80 : i32
      %lt3A_204 = arith.cmpi slt, %add3A_202, %lt3A_203 : i32
      %convert_element_type3A_205 = arith.extui %lt3A_204 : i1 to i32
      %cond3A_206 = arith.constant 0 : i32
      %cond3A_207 = arith.cmpi ne, %convert_element_type3A_205, %cond3A_206 : i32
      scf.if %cond3A_207 {
        %add3A_292 = arith.constant 4 : i32
        %add3A_293 = arith.addi %add3A_183, %add3A_292 : i32
        %dma_start3A_294 = arith.constant 0 : i32
        %dma_start3A_295 = tpu.memref_slice %arg6[%add3A_293, %dma_start3A_294] : memref<80x128xi32, #tpu.memory_space<vmem>> -> memref<1x128xi32, #tpu.memory_space<vmem>>
        %dma_start3A_296 = tpu.memref_squeeze %dma_start3A_295 : memref<1x128xi32, #tpu.memory_space<vmem>> -> memref<128xi32, #tpu.memory_space<vmem>>
        %dma_start3A_297 = arith.constant 0 : i32
        %dma_start3A_298 = arith.constant 0 : i32
        %dma_start3A_299 = tpu.memref_slice %arg2[%dma_start3A_297, %dma_start3A_298] : memref<10000x16xf32, #tpu.memory_space<hbm>> -> memref<10000x16xf32, #tpu.memory_space<hbm>>
        tpu.enqueue_indirect_dma source(%dma_start3A_299 : memref<10000x16xf32, #tpu.memory_space<hbm>>) target(%arg8 : memref<128x16xf32, #tpu.memory_space<vmem>>) offsets(%dma_start3A_296 : memref<128xi32, #tpu.memory_space<vmem>>) semaphore(%arg18 : memref<!tpu.dma_semaphore, #tpu.memory_space<semaphore_mem>>)
      } else {
      }
      %mul3A_208 = arith.constant 8 : i32
      %mul3A_209 = arith.muli %scan3A_71, %mul3A_208 : i32
      %add3A_210 = arith.constant 5 : i32
      %add3A_211 = arith.addi %mul3A_209, %add3A_210 : i32
      %dma_wait3A_212 = arith.constant 0 : i32
      %dma_wait3A_213 = tpu.memref_slice %arg6[%add3A_211, %dma_wait3A_212] : memref<80x128xi32, #tpu.memory_space<vmem>> -> memref<1x128xi32, #tpu.memory_space<vmem>>
      %dma_wait3A_214 = tpu.memref_squeeze %dma_wait3A_213 : memref<1x128xi32, #tpu.memory_space<vmem>> -> memref<128xi32, #tpu.memory_space<vmem>>
      %dma_wait3A_215 = arith.constant 0 : i32
      %dma_wait3A_216 = arith.constant 0 : i32
      %dma_wait3A_217 = tpu.memref_slice %arg2[%dma_wait3A_215, %dma_wait3A_216] : memref<10000x16xf32, #tpu.memory_space<hbm>> -> memref<10000x16xf32, #tpu.memory_space<hbm>>
      tpu.wait_indirect_dma semaphore(%arg23 : memref<!tpu.dma_semaphore, #tpu.memory_space<semaphore_mem>>) src(%dma_wait3A_217 : memref<10000x16xf32, #tpu.memory_space<hbm>>) dst(%arg13 : memref<128x16xf32, #tpu.memory_space<vmem>>)
      %dma_start3A_218 = arith.constant 0 : i32
      %dma_start3A_219 = tpu.memref_slice %arg7[%add3A_211, %dma_start3A_218] : memref<80x128xi32, #tpu.memory_space<vmem>> -> memref<1x128xi32, #tpu.memory_space<vmem>>
      %dma_start3A_220 = tpu.memref_squeeze %dma_start3A_219 : memref<1x128xi32, #tpu.memory_space<vmem>> -> memref<128xi32, #tpu.memory_space<vmem>>
      %dma_start3A_221 = arith.constant 0 : i32
      %dma_start3A_222 = arith.constant 0 : i32
      %dma_start3A_223 = tpu.memref_slice %arg17[%dma_start3A_221, %dma_start3A_222] : memref<10240x16xf32, #tpu.memory_space<vmem_shared>> -> memref<10240x16xf32, #tpu.memory_space<vmem_shared>>
      tpu.enqueue_indirect_dma source(%arg13 : memref<128x16xf32, #tpu.memory_space<vmem>>) target(%dma_start3A_223 : memref<10240x16xf32, #tpu.memory_space<vmem_shared>>) offsets(%dma_start3A_220 : memref<128xi32, #tpu.memory_space<vmem>>) semaphore(%arg31 : memref<!tpu.dma_semaphore, #tpu.memory_space<semaphore_mem>>) {add = true}
      %ge3A_224 = arith.constant 4 : i32
      %ge3A_225 = arith.cmpi sge, %add3A_211, %ge3A_224 : i32
      %convert_element_type3A_226 = arith.extui %ge3A_225 : i1 to i32
      %cond3A_227 = arith.constant 0 : i32
      %cond3A_228 = arith.cmpi ne, %convert_element_type3A_226, %cond3A_227 : i32
      scf.if %cond3A_228 {
        %sub3A = arith.constant 4 : i32
        %sub3A_292 = arith.subi %add3A_211, %sub3A : i32
        %dma_wait3A_293 = arith.constant 0 : i32
        %dma_wait3A_294 = tpu.memref_slice %arg7[%sub3A_292, %dma_wait3A_293] : memref<80x128xi32, #tpu.memory_space<vmem>> -> memref<1x128xi32, #tpu.memory_space<vmem>>
        %dma_wait3A_295 = tpu.memref_squeeze %dma_wait3A_294 : memref<1x128xi32, #tpu.memory_space<vmem>> -> memref<128xi32, #tpu.memory_space<vmem>>
        %dma_wait3A_296 = arith.constant 0 : i32
        %dma_wait3A_297 = arith.constant 0 : i32
        %dma_wait3A_298 = tpu.memref_slice %arg17[%dma_wait3A_296, %dma_wait3A_297] : memref<10240x16xf32, #tpu.memory_space<vmem_shared>> -> memref<10240x16xf32, #tpu.memory_space<vmem_shared>>
        tpu.wait_indirect_dma semaphore(%arg27 : memref<!tpu.dma_semaphore, #tpu.memory_space<semaphore_mem>>) src(%arg9 : memref<128x16xf32, #tpu.memory_space<vmem>>) dst(%dma_wait3A_298 : memref<10240x16xf32, #tpu.memory_space<vmem_shared>>)
      } else {
      }
      %add3A_229 = arith.constant 4 : i32
      %add3A_230 = arith.addi %add3A_211, %add3A_229 : i32
      %lt3A_231 = arith.constant 80 : i32
      %lt3A_232 = arith.cmpi slt, %add3A_230, %lt3A_231 : i32
      %convert_element_type3A_233 = arith.extui %lt3A_232 : i1 to i32
      %cond3A_234 = arith.constant 0 : i32
      %cond3A_235 = arith.cmpi ne, %convert_element_type3A_233, %cond3A_234 : i32
      scf.if %cond3A_235 {
        %add3A_292 = arith.constant 4 : i32
        %add3A_293 = arith.addi %add3A_211, %add3A_292 : i32
        %dma_start3A_294 = arith.constant 0 : i32
        %dma_start3A_295 = tpu.memref_slice %arg6[%add3A_293, %dma_start3A_294] : memref<80x128xi32, #tpu.memory_space<vmem>> -> memref<1x128xi32, #tpu.memory_space<vmem>>
        %dma_start3A_296 = tpu.memref_squeeze %dma_start3A_295 : memref<1x128xi32, #tpu.memory_space<vmem>> -> memref<128xi32, #tpu.memory_space<vmem>>
        %dma_start3A_297 = arith.constant 0 : i32
        %dma_start3A_298 = arith.constant 0 : i32
        %dma_start3A_299 = tpu.memref_slice %arg2[%dma_start3A_297, %dma_start3A_298] : memref<10000x16xf32, #tpu.memory_space<hbm>> -> memref<10000x16xf32, #tpu.memory_space<hbm>>
        tpu.enqueue_indirect_dma source(%dma_start3A_299 : memref<10000x16xf32, #tpu.memory_space<hbm>>) target(%arg9 : memref<128x16xf32, #tpu.memory_space<vmem>>) offsets(%dma_start3A_296 : memref<128xi32, #tpu.memory_space<vmem>>) semaphore(%arg19 : memref<!tpu.dma_semaphore, #tpu.memory_space<semaphore_mem>>)
      } else {
      }
      %mul3A_236 = arith.constant 8 : i32
      %mul3A_237 = arith.muli %scan3A_71, %mul3A_236 : i32
      %add3A_238 = arith.constant 6 : i32
      %add3A_239 = arith.addi %mul3A_237, %add3A_238 : i32
      %dma_wait3A_240 = arith.constant 0 : i32
      %dma_wait3A_241 = tpu.memref_slice %arg6[%add3A_239, %dma_wait3A_240] : memref<80x128xi32, #tpu.memory_space<vmem>> -> memref<1x128xi32, #tpu.memory_space<vmem>>
      %dma_wait3A_242 = tpu.memref_squeeze %dma_wait3A_241 : memref<1x128xi32, #tpu.memory_space<vmem>> -> memref<128xi32, #tpu.memory_space<vmem>>
      %dma_wait3A_243 = arith.constant 0 : i32
      %dma_wait3A_244 = arith.constant 0 : i32
      %dma_wait3A_245 = tpu.memref_slice %arg2[%dma_wait3A_243, %dma_wait3A_244] : memref<10000x16xf32, #tpu.memory_space<hbm>> -> memref<10000x16xf32, #tpu.memory_space<hbm>>
      tpu.wait_indirect_dma semaphore(%arg24 : memref<!tpu.dma_semaphore, #tpu.memory_space<semaphore_mem>>) src(%dma_wait3A_245 : memref<10000x16xf32, #tpu.memory_space<hbm>>) dst(%arg14 : memref<128x16xf32, #tpu.memory_space<vmem>>)
      %dma_start3A_246 = arith.constant 0 : i32
      %dma_start3A_247 = tpu.memref_slice %arg7[%add3A_239, %dma_start3A_246] : memref<80x128xi32, #tpu.memory_space<vmem>> -> memref<1x128xi32, #tpu.memory_space<vmem>>
      %dma_start3A_248 = tpu.memref_squeeze %dma_start3A_247 : memref<1x128xi32, #tpu.memory_space<vmem>> -> memref<128xi32, #tpu.memory_space<vmem>>
      %dma_start3A_249 = arith.constant 0 : i32
      %dma_start3A_250 = arith.constant 0 : i32
      %dma_start3A_251 = tpu.memref_slice %arg17[%dma_start3A_249, %dma_start3A_250] : memref<10240x16xf32, #tpu.memory_space<vmem_shared>> -> memref<10240x16xf32, #tpu.memory_space<vmem_shared>>
      tpu.enqueue_indirect_dma source(%arg14 : memref<128x16xf32, #tpu.memory_space<vmem>>) target(%dma_start3A_251 : memref<10240x16xf32, #tpu.memory_space<vmem_shared>>) offsets(%dma_start3A_248 : memref<128xi32, #tpu.memory_space<vmem>>) semaphore(%arg32 : memref<!tpu.dma_semaphore, #tpu.memory_space<semaphore_mem>>) {add = true}
      %ge3A_252 = arith.constant 4 : i32
      %ge3A_253 = arith.cmpi sge, %add3A_239, %ge3A_252 : i32
      %convert_element_type3A_254 = arith.extui %ge3A_253 : i1 to i32
      %cond3A_255 = arith.constant 0 : i32
      %cond3A_256 = arith.cmpi ne, %convert_element_type3A_254, %cond3A_255 : i32
      scf.if %cond3A_256 {
        %sub3A = arith.constant 4 : i32
        %sub3A_292 = arith.subi %add3A_239, %sub3A : i32
        %dma_wait3A_293 = arith.constant 0 : i32
        %dma_wait3A_294 = tpu.memref_slice %arg7[%sub3A_292, %dma_wait3A_293] : memref<80x128xi32, #tpu.memory_space<vmem>> -> memref<1x128xi32, #tpu.memory_space<vmem>>
        %dma_wait3A_295 = tpu.memref_squeeze %dma_wait3A_294 : memref<1x128xi32, #tpu.memory_space<vmem>> -> memref<128xi32, #tpu.memory_space<vmem>>
        %dma_wait3A_296 = arith.constant 0 : i32
        %dma_wait3A_297 = arith.constant 0 : i32
        %dma_wait3A_298 = tpu.memref_slice %arg17[%dma_wait3A_296, %dma_wait3A_297] : memref<10240x16xf32, #tpu.memory_space<vmem_shared>> -> memref<10240x16xf32, #tpu.memory_space<vmem_shared>>
        tpu.wait_indirect_dma semaphore(%arg28 : memref<!tpu.dma_semaphore, #tpu.memory_space<semaphore_mem>>) src(%arg10 : memref<128x16xf32, #tpu.memory_space<vmem>>) dst(%dma_wait3A_298 : memref<10240x16xf32, #tpu.memory_space<vmem_shared>>)
      } else {
      }
      %add3A_257 = arith.constant 4 : i32
      %add3A_258 = arith.addi %add3A_239, %add3A_257 : i32
      %lt3A_259 = arith.constant 80 : i32
      %lt3A_260 = arith.cmpi slt, %add3A_258, %lt3A_259 : i32
      %convert_element_type3A_261 = arith.extui %lt3A_260 : i1 to i32
      %cond3A_262 = arith.constant 0 : i32
      %cond3A_263 = arith.cmpi ne, %convert_element_type3A_261, %cond3A_262 : i32
      scf.if %cond3A_263 {
        %add3A_292 = arith.constant 4 : i32
        %add3A_293 = arith.addi %add3A_239, %add3A_292 : i32
        %dma_start3A_294 = arith.constant 0 : i32
        %dma_start3A_295 = tpu.memref_slice %arg6[%add3A_293, %dma_start3A_294] : memref<80x128xi32, #tpu.memory_space<vmem>> -> memref<1x128xi32, #tpu.memory_space<vmem>>
        %dma_start3A_296 = tpu.memref_squeeze %dma_start3A_295 : memref<1x128xi32, #tpu.memory_space<vmem>> -> memref<128xi32, #tpu.memory_space<vmem>>
        %dma_start3A_297 = arith.constant 0 : i32
        %dma_start3A_298 = arith.constant 0 : i32
        %dma_start3A_299 = tpu.memref_slice %arg2[%dma_start3A_297, %dma_start3A_298] : memref<10000x16xf32, #tpu.memory_space<hbm>> -> memref<10000x16xf32, #tpu.memory_space<hbm>>
        tpu.enqueue_indirect_dma source(%dma_start3A_299 : memref<10000x16xf32, #tpu.memory_space<hbm>>) target(%arg10 : memref<128x16xf32, #tpu.memory_space<vmem>>) offsets(%dma_start3A_296 : memref<128xi32, #tpu.memory_space<vmem>>) semaphore(%arg20 : memref<!tpu.dma_semaphore, #tpu.memory_space<semaphore_mem>>)
      } else {
      }
      %mul3A_264 = arith.constant 8 : i32
      %mul3A_265 = arith.muli %scan3A_71, %mul3A_264 : i32
      %add3A_266 = arith.constant 7 : i32
      %add3A_267 = arith.addi %mul3A_265, %add3A_266 : i32
      %dma_wait3A_268 = arith.constant 0 : i32
      %dma_wait3A_269 = tpu.memref_slice %arg6[%add3A_267, %dma_wait3A_268] : memref<80x128xi32, #tpu.memory_space<vmem>> -> memref<1x128xi32, #tpu.memory_space<vmem>>
      %dma_wait3A_270 = tpu.memref_squeeze %dma_wait3A_269 : memref<1x128xi32, #tpu.memory_space<vmem>> -> memref<128xi32, #tpu.memory_space<vmem>>
      %dma_wait3A_271 = arith.constant 0 : i32
      %dma_wait3A_272 = arith.constant 0 : i32
      %dma_wait3A_273 = tpu.memref_slice %arg2[%dma_wait3A_271, %dma_wait3A_272] : memref<10000x16xf32, #tpu.memory_space<hbm>> -> memref<10000x16xf32, #tpu.memory_space<hbm>>
      tpu.wait_indirect_dma semaphore(%arg25 : memref<!tpu.dma_semaphore, #tpu.memory_space<semaphore_mem>>) src(%dma_wait3A_273 : memref<10000x16xf32, #tpu.memory_space<hbm>>) dst(%arg15 : memref<128x16xf32, #tpu.memory_space<vmem>>)
      %dma_start3A_274 = arith.constant 0 : i32
      %dma_start3A_275 = tpu.memref_slice %arg7[%add3A_267, %dma_start3A_274] : memref<80x128xi32, #tpu.memory_space<vmem>> -> memref<1x128xi32, #tpu.memory_space<vmem>>
      %dma_start3A_276 = tpu.memref_squeeze %dma_start3A_275 : memref<1x128xi32, #tpu.memory_space<vmem>> -> memref<128xi32, #tpu.memory_space<vmem>>
      %dma_start3A_277 = arith.constant 0 : i32
      %dma_start3A_278 = arith.constant 0 : i32
      %dma_start3A_279 = tpu.memref_slice %arg17[%dma_start3A_277, %dma_start3A_278] : memref<10240x16xf32, #tpu.memory_space<vmem_shared>> -> memref<10240x16xf32, #tpu.memory_space<vmem_shared>>
      tpu.enqueue_indirect_dma source(%arg15 : memref<128x16xf32, #tpu.memory_space<vmem>>) target(%dma_start3A_279 : memref<10240x16xf32, #tpu.memory_space<vmem_shared>>) offsets(%dma_start3A_276 : memref<128xi32, #tpu.memory_space<vmem>>) semaphore(%arg33 : memref<!tpu.dma_semaphore, #tpu.memory_space<semaphore_mem>>) {add = true}
      %ge3A_280 = arith.constant 4 : i32
      %ge3A_281 = arith.cmpi sge, %add3A_267, %ge3A_280 : i32
      %convert_element_type3A_282 = arith.extui %ge3A_281 : i1 to i32
      %cond3A_283 = arith.constant 0 : i32
      %cond3A_284 = arith.cmpi ne, %convert_element_type3A_282, %cond3A_283 : i32
      scf.if %cond3A_284 {
        %sub3A = arith.constant 4 : i32
        %sub3A_292 = arith.subi %add3A_267, %sub3A : i32
        %dma_wait3A_293 = arith.constant 0 : i32
        %dma_wait3A_294 = tpu.memref_slice %arg7[%sub3A_292, %dma_wait3A_293] : memref<80x128xi32, #tpu.memory_space<vmem>> -> memref<1x128xi32, #tpu.memory_space<vmem>>
        %dma_wait3A_295 = tpu.memref_squeeze %dma_wait3A_294 : memref<1x128xi32, #tpu.memory_space<vmem>> -> memref<128xi32, #tpu.memory_space<vmem>>
        %dma_wait3A_296 = arith.constant 0 : i32
        %dma_wait3A_297 = arith.constant 0 : i32
        %dma_wait3A_298 = tpu.memref_slice %arg17[%dma_wait3A_296, %dma_wait3A_297] : memref<10240x16xf32, #tpu.memory_space<vmem_shared>> -> memref<10240x16xf32, #tpu.memory_space<vmem_shared>>
        tpu.wait_indirect_dma semaphore(%arg29 : memref<!tpu.dma_semaphore, #tpu.memory_space<semaphore_mem>>) src(%arg11 : memref<128x16xf32, #tpu.memory_space<vmem>>) dst(%dma_wait3A_298 : memref<10240x16xf32, #tpu.memory_space<vmem_shared>>)
      } else {
      }
      %add3A_285 = arith.constant 4 : i32
      %add3A_286 = arith.addi %add3A_267, %add3A_285 : i32
      %lt3A_287 = arith.constant 80 : i32
      %lt3A_288 = arith.cmpi slt, %add3A_286, %lt3A_287 : i32
      %convert_element_type3A_289 = arith.extui %lt3A_288 : i1 to i32
      %cond3A_290 = arith.constant 0 : i32
      %cond3A_291 = arith.cmpi ne, %convert_element_type3A_289, %cond3A_290 : i32
      scf.if %cond3A_291 {
        %add3A_292 = arith.constant 4 : i32
        %add3A_293 = arith.addi %add3A_267, %add3A_292 : i32
        %dma_start3A_294 = arith.constant 0 : i32
        %dma_start3A_295 = tpu.memref_slice %arg6[%add3A_293, %dma_start3A_294] : memref<80x128xi32, #tpu.memory_space<vmem>> -> memref<1x128xi32, #tpu.memory_space<vmem>>
        %dma_start3A_296 = tpu.memref_squeeze %dma_start3A_295 : memref<1x128xi32, #tpu.memory_space<vmem>> -> memref<128xi32, #tpu.memory_space<vmem>>
        %dma_start3A_297 = arith.constant 0 : i32
        %dma_start3A_298 = arith.constant 0 : i32
        %dma_start3A_299 = tpu.memref_slice %arg2[%dma_start3A_297, %dma_start3A_298] : memref<10000x16xf32, #tpu.memory_space<hbm>> -> memref<10000x16xf32, #tpu.memory_space<hbm>>
        tpu.enqueue_indirect_dma source(%dma_start3A_299 : memref<10000x16xf32, #tpu.memory_space<hbm>>) target(%arg11 : memref<128x16xf32, #tpu.memory_space<vmem>>) offsets(%dma_start3A_296 : memref<128xi32, #tpu.memory_space<vmem>>) semaphore(%arg21 : memref<!tpu.dma_semaphore, #tpu.memory_space<semaphore_mem>>)
      } else {
      }
    }
    %scan3A_38 = arith.constant 10 : i32
    %dma_wait3A = arith.constant 76 : i32
    %dma_wait3A_39 = arith.constant 0 : i32
    %dma_wait3A_40 = tpu.memref_slice %arg7[%dma_wait3A, %dma_wait3A_39] : memref<80x128xi32, #tpu.memory_space<vmem>> -> memref<1x128xi32, #tpu.memory_space<vmem>>
    %dma_wait3A_41 = tpu.memref_squeeze %dma_wait3A_40 : memref<1x128xi32, #tpu.memory_space<vmem>> -> memref<128xi32, #tpu.memory_space<vmem>>
    %dma_wait3A_42 = arith.constant 0 : i32
    %dma_wait3A_43 = arith.constant 0 : i32
    %dma_wait3A_44 = tpu.memref_slice %arg17[%dma_wait3A_42, %dma_wait3A_43] : memref<10240x16xf32, #tpu.memory_space<vmem_shared>> -> memref<10240x16xf32, #tpu.memory_space<vmem_shared>>
    tpu.wait_indirect_dma semaphore(%arg30 : memref<!tpu.dma_semaphore, #tpu.memory_space<semaphore_mem>>) src(%arg12 : memref<128x16xf32, #tpu.memory_space<vmem>>) dst(%dma_wait3A_44 : memref<10240x16xf32, #tpu.memory_space<vmem_shared>>)
    %dma_wait3A_45 = arith.constant 77 : i32
    %dma_wait3A_46 = arith.constant 0 : i32
    %dma_wait3A_47 = tpu.memref_slice %arg7[%dma_wait3A_45, %dma_wait3A_46] : memref<80x128xi32, #tpu.memory_space<vmem>> -> memref<1x128xi32, #tpu.memory_space<vmem>>
    %dma_wait3A_48 = tpu.memref_squeeze %dma_wait3A_47 : memref<1x128xi32, #tpu.memory_space<vmem>> -> memref<128xi32, #tpu.memory_space<vmem>>
    %dma_wait3A_49 = arith.constant 0 : i32
    %dma_wait3A_50 = arith.constant 0 : i32
    %dma_wait3A_51 = tpu.memref_slice %arg17[%dma_wait3A_49, %dma_wait3A_50] : memref<10240x16xf32, #tpu.memory_space<vmem_shared>> -> memref<10240x16xf32, #tpu.memory_space<vmem_shared>>
    tpu.wait_indirect_dma semaphore(%arg31 : memref<!tpu.dma_semaphore, #tpu.memory_space<semaphore_mem>>) src(%arg13 : memref<128x16xf32, #tpu.memory_space<vmem>>) dst(%dma_wait3A_51 : memref<10240x16xf32, #tpu.memory_space<vmem_shared>>)
    %dma_wait3A_52 = arith.constant 78 : i32
    %dma_wait3A_53 = arith.constant 0 : i32
    %dma_wait3A_54 = tpu.memref_slice %arg7[%dma_wait3A_52, %dma_wait3A_53] : memref<80x128xi32, #tpu.memory_space<vmem>> -> memref<1x128xi32, #tpu.memory_space<vmem>>
    %dma_wait3A_55 = tpu.memref_squeeze %dma_wait3A_54 : memref<1x128xi32, #tpu.memory_space<vmem>> -> memref<128xi32, #tpu.memory_space<vmem>>
    %dma_wait3A_56 = arith.constant 0 : i32
    %dma_wait3A_57 = arith.constant 0 : i32
    %dma_wait3A_58 = tpu.memref_slice %arg17[%dma_wait3A_56, %dma_wait3A_57] : memref<10240x16xf32, #tpu.memory_space<vmem_shared>> -> memref<10240x16xf32, #tpu.memory_space<vmem_shared>>
    tpu.wait_indirect_dma semaphore(%arg32 : memref<!tpu.dma_semaphore, #tpu.memory_space<semaphore_mem>>) src(%arg14 : memref<128x16xf32, #tpu.memory_space<vmem>>) dst(%dma_wait3A_58 : memref<10240x16xf32, #tpu.memory_space<vmem_shared>>)
    %dma_wait3A_59 = arith.constant 79 : i32
    %dma_wait3A_60 = arith.constant 0 : i32
    %dma_wait3A_61 = tpu.memref_slice %arg7[%dma_wait3A_59, %dma_wait3A_60] : memref<80x128xi32, #tpu.memory_space<vmem>> -> memref<1x128xi32, #tpu.memory_space<vmem>>
    %dma_wait3A_62 = tpu.memref_squeeze %dma_wait3A_61 : memref<1x128xi32, #tpu.memory_space<vmem>> -> memref<128xi32, #tpu.memory_space<vmem>>
    %dma_wait3A_63 = arith.constant 0 : i32
    %dma_wait3A_64 = arith.constant 0 : i32
    %dma_wait3A_65 = tpu.memref_slice %arg17[%dma_wait3A_63, %dma_wait3A_64] : memref<10240x16xf32, #tpu.memory_space<vmem_shared>> -> memref<10240x16xf32, #tpu.memory_space<vmem_shared>>
    tpu.wait_indirect_dma semaphore(%arg33 : memref<!tpu.dma_semaphore, #tpu.memory_space<semaphore_mem>>) src(%arg15 : memref<128x16xf32, #tpu.memory_space<vmem>>) dst(%dma_wait3A_65 : memref<10240x16xf32, #tpu.memory_space<vmem_shared>>)
    %barrier3A_66 = arith.constant 0 : index
    tpu.barrier barrier_id(%barrier3A_66)
    %mul3A_67 = arith.constant 640 : i32
    %mul3A_68 = arith.muli %arg1, %mul3A_67 : i32
    %mul3A_69 = arith.constant 640 : i32
    %mul3A_70 = arith.muli %arg1, %mul3A_69 : i32
    "tpu.region"() ({
      %run_scoped3A = tpu.sem_alloc : memref<!tpu.dma_semaphore, #tpu.memory_space<semaphore_mem>>
      %dma_start3A_71 = arith.constant 0 : i32
      %dma_start3A_72 = tpu.memref_slice %arg5[%arg0, %mul3A_70, %dma_start3A_71] : memref<2x10240x16xf32, #tpu.memory_space<hbm>> -> memref<1x640x16xf32, #tpu.memory_space<hbm>>
      %dma_start3A_73 = tpu.memref_squeeze %dma_start3A_72 : memref<1x640x16xf32, #tpu.memory_space<hbm>> -> memref<640x16xf32, #tpu.memory_space<hbm>>
      %dma_start3A_74 = arith.constant 0 : i32
      %dma_start3A_75 = tpu.memref_slice %arg17[%mul3A_68, %dma_start3A_74] : memref<10240x16xf32, #tpu.memory_space<vmem_shared>> -> memref<640x16xf32, #tpu.memory_space<vmem_shared>>
      tpu.enqueue_dma source(%dma_start3A_75 : memref<640x16xf32, #tpu.memory_space<vmem_shared>>) target(%dma_start3A_73 : memref<640x16xf32, #tpu.memory_space<hbm>>) target_semaphore(%run_scoped3A : memref<!tpu.dma_semaphore, #tpu.memory_space<semaphore_mem>>)
      %dma_wait3A_76 = arith.constant 0 : i32
      %dma_wait3A_77 = tpu.memref_slice %arg5[%arg0, %mul3A_70, %dma_wait3A_76] : memref<2x10240x16xf32, #tpu.memory_space<hbm>> -> memref<1x640x16xf32, #tpu.memory_space<hbm>>
      %dma_wait3A_78 = tpu.memref_squeeze %dma_wait3A_77 : memref<1x640x16xf32, #tpu.memory_space<hbm>> -> memref<640x16xf32, #tpu.memory_space<hbm>>
      %dma_wait3A_79 = arith.constant 0 : i32
      %dma_wait3A_80 = tpu.memref_slice %arg17[%mul3A_68, %dma_wait3A_79] : memref<10240x16xf32, #tpu.memory_space<vmem_shared>> -> memref<640x16xf32, #tpu.memory_space<vmem_shared>>
      tpu.wait_dma2 semaphore(%run_scoped3A : memref<!tpu.dma_semaphore, #tpu.memory_space<semaphore_mem>>) src(%dma_wait3A_80 : memref<640x16xf32, #tpu.memory_space<vmem_shared>>) dst(%dma_wait3A_78 : memref<640x16xf32, #tpu.memory_space<hbm>>)
      tpu.yield
    }) : () -> ()
    return
  }
}

#map = affine_map<(d0, d1) -> (0, 0, 0)>
module attributes {stable_mosaic.version = 14 : i64} {
  func.func @_sc_degree(%arg0: i32, %arg1: i32, %arg2: memref<32x80x128xi32, #tpu.memory_space<hbm>>, %arg3: memref<2x10240x16xf32, #tpu.memory_space<hbm>>, %arg4: memref<80x128xi32, #tpu.memory_space<vmem>>, %arg5: memref<128x16xf32, #tpu.memory_space<vmem>>, %arg6: memref<640x16xf32, #tpu.memory_space<vmem>>, %arg7: memref<10240x16xf32, #tpu.memory_space<vmem_shared>>) attributes {dimension_semantics = [#tpu.dimension_semantics<core_parallel>, #tpu.dimension_semantics<subcore_parallel>], iteration_bounds = array<i64: 2, 16>, scalar_prefetch = 0 : i64, scratch_operands = 4 : i64, tpu.core_type = #tpu.core_type<sc_vector_subcore>, window_params = [{transform_indices = #map}, {transform_indices = #map}]} {
    %mul3A = arith.constant 2 : i32
    %mul3A_0 = arith.muli %arg1, %mul3A : i32
    %add3A = arith.addi %mul3A_0, %arg0 : i32
    %scan3A = arith.constant 0 : i32
    %scan3A_1 = arith.constant 80 : i32
    %scan3A_2 = arith.addi %scan3A, %scan3A_1 : i32
    %scan3A_3 = arith.constant 1 : i32
    scf.for %scan3A_22 = %scan3A to %scan3A_2 step %scan3A_3  : i32 {
      %broadcast_in_dim3A = arith.constant 0.000000e+00 : f32
      %broadcast_in_dim3A_23 = vector.broadcast %broadcast_in_dim3A : f32 to vector<16xf32>
      %mul3A_24 = arith.constant 8 : i32
      %mul3A_25 = arith.muli %scan3A_22, %mul3A_24 : i32
      %add3A_26 = arith.constant 0 : i32
      %add3A_27 = arith.addi %mul3A_25, %add3A_26 : i32
      %swap3A = arith.index_cast %add3A_27 : i32 to index
      %swap3A_28 = arith.constant 0 : index
      %swap3A_29 = tpu.vector_load %arg6[%swap3A, %swap3A_28] {strides = array<i32>} : memref<640x16xf32, #tpu.memory_space<vmem>>, vector<1x16xf32>,
      %swap3A_30 = vector.shape_cast %swap3A_29 : vector<1x16xf32> to vector<16xf32>
      %swap3A_31 = vector.shape_cast %broadcast_in_dim3A_23 : vector<16xf32> to vector<1x16xf32>
      tpu.vector_store %arg6[%swap3A, %swap3A_28], %swap3A_31 {strides = array<i32>} : memref<640x16xf32, #tpu.memory_space<vmem>>, vector<1x16xf32>,
      %broadcast_in_dim3A_32 = arith.constant 0.000000e+00 : f32
      %broadcast_in_dim3A_33 = vector.broadcast %broadcast_in_dim3A_32 : f32 to vector<16xf32>
      %mul3A_34 = arith.constant 8 : i32
      %mul3A_35 = arith.muli %scan3A_22, %mul3A_34 : i32
      %add3A_36 = arith.constant 1 : i32
      %add3A_37 = arith.addi %mul3A_35, %add3A_36 : i32
      %swap3A_38 = arith.index_cast %add3A_37 : i32 to index
      %swap3A_39 = arith.constant 0 : index
      %swap3A_40 = tpu.vector_load %arg6[%swap3A_38, %swap3A_39] {strides = array<i32>} : memref<640x16xf32, #tpu.memory_space<vmem>>, vector<1x16xf32>,
      %swap3A_41 = vector.shape_cast %swap3A_40 : vector<1x16xf32> to vector<16xf32>
      %swap3A_42 = vector.shape_cast %broadcast_in_dim3A_33 : vector<16xf32> to vector<1x16xf32>
      tpu.vector_store %arg6[%swap3A_38, %swap3A_39], %swap3A_42 {strides = array<i32>} : memref<640x16xf32, #tpu.memory_space<vmem>>, vector<1x16xf32>,
      %broadcast_in_dim3A_43 = arith.constant 0.000000e+00 : f32
      %broadcast_in_dim3A_44 = vector.broadcast %broadcast_in_dim3A_43 : f32 to vector<16xf32>
      %mul3A_45 = arith.constant 8 : i32
      %mul3A_46 = arith.muli %scan3A_22, %mul3A_45 : i32
      %add3A_47 = arith.constant 2 : i32
      %add3A_48 = arith.addi %mul3A_46, %add3A_47 : i32
      %swap3A_49 = arith.index_cast %add3A_48 : i32 to index
      %swap3A_50 = arith.constant 0 : index
      %swap3A_51 = tpu.vector_load %arg6[%swap3A_49, %swap3A_50] {strides = array<i32>} : memref<640x16xf32, #tpu.memory_space<vmem>>, vector<1x16xf32>,
      %swap3A_52 = vector.shape_cast %swap3A_51 : vector<1x16xf32> to vector<16xf32>
      %swap3A_53 = vector.shape_cast %broadcast_in_dim3A_44 : vector<16xf32> to vector<1x16xf32>
      tpu.vector_store %arg6[%swap3A_49, %swap3A_50], %swap3A_53 {strides = array<i32>} : memref<640x16xf32, #tpu.memory_space<vmem>>, vector<1x16xf32>,
      %broadcast_in_dim3A_54 = arith.constant 0.000000e+00 : f32
      %broadcast_in_dim3A_55 = vector.broadcast %broadcast_in_dim3A_54 : f32 to vector<16xf32>
      %mul3A_56 = arith.constant 8 : i32
      %mul3A_57 = arith.muli %scan3A_22, %mul3A_56 : i32
      %add3A_58 = arith.constant 3 : i32
      %add3A_59 = arith.addi %mul3A_57, %add3A_58 : i32
      %swap3A_60 = arith.index_cast %add3A_59 : i32 to index
      %swap3A_61 = arith.constant 0 : index
      %swap3A_62 = tpu.vector_load %arg6[%swap3A_60, %swap3A_61] {strides = array<i32>} : memref<640x16xf32, #tpu.memory_space<vmem>>, vector<1x16xf32>,
      %swap3A_63 = vector.shape_cast %swap3A_62 : vector<1x16xf32> to vector<16xf32>
      %swap3A_64 = vector.shape_cast %broadcast_in_dim3A_55 : vector<16xf32> to vector<1x16xf32>
      tpu.vector_store %arg6[%swap3A_60, %swap3A_61], %swap3A_64 {strides = array<i32>} : memref<640x16xf32, #tpu.memory_space<vmem>>, vector<1x16xf32>,
      %broadcast_in_dim3A_65 = arith.constant 0.000000e+00 : f32
      %broadcast_in_dim3A_66 = vector.broadcast %broadcast_in_dim3A_65 : f32 to vector<16xf32>
      %mul3A_67 = arith.constant 8 : i32
      %mul3A_68 = arith.muli %scan3A_22, %mul3A_67 : i32
      %add3A_69 = arith.constant 4 : i32
      %add3A_70 = arith.addi %mul3A_68, %add3A_69 : i32
      %swap3A_71 = arith.index_cast %add3A_70 : i32 to index
      %swap3A_72 = arith.constant 0 : index
      %swap3A_73 = tpu.vector_load %arg6[%swap3A_71, %swap3A_72] {strides = array<i32>} : memref<640x16xf32, #tpu.memory_space<vmem>>, vector<1x16xf32>,
      %swap3A_74 = vector.shape_cast %swap3A_73 : vector<1x16xf32> to vector<16xf32>
      %swap3A_75 = vector.shape_cast %broadcast_in_dim3A_66 : vector<16xf32> to vector<1x16xf32>
      tpu.vector_store %arg6[%swap3A_71, %swap3A_72], %swap3A_75 {strides = array<i32>} : memref<640x16xf32, #tpu.memory_space<vmem>>, vector<1x16xf32>,
      %broadcast_in_dim3A_76 = arith.constant 0.000000e+00 : f32
      %broadcast_in_dim3A_77 = vector.broadcast %broadcast_in_dim3A_76 : f32 to vector<16xf32>
      %mul3A_78 = arith.constant 8 : i32
      %mul3A_79 = arith.muli %scan3A_22, %mul3A_78 : i32
      %add3A_80 = arith.constant 5 : i32
      %add3A_81 = arith.addi %mul3A_79, %add3A_80 : i32
      %swap3A_82 = arith.index_cast %add3A_81 : i32 to index
      %swap3A_83 = arith.constant 0 : index
      %swap3A_84 = tpu.vector_load %arg6[%swap3A_82, %swap3A_83] {strides = array<i32>} : memref<640x16xf32, #tpu.memory_space<vmem>>, vector<1x16xf32>,
      %swap3A_85 = vector.shape_cast %swap3A_84 : vector<1x16xf32> to vector<16xf32>
      %swap3A_86 = vector.shape_cast %broadcast_in_dim3A_77 : vector<16xf32> to vector<1x16xf32>
      tpu.vector_store %arg6[%swap3A_82, %swap3A_83], %swap3A_86 {strides = array<i32>} : memref<640x16xf32, #tpu.memory_space<vmem>>, vector<1x16xf32>,
      %broadcast_in_dim3A_87 = arith.constant 0.000000e+00 : f32
      %broadcast_in_dim3A_88 = vector.broadcast %broadcast_in_dim3A_87 : f32 to vector<16xf32>
      %mul3A_89 = arith.constant 8 : i32
      %mul3A_90 = arith.muli %scan3A_22, %mul3A_89 : i32
      %add3A_91 = arith.constant 6 : i32
      %add3A_92 = arith.addi %mul3A_90, %add3A_91 : i32
      %swap3A_93 = arith.index_cast %add3A_92 : i32 to index
      %swap3A_94 = arith.constant 0 : index
      %swap3A_95 = tpu.vector_load %arg6[%swap3A_93, %swap3A_94] {strides = array<i32>} : memref<640x16xf32, #tpu.memory_space<vmem>>, vector<1x16xf32>,
      %swap3A_96 = vector.shape_cast %swap3A_95 : vector<1x16xf32> to vector<16xf32>
      %swap3A_97 = vector.shape_cast %broadcast_in_dim3A_88 : vector<16xf32> to vector<1x16xf32>
      tpu.vector_store %arg6[%swap3A_93, %swap3A_94], %swap3A_97 {strides = array<i32>} : memref<640x16xf32, #tpu.memory_space<vmem>>, vector<1x16xf32>,
      %broadcast_in_dim3A_98 = arith.constant 0.000000e+00 : f32
      %broadcast_in_dim3A_99 = vector.broadcast %broadcast_in_dim3A_98 : f32 to vector<16xf32>
      %mul3A_100 = arith.constant 8 : i32
      %mul3A_101 = arith.muli %scan3A_22, %mul3A_100 : i32
      %add3A_102 = arith.constant 7 : i32
      %add3A_103 = arith.addi %mul3A_101, %add3A_102 : i32
      %swap3A_104 = arith.index_cast %add3A_103 : i32 to index
      %swap3A_105 = arith.constant 0 : index
      %swap3A_106 = tpu.vector_load %arg6[%swap3A_104, %swap3A_105] {strides = array<i32>} : memref<640x16xf32, #tpu.memory_space<vmem>>, vector<1x16xf32>,
      %swap3A_107 = vector.shape_cast %swap3A_106 : vector<1x16xf32> to vector<16xf32>
      %swap3A_108 = vector.shape_cast %broadcast_in_dim3A_99 : vector<16xf32> to vector<1x16xf32>
      tpu.vector_store %arg6[%swap3A_104, %swap3A_105], %swap3A_108 {strides = array<i32>} : memref<640x16xf32, #tpu.memory_space<vmem>>, vector<1x16xf32>,
    }
    %scan3A_4 = arith.constant 80 : i32
    %mul3A_5 = arith.constant 640 : i32
    %mul3A_6 = arith.muli %arg1, %mul3A_5 : i32
    "tpu.region"() ({
      %run_scoped3A = tpu.sem_alloc : memref<!tpu.dma_semaphore, #tpu.memory_space<semaphore_mem>>
      %dma_start3A = arith.constant 0 : i32
      %dma_start3A_22 = tpu.memref_slice %arg7[%mul3A_6, %dma_start3A] : memref<10240x16xf32, #tpu.memory_space<vmem_shared>> -> memref<640x16xf32, #tpu.memory_space<vmem_shared>>
      %dma_start3A_23 = arith.constant 0 : i32
      %dma_start3A_24 = tpu.memref_slice %arg7[%mul3A_6, %dma_start3A_23] : memref<10240x16xf32, #tpu.memory_space<vmem_shared>> -> memref<640x16xf32, #tpu.memory_space<vmem_shared>>
      tpu.enqueue_dma source(%arg6 : memref<640x16xf32, #tpu.memory_space<vmem>>) target(%dma_start3A_24 : memref<640x16xf32, #tpu.memory_space<vmem_shared>>) target_semaphore(%run_scoped3A : memref<!tpu.dma_semaphore, #tpu.memory_space<semaphore_mem>>)
      %dma_wait3A = arith.constant 0 : i32
      %dma_wait3A_25 = tpu.memref_slice %arg7[%mul3A_6, %dma_wait3A] : memref<10240x16xf32, #tpu.memory_space<vmem_shared>> -> memref<640x16xf32, #tpu.memory_space<vmem_shared>>
      %dma_wait3A_26 = arith.constant 0 : i32
      %dma_wait3A_27 = tpu.memref_slice %arg7[%mul3A_6, %dma_wait3A_26] : memref<10240x16xf32, #tpu.memory_space<vmem_shared>> -> memref<640x16xf32, #tpu.memory_space<vmem_shared>>
      tpu.wait_dma2 semaphore(%run_scoped3A : memref<!tpu.dma_semaphore, #tpu.memory_space<semaphore_mem>>) src(%arg6 : memref<640x16xf32, #tpu.memory_space<vmem>>) dst(%dma_wait3A_27 : memref<640x16xf32, #tpu.memory_space<vmem_shared>>)
      tpu.yield
    }) : () -> ()
    %barrier3A = arith.constant 0 : index
    tpu.barrier barrier_id(%barrier3A)
    %scan3A_7 = arith.constant 0 : i32
    %scan3A_8 = arith.constant 16 : i32
    %scan3A_9 = arith.addi %scan3A_7, %scan3A_8 : i32
    %scan3A_10 = arith.constant 1 : i32
    scf.for %scan3A_22 = %scan3A_7 to %scan3A_9 step %scan3A_10  : i32 {
      %broadcast_in_dim3A = arith.constant 1.000000e+00 : f32
      %broadcast_in_dim3A_23 = vector.broadcast %broadcast_in_dim3A : f32 to vector<16xf32>
      %mul3A_24 = arith.constant 8 : i32
      %mul3A_25 = arith.muli %scan3A_22, %mul3A_24 : i32
      %add3A_26 = arith.constant 0 : i32
      %add3A_27 = arith.addi %mul3A_25, %add3A_26 : i32
      %swap3A = arith.index_cast %add3A_27 : i32 to index
      %swap3A_28 = arith.constant 0 : index
      %swap3A_29 = tpu.vector_load %arg5[%swap3A, %swap3A_28] {strides = array<i32>} : memref<128x16xf32, #tpu.memory_space<vmem>>, vector<1x16xf32>,
      %swap3A_30 = vector.shape_cast %swap3A_29 : vector<1x16xf32> to vector<16xf32>
      %swap3A_31 = vector.shape_cast %broadcast_in_dim3A_23 : vector<16xf32> to vector<1x16xf32>
      tpu.vector_store %arg5[%swap3A, %swap3A_28], %swap3A_31 {strides = array<i32>} : memref<128x16xf32, #tpu.memory_space<vmem>>, vector<1x16xf32>,
      %broadcast_in_dim3A_32 = arith.constant 1.000000e+00 : f32
      %broadcast_in_dim3A_33 = vector.broadcast %broadcast_in_dim3A_32 : f32 to vector<16xf32>
      %mul3A_34 = arith.constant 8 : i32
      %mul3A_35 = arith.muli %scan3A_22, %mul3A_34 : i32
      %add3A_36 = arith.constant 1 : i32
      %add3A_37 = arith.addi %mul3A_35, %add3A_36 : i32
      %swap3A_38 = arith.index_cast %add3A_37 : i32 to index
      %swap3A_39 = arith.constant 0 : index
      %swap3A_40 = tpu.vector_load %arg5[%swap3A_38, %swap3A_39] {strides = array<i32>} : memref<128x16xf32, #tpu.memory_space<vmem>>, vector<1x16xf32>,
      %swap3A_41 = vector.shape_cast %swap3A_40 : vector<1x16xf32> to vector<16xf32>
      %swap3A_42 = vector.shape_cast %broadcast_in_dim3A_33 : vector<16xf32> to vector<1x16xf32>
      tpu.vector_store %arg5[%swap3A_38, %swap3A_39], %swap3A_42 {strides = array<i32>} : memref<128x16xf32, #tpu.memory_space<vmem>>, vector<1x16xf32>,
      %broadcast_in_dim3A_43 = arith.constant 1.000000e+00 : f32
      %broadcast_in_dim3A_44 = vector.broadcast %broadcast_in_dim3A_43 : f32 to vector<16xf32>
      %mul3A_45 = arith.constant 8 : i32
      %mul3A_46 = arith.muli %scan3A_22, %mul3A_45 : i32
      %add3A_47 = arith.constant 2 : i32
      %add3A_48 = arith.addi %mul3A_46, %add3A_47 : i32
      %swap3A_49 = arith.index_cast %add3A_48 : i32 to index
      %swap3A_50 = arith.constant 0 : index
      %swap3A_51 = tpu.vector_load %arg5[%swap3A_49, %swap3A_50] {strides = array<i32>} : memref<128x16xf32, #tpu.memory_space<vmem>>, vector<1x16xf32>,
      %swap3A_52 = vector.shape_cast %swap3A_51 : vector<1x16xf32> to vector<16xf32>
      %swap3A_53 = vector.shape_cast %broadcast_in_dim3A_44 : vector<16xf32> to vector<1x16xf32>
      tpu.vector_store %arg5[%swap3A_49, %swap3A_50], %swap3A_53 {strides = array<i32>} : memref<128x16xf32, #tpu.memory_space<vmem>>, vector<1x16xf32>,
      %broadcast_in_dim3A_54 = arith.constant 1.000000e+00 : f32
      %broadcast_in_dim3A_55 = vector.broadcast %broadcast_in_dim3A_54 : f32 to vector<16xf32>
      %mul3A_56 = arith.constant 8 : i32
      %mul3A_57 = arith.muli %scan3A_22, %mul3A_56 : i32
      %add3A_58 = arith.constant 3 : i32
      %add3A_59 = arith.addi %mul3A_57, %add3A_58 : i32
      %swap3A_60 = arith.index_cast %add3A_59 : i32 to index
      %swap3A_61 = arith.constant 0 : index
      %swap3A_62 = tpu.vector_load %arg5[%swap3A_60, %swap3A_61] {strides = array<i32>} : memref<128x16xf32, #tpu.memory_space<vmem>>, vector<1x16xf32>,
      %swap3A_63 = vector.shape_cast %swap3A_62 : vector<1x16xf32> to vector<16xf32>
      %swap3A_64 = vector.shape_cast %broadcast_in_dim3A_55 : vector<16xf32> to vector<1x16xf32>
      tpu.vector_store %arg5[%swap3A_60, %swap3A_61], %swap3A_64 {strides = array<i32>} : memref<128x16xf32, #tpu.memory_space<vmem>>, vector<1x16xf32>,
      %broadcast_in_dim3A_65 = arith.constant 1.000000e+00 : f32
      %broadcast_in_dim3A_66 = vector.broadcast %broadcast_in_dim3A_65 : f32 to vector<16xf32>
      %mul3A_67 = arith.constant 8 : i32
      %mul3A_68 = arith.muli %scan3A_22, %mul3A_67 : i32
      %add3A_69 = arith.constant 4 : i32
      %add3A_70 = arith.addi %mul3A_68, %add3A_69 : i32
      %swap3A_71 = arith.index_cast %add3A_70 : i32 to index
      %swap3A_72 = arith.constant 0 : index
      %swap3A_73 = tpu.vector_load %arg5[%swap3A_71, %swap3A_72] {strides = array<i32>} : memref<128x16xf32, #tpu.memory_space<vmem>>, vector<1x16xf32>,
      %swap3A_74 = vector.shape_cast %swap3A_73 : vector<1x16xf32> to vector<16xf32>
      %swap3A_75 = vector.shape_cast %broadcast_in_dim3A_66 : vector<16xf32> to vector<1x16xf32>
      tpu.vector_store %arg5[%swap3A_71, %swap3A_72], %swap3A_75 {strides = array<i32>} : memref<128x16xf32, #tpu.memory_space<vmem>>, vector<1x16xf32>,
      %broadcast_in_dim3A_76 = arith.constant 1.000000e+00 : f32
      %broadcast_in_dim3A_77 = vector.broadcast %broadcast_in_dim3A_76 : f32 to vector<16xf32>
      %mul3A_78 = arith.constant 8 : i32
      %mul3A_79 = arith.muli %scan3A_22, %mul3A_78 : i32
      %add3A_80 = arith.constant 5 : i32
      %add3A_81 = arith.addi %mul3A_79, %add3A_80 : i32
      %swap3A_82 = arith.index_cast %add3A_81 : i32 to index
      %swap3A_83 = arith.constant 0 : index
      %swap3A_84 = tpu.vector_load %arg5[%swap3A_82, %swap3A_83] {strides = array<i32>} : memref<128x16xf32, #tpu.memory_space<vmem>>, vector<1x16xf32>,
      %swap3A_85 = vector.shape_cast %swap3A_84 : vector<1x16xf32> to vector<16xf32>
      %swap3A_86 = vector.shape_cast %broadcast_in_dim3A_77 : vector<16xf32> to vector<1x16xf32>
      tpu.vector_store %arg5[%swap3A_82, %swap3A_83], %swap3A_86 {strides = array<i32>} : memref<128x16xf32, #tpu.memory_space<vmem>>, vector<1x16xf32>,
      %broadcast_in_dim3A_87 = arith.constant 1.000000e+00 : f32
      %broadcast_in_dim3A_88 = vector.broadcast %broadcast_in_dim3A_87 : f32 to vector<16xf32>
      %mul3A_89 = arith.constant 8 : i32
      %mul3A_90 = arith.muli %scan3A_22, %mul3A_89 : i32
      %add3A_91 = arith.constant 6 : i32
      %add3A_92 = arith.addi %mul3A_90, %add3A_91 : i32
      %swap3A_93 = arith.index_cast %add3A_92 : i32 to index
      %swap3A_94 = arith.constant 0 : index
      %swap3A_95 = tpu.vector_load %arg5[%swap3A_93, %swap3A_94] {strides = array<i32>} : memref<128x16xf32, #tpu.memory_space<vmem>>, vector<1x16xf32>,
      %swap3A_96 = vector.shape_cast %swap3A_95 : vector<1x16xf32> to vector<16xf32>
      %swap3A_97 = vector.shape_cast %broadcast_in_dim3A_88 : vector<16xf32> to vector<1x16xf32>
      tpu.vector_store %arg5[%swap3A_93, %swap3A_94], %swap3A_97 {strides = array<i32>} : memref<128x16xf32, #tpu.memory_space<vmem>>, vector<1x16xf32>,
      %broadcast_in_dim3A_98 = arith.constant 1.000000e+00 : f32
      %broadcast_in_dim3A_99 = vector.broadcast %broadcast_in_dim3A_98 : f32 to vector<16xf32>
      %mul3A_100 = arith.constant 8 : i32
      %mul3A_101 = arith.muli %scan3A_22, %mul3A_100 : i32
      %add3A_102 = arith.constant 7 : i32
      %add3A_103 = arith.addi %mul3A_101, %add3A_102 : i32
      %swap3A_104 = arith.index_cast %add3A_103 : i32 to index
      %swap3A_105 = arith.constant 0 : index
      %swap3A_106 = tpu.vector_load %arg5[%swap3A_104, %swap3A_105] {strides = array<i32>} : memref<128x16xf32, #tpu.memory_space<vmem>>, vector<1x16xf32>,
      %swap3A_107 = vector.shape_cast %swap3A_106 : vector<1x16xf32> to vector<16xf32>
      %swap3A_108 = vector.shape_cast %broadcast_in_dim3A_99 : vector<16xf32> to vector<1x16xf32>
      tpu.vector_store %arg5[%swap3A_104, %swap3A_105], %swap3A_108 {strides = array<i32>} : memref<128x16xf32, #tpu.memory_space<vmem>>, vector<1x16xf32>,
    }
    %scan3A_11 = arith.constant 16 : i32
    "tpu.region"() ({
      %run_scoped3A = tpu.sem_alloc : memref<!tpu.dma_semaphore, #tpu.memory_space<semaphore_mem>>
      %dma_start3A = arith.constant 0 : i32
      %dma_start3A_22 = arith.constant 0 : i32
      %dma_start3A_23 = tpu.memref_slice %arg2[%add3A, %dma_start3A, %dma_start3A_22] : memref<32x80x128xi32, #tpu.memory_space<hbm>> -> memref<1x80x128xi32, #tpu.memory_space<hbm>>
      %dma_start3A_24 = tpu.memref_squeeze %dma_start3A_23 : memref<1x80x128xi32, #tpu.memory_space<hbm>> -> memref<80x128xi32, #tpu.memory_space<hbm>>
      %dma_start3A_25 = arith.constant 0 : i32
      %dma_start3A_26 = arith.constant 0 : i32
      %dma_start3A_27 = tpu.memref_slice %arg2[%add3A, %dma_start3A_25, %dma_start3A_26] : memref<32x80x128xi32, #tpu.memory_space<hbm>> -> memref<1x80x128xi32, #tpu.memory_space<hbm>>
      %dma_start3A_28 = tpu.memref_squeeze %dma_start3A_27 : memref<1x80x128xi32, #tpu.memory_space<hbm>> -> memref<80x128xi32, #tpu.memory_space<hbm>>
      tpu.enqueue_dma source(%dma_start3A_28 : memref<80x128xi32, #tpu.memory_space<hbm>>) target(%arg4 : memref<80x128xi32, #tpu.memory_space<vmem>>) target_semaphore(%run_scoped3A : memref<!tpu.dma_semaphore, #tpu.memory_space<semaphore_mem>>)
      %dma_wait3A = arith.constant 0 : i32
      %dma_wait3A_29 = arith.constant 0 : i32
      %dma_wait3A_30 = tpu.memref_slice %arg2[%add3A, %dma_wait3A, %dma_wait3A_29] : memref<32x80x128xi32, #tpu.memory_space<hbm>> -> memref<1x80x128xi32, #tpu.memory_space<hbm>>
      %dma_wait3A_31 = tpu.memref_squeeze %dma_wait3A_30 : memref<1x80x128xi32, #tpu.memory_space<hbm>> -> memref<80x128xi32, #tpu.memory_space<hbm>>
      %dma_wait3A_32 = arith.constant 0 : i32
      %dma_wait3A_33 = arith.constant 0 : i32
      %dma_wait3A_34 = tpu.memref_slice %arg2[%add3A, %dma_wait3A_32, %dma_wait3A_33] : memref<32x80x128xi32, #tpu.memory_space<hbm>> -> memref<1x80x128xi32, #tpu.memory_space<hbm>>
      %dma_wait3A_35 = tpu.memref_squeeze %dma_wait3A_34 : memref<1x80x128xi32, #tpu.memory_space<hbm>> -> memref<80x128xi32, #tpu.memory_space<hbm>>
      tpu.wait_dma2 semaphore(%run_scoped3A : memref<!tpu.dma_semaphore, #tpu.memory_space<semaphore_mem>>) src(%dma_wait3A_35 : memref<80x128xi32, #tpu.memory_space<hbm>>) dst(%arg4 : memref<80x128xi32, #tpu.memory_space<vmem>>)
      tpu.yield
    }) : () -> ()
    %scan3A_12 = arith.constant 0 : i32
    %scan3A_13 = arith.constant 80 : i32
    %scan3A_14 = arith.addi %scan3A_12, %scan3A_13 : i32
    %scan3A_15 = arith.constant 1 : i32
    scf.for %scan3A_22 = %scan3A_12 to %scan3A_14 step %scan3A_15  : i32 {
      "tpu.region"() ({
        %run_scoped3A = tpu.sem_alloc : memref<!tpu.dma_semaphore, #tpu.memory_space<semaphore_mem>>
        %dma_start3A = arith.constant 0 : i32
        %dma_start3A_23 = tpu.memref_slice %arg4[%scan3A_22, %dma_start3A] : memref<80x128xi32, #tpu.memory_space<vmem>> -> memref<1x128xi32, #tpu.memory_space<vmem>>
        %dma_start3A_24 = tpu.memref_squeeze %dma_start3A_23 : memref<1x128xi32, #tpu.memory_space<vmem>> -> memref<128xi32, #tpu.memory_space<vmem>>
        %dma_start3A_25 = arith.constant 0 : i32
        %dma_start3A_26 = arith.constant 0 : i32
        %dma_start3A_27 = tpu.memref_slice %arg7[%dma_start3A_25, %dma_start3A_26] : memref<10240x16xf32, #tpu.memory_space<vmem_shared>> -> memref<10240x16xf32, #tpu.memory_space<vmem_shared>>
        tpu.enqueue_indirect_dma source(%arg5 : memref<128x16xf32, #tpu.memory_space<vmem>>) target(%dma_start3A_27 : memref<10240x16xf32, #tpu.memory_space<vmem_shared>>) offsets(%dma_start3A_24 : memref<128xi32, #tpu.memory_space<vmem>>) semaphore(%run_scoped3A : memref<!tpu.dma_semaphore, #tpu.memory_space<semaphore_mem>>) {add = true}
        %dma_wait3A = arith.constant 0 : i32
        %dma_wait3A_28 = tpu.memref_slice %arg4[%scan3A_22, %dma_wait3A] : memref<80x128xi32, #tpu.memory_space<vmem>> -> memref<1x128xi32, #tpu.memory_space<vmem>>
        %dma_wait3A_29 = tpu.memref_squeeze %dma_wait3A_28 : memref<1x128xi32, #tpu.memory_space<vmem>> -> memref<128xi32, #tpu.memory_space<vmem>>
        %dma_wait3A_30 = arith.constant 0 : i32
        %dma_wait3A_31 = arith.constant 0 : i32
        %dma_wait3A_32 = tpu.memref_slice %arg7[%dma_wait3A_30, %dma_wait3A_31] : memref<10240x16xf32, #tpu.memory_space<vmem_shared>> -> memref<10240x16xf32, #tpu.memory_space<vmem_shared>>
        tpu.wait_indirect_dma semaphore(%run_scoped3A : memref<!tpu.dma_semaphore, #tpu.memory_space<semaphore_mem>>) src(%arg5 : memref<128x16xf32, #tpu.memory_space<vmem>>) dst(%dma_wait3A_32 : memref<10240x16xf32, #tpu.memory_space<vmem_shared>>)
        tpu.yield
      }) : () -> ()
    }
    %scan3A_16 = arith.constant 80 : i32
    %barrier3A_17 = arith.constant 0 : index
    tpu.barrier barrier_id(%barrier3A_17)
    %mul3A_18 = arith.constant 640 : i32
    %mul3A_19 = arith.muli %arg1, %mul3A_18 : i32
    %mul3A_20 = arith.constant 640 : i32
    %mul3A_21 = arith.muli %arg1, %mul3A_20 : i32
    "tpu.region"() ({
      %run_scoped3A = tpu.sem_alloc : memref<!tpu.dma_semaphore, #tpu.memory_space<semaphore_mem>>
      %dma_start3A = arith.constant 0 : i32
      %dma_start3A_22 = tpu.memref_slice %arg3[%arg0, %mul3A_21, %dma_start3A] : memref<2x10240x16xf32, #tpu.memory_space<hbm>> -> memref<1x640x16xf32, #tpu.memory_space<hbm>>
      %dma_start3A_23 = tpu.memref_squeeze %dma_start3A_22 : memref<1x640x16xf32, #tpu.memory_space<hbm>> -> memref<640x16xf32, #tpu.memory_space<hbm>>
      %dma_start3A_24 = arith.constant 0 : i32
      %dma_start3A_25 = tpu.memref_slice %arg7[%mul3A_19, %dma_start3A_24] : memref<10240x16xf32, #tpu.memory_space<vmem_shared>> -> memref<640x16xf32, #tpu.memory_space<vmem_shared>>
      tpu.enqueue_dma source(%dma_start3A_25 : memref<640x16xf32, #tpu.memory_space<vmem_shared>>) target(%dma_start3A_23 : memref<640x16xf32, #tpu.memory_space<hbm>>) target_semaphore(%run_scoped3A : memref<!tpu.dma_semaphore, #tpu.memory_space<semaphore_mem>>)
      %dma_wait3A = arith.constant 0 : i32
      %dma_wait3A_26 = tpu.memref_slice %arg3[%arg0, %mul3A_21, %dma_wait3A] : memref<2x10240x16xf32, #tpu.memory_space<hbm>> -> memref<1x640x16xf32, #tpu.memory_space<hbm>>
      %dma_wait3A_27 = tpu.memref_squeeze %dma_wait3A_26 : memref<1x640x16xf32, #tpu.memory_space<hbm>> -> memref<640x16xf32, #tpu.memory_space<hbm>>
      %dma_wait3A_28 = arith.constant 0 : i32
      %dma_wait3A_29 = tpu.memref_slice %arg7[%mul3A_19, %dma_wait3A_28] : memref<10240x16xf32, #tpu.memory_space<vmem_shared>> -> memref<640x16xf32, #tpu.memory_space<vmem_shared>>
      tpu.wait_dma2 semaphore(%run_scoped3A : memref<!tpu.dma_semaphore, #tpu.memory_space<semaphore_mem>>) src(%dma_wait3A_29 : memref<640x16xf32, #tpu.memory_space<vmem_shared>>) dst(%dma_wait3A_27 : memref<640x16xf32, #tpu.memory_space<hbm>>)
      tpu.yield
    }) : () -> ()
    return
  }
}

module attributes {stable_mosaic.version = 14 : i64} {
  func.func @_tc1_body(%arg0: memref<2x10240x16xf32, #tpu.memory_space<vmem>>, %arg1: memref<10000x128xf32, #tpu.memory_space<vmem>>, %arg2: memref<128x16xf32, #tpu.memory_space<vmem>>, %arg3: memref<10000x16xf32, #tpu.memory_space<vmem>>, %arg4: memref<10000x16xf32, #tpu.memory_space<vmem>>) attributes {dimension_semantics = [], scalar_prefetch = 0 : i64, scratch_operands = 0 : i64, tpu.core_type = #tpu.core_type<tc>} {
    %get3A = arith.constant 0 : index
    %get3A_0 = arith.constant 0 : index
    %get3A_1 = arith.constant 0 : index
    %get3A_2 = vector.load %arg0[%get3A, %get3A_0, %get3A_1] : memref<2x10240x16xf32, #tpu.memory_space<vmem>>, vector<1x10000x16xf32>
    %get3A_3 = vector.shape_cast %get3A_2 : vector<1x10000x16xf32> to vector<10000x16xf32>
    %get3A_4 = arith.constant 1 : index
    %get3A_5 = arith.constant 0 : index
    %get3A_6 = arith.constant 0 : index
    %get3A_7 = vector.load %arg0[%get3A_4, %get3A_5, %get3A_6] : memref<2x10240x16xf32, #tpu.memory_space<vmem>>, vector<1x10000x16xf32>
    %get3A_8 = vector.shape_cast %get3A_7 : vector<1x10000x16xf32> to vector<10000x16xf32>
    %add3A = arith.addf %get3A_3, %get3A_8 : vector<10000x16xf32>
    %add3A_9 = arith.constant 1.000000e+00 : f32
    %add3A_10 = vector.broadcast %add3A_9 : f32 to vector<10000x16xf32>
    %add3A_11 = arith.addf %add3A, %add3A_10 : vector<10000x16xf32>
    %rsqrt3A = math.rsqrt %add3A_11 : vector<10000x16xf32>
    %swap3A = arith.constant 0 : index
    %swap3A_12 = arith.constant 0 : index
    %swap3A_13 = vector.load %arg3[%swap3A, %swap3A_12] : memref<10000x16xf32, #tpu.memory_space<vmem>>, vector<10000x16xf32>
    tpu.vector_store %arg3[%swap3A, %swap3A_12], %rsqrt3A {strides = array<i32>} : memref<10000x16xf32, #tpu.memory_space<vmem>>, vector<10000x16xf32>,
    %get3A_14 = arith.constant 0 : index
    %get3A_15 = arith.constant 0 : index
    %get3A_16 = vector.load %arg1[%get3A_14, %get3A_15] : memref<10000x128xf32, #tpu.memory_space<vmem>>, vector<10000x128xf32>
    %get3A_17 = arith.constant 0 : index
    %get3A_18 = arith.constant 0 : index
    %get3A_19 = vector.load %arg2[%get3A_17, %get3A_18] : memref<128x16xf32, #tpu.memory_space<vmem>>, vector<128x16xf32>
    %dot_general3A = arith.constant dense<0.000000e+00> : vector<10000x16xf32>
    %dot_general3A_20 = tpu.matmul %get3A_16, %get3A_19, %dot_general3A {dimension_numbers = #tpu.dot_dimension_numbers<[1], [0], [0], [1], [0, 0, 1, 1], [], []>, transpose_lhs_hint = false} : vector<10000x128xf32>, vector<128x16xf32>, vector<10000x16xf32> -> vector<10000x16xf32>
    %mul3A = arith.mulf %dot_general3A_20, %rsqrt3A : vector<10000x16xf32>
    %swap3A_21 = arith.constant 0 : index
    %swap3A_22 = arith.constant 0 : index
    %swap3A_23 = vector.load %arg4[%swap3A_21, %swap3A_22] : memref<10000x16xf32, #tpu.memory_space<vmem>>, vector<10000x16xf32>
    tpu.vector_store %arg4[%swap3A_21, %swap3A_22], %mul3A {strides = array<i32>} : memref<10000x16xf32, #tpu.memory_space<vmem>>, vector<10000x16xf32>,
    return
  }
}

module attributes {stable_mosaic.version = 14 : i64} {
  func.func @_tc2_body(%arg0: memref<2x10240x16xf32, #tpu.memory_space<vmem>>, %arg1: memref<10000x16xf32, #tpu.memory_space<vmem>>, %arg2: memref<10000x16xf32, #tpu.memory_space<vmem>>, %arg3: memref<1x16xf32, #tpu.memory_space<vmem>>, %arg4: memref<10000x16xf32, #tpu.memory_space<vmem>>) attributes {dimension_semantics = [], scalar_prefetch = 0 : i64, scratch_operands = 0 : i64, tpu.core_type = #tpu.core_type<tc>} {
    %get3A = arith.constant 0 : index
    %get3A_0 = arith.constant 0 : index
    %get3A_1 = vector.load %arg2[%get3A, %get3A_0] : memref<10000x16xf32, #tpu.memory_space<vmem>>, vector<10000x16xf32>
    %get3A_2 = arith.constant 0 : index
    %get3A_3 = arith.constant 0 : index
    %get3A_4 = arith.constant 0 : index
    %get3A_5 = vector.load %arg0[%get3A_2, %get3A_3, %get3A_4] : memref<2x10240x16xf32, #tpu.memory_space<vmem>>, vector<1x10000x16xf32>
    %get3A_6 = vector.shape_cast %get3A_5 : vector<1x10000x16xf32> to vector<10000x16xf32>
    %get3A_7 = arith.constant 1 : index
    %get3A_8 = arith.constant 0 : index
    %get3A_9 = arith.constant 0 : index
    %get3A_10 = vector.load %arg0[%get3A_7, %get3A_8, %get3A_9] : memref<2x10240x16xf32, #tpu.memory_space<vmem>>, vector<1x10000x16xf32>
    %get3A_11 = vector.shape_cast %get3A_10 : vector<1x10000x16xf32> to vector<10000x16xf32>
    %add3A = arith.addf %get3A_6, %get3A_11 : vector<10000x16xf32>
    %get3A_12 = arith.constant 0 : index
    %get3A_13 = arith.constant 0 : index
    %get3A_14 = vector.load %arg1[%get3A_12, %get3A_13] : memref<10000x16xf32, #tpu.memory_space<vmem>>, vector<10000x16xf32>
    %add3A_15 = arith.addf %add3A, %get3A_14 : vector<10000x16xf32>
    %mul3A = arith.mulf %get3A_1, %add3A_15 : vector<10000x16xf32>
    %get3A_16 = arith.constant 0 : index
    %get3A_17 = arith.constant 0 : index
    %get3A_18 = vector.load %arg3[%get3A_16, %get3A_17] : memref<1x16xf32, #tpu.memory_space<vmem>>, vector<1x16xf32>
    %add3A_19 = vector.broadcast %get3A_18 : vector<1x16xf32> to vector<10000x16xf32>
    %add3A_20 = arith.addf %mul3A, %add3A_19 : vector<10000x16xf32>
    %max3A = arith.constant 0.000000e+00 : f32
    %max3A_21 = vector.broadcast %max3A : f32 to vector<10000x16xf32>
    %max3A_22 = arith.maximumf %add3A_20, %max3A_21 : vector<10000x16xf32>
    %mul3A_23 = arith.mulf %max3A_22, %get3A_1 : vector<10000x16xf32>
    %swap3A = arith.constant 0 : index
    %swap3A_24 = arith.constant 0 : index
    %swap3A_25 = vector.load %arg4[%swap3A, %swap3A_24] : memref<10000x16xf32, #tpu.memory_space<vmem>>, vector<10000x16xf32>
    tpu.vector_store %arg4[%swap3A, %swap3A_24], %mul3A_23 {strides = array<i32>} : memref<10000x16xf32, #tpu.memory_space<vmem>>, vector<10000x16xf32>,
    return
  }
}

module attributes {stable_mosaic.version = 14 : i64} {
  func.func @_tc3_body(%arg0: memref<2x10240x16xf32, #tpu.memory_space<vmem>>, %arg1: memref<10000x16xf32, #tpu.memory_space<vmem>>, %arg2: memref<10000x16xf32, #tpu.memory_space<vmem>>, %arg3: memref<16x5xf32, #tpu.memory_space<vmem>>, %arg4: memref<1x5xf32, #tpu.memory_space<vmem>>, %arg5: memref<10000x5xf32, #tpu.memory_space<vmem>>) attributes {dimension_semantics = [], scalar_prefetch = 0 : i64, scratch_operands = 0 : i64, tpu.core_type = #tpu.core_type<tc>} {
    %get3A = arith.constant 0 : index
    %get3A_0 = arith.constant 0 : index
    %get3A_1 = arith.constant 0 : index
    %get3A_2 = vector.load %arg0[%get3A, %get3A_0, %get3A_1] : memref<2x10240x16xf32, #tpu.memory_space<vmem>>, vector<1x10000x16xf32>
    %get3A_3 = vector.shape_cast %get3A_2 : vector<1x10000x16xf32> to vector<10000x16xf32>
    %get3A_4 = arith.constant 1 : index
    %get3A_5 = arith.constant 0 : index
    %get3A_6 = arith.constant 0 : index
    %get3A_7 = vector.load %arg0[%get3A_4, %get3A_5, %get3A_6] : memref<2x10240x16xf32, #tpu.memory_space<vmem>>, vector<1x10000x16xf32>
    %get3A_8 = vector.shape_cast %get3A_7 : vector<1x10000x16xf32> to vector<10000x16xf32>
    %add3A = arith.addf %get3A_3, %get3A_8 : vector<10000x16xf32>
    %get3A_9 = arith.constant 0 : index
    %get3A_10 = arith.constant 0 : index
    %get3A_11 = vector.load %arg1[%get3A_9, %get3A_10] : memref<10000x16xf32, #tpu.memory_space<vmem>>, vector<10000x16xf32>
    %add3A_12 = arith.addf %add3A, %get3A_11 : vector<10000x16xf32>
    %get3A_13 = arith.constant 0 : index
    %get3A_14 = arith.constant 0 : index
    %get3A_15 = vector.load %arg2[%get3A_13, %get3A_14] : memref<10000x16xf32, #tpu.memory_space<vmem>>, vector<10000x16xf32>
    %mul3A = arith.mulf %get3A_15, %add3A_12 : vector<10000x16xf32>
    %get3A_16 = arith.constant 0 : index
    %get3A_17 = arith.constant 0 : index
    %get3A_18 = vector.load %arg3[%get3A_16, %get3A_17] : memref<16x5xf32, #tpu.memory_space<vmem>>, vector<16x5xf32>
    %dot_general3A = arith.constant dense<0.000000e+00> : vector<10000x5xf32>
    %dot_general3A_19 = tpu.matmul %mul3A, %get3A_18, %dot_general3A {dimension_numbers = #tpu.dot_dimension_numbers<[1], [0], [0], [1], [0, 0, 1, 1], [], []>, transpose_lhs_hint = false} : vector<10000x16xf32>, vector<16x5xf32>, vector<10000x5xf32> -> vector<10000x5xf32>
    %get3A_20 = arith.constant 0 : index
    %get3A_21 = arith.constant 0 : index
    %get3A_22 = vector.load %arg4[%get3A_20, %get3A_21] : memref<1x5xf32, #tpu.memory_space<vmem>>, vector<1x5xf32>
    %add3A_23 = vector.broadcast %get3A_22 : vector<1x5xf32> to vector<10000x5xf32>
    %add3A_24 = arith.addf %dot_general3A_19, %add3A_23 : vector<10000x5xf32>
    %reduce_max3A = arith.constant dense<0xFF800000> : vector<10000xf32>
    %reduce_max3A_25 = vector.multi_reduction <maximumf>, %add3A_24, %reduce_max3A [1] : vector<10000x5xf32> to vector<10000xf32>
    %broadcast_in_dim3A = vector.shape_cast %reduce_max3A_25 : vector<10000xf32> to vector<10000x1xf32>
    %sub3A = vector.broadcast %broadcast_in_dim3A : vector<10000x1xf32> to vector<10000x5xf32>
    %sub3A_26 = arith.subf %add3A_24, %sub3A : vector<10000x5xf32>
    %exp3A = math.exp %sub3A_26 : vector<10000x5xf32>
    %reduce_sum3A = arith.constant dense<0.000000e+00> : vector<10000xf32>
    %reduce_sum3A_27 = vector.multi_reduction <add>, %exp3A, %reduce_sum3A [1] : vector<10000x5xf32> to vector<10000xf32>
    %broadcast_in_dim3A_28 = vector.shape_cast %reduce_sum3A_27 : vector<10000xf32> to vector<10000x1xf32>
    %log3A = math.log %broadcast_in_dim3A_28 : vector<10000x1xf32>
    %sub3A_29 = vector.broadcast %log3A : vector<10000x1xf32> to vector<10000x5xf32>
    %sub3A_30 = arith.subf %sub3A_26, %sub3A_29 : vector<10000x5xf32>
    %swap3A = arith.constant 0 : index
    %swap3A_31 = arith.constant 0 : index
    %swap3A_32 = vector.load %arg5[%swap3A, %swap3A_31] : memref<10000x5xf32, #tpu.memory_space<vmem>>, vector<10000x5xf32>
    tpu.vector_store %arg5[%swap3A, %swap3A_31], %sub3A_30 {strides = array<i32>} : memref<10000x5xf32, #tpu.memory_space<vmem>>, vector<10000x5xf32>,
    return
  }
}

</mosaic_0001>

<sc_bundles>
// kernel: kernel.11.cloned.1.call-start
scs
__scs_entry_jumppad:
0x0: {  	(pc) =	sbr.rel $0x88, $3  }
0x1: {  	(tag) =	ssettag $0x0;
	lr =	simm.s32 $0x1  }
0x2: {  	[smem:$0x3F9B] =	sst lr;
	_ =	strace $0xD0000000  }
0x3: {  	_ = 	snop  }
0x4: {  	_ = 	snop  }
0x5: {  	_ = 	snop  }
0x6: {  	_ = 	snop  }
0x7: {  	_ = 	snop  }
__scs_overlays_trampoline_lowered:
0x8: {  	[smem:$0x3FAA] =	sst s0  }
0x9: {  	[smem:$0x3FAB] =	sst s1  }
0xa: {  	[smem:$0x3FAC] =	sst s2  }
0xb: {  	[smem:$0x3FAD] =	sst s3  }
0xc: {  	[smem:$0x3FAE] =	sst s4  }
0xd: {  	[smem:$0x3FAF] =	sst s5  }
0xe: {  	[smem:$0x3FB0] =	sst s6  }
0xf: {  	[smem:$0x3FB1] =	sst s7  }
0x10: {  	[smem:$0x3FB2] =	sst s8  }
0x11: {  	[smem:$0x3FB3] =	sst s9;
	s0 =	simm.s32 @!p0 $0x0  }
0x12: {  	s1 =	sld [smem:$0x3F99];
	s0 =	simm.s32 @p0 $0x1  }
0x13: {  	[smem:$0x3FB4] =	sst s0;
	s0 =	simm.s32 @!p1 $0x0  }
0x14: {  	s2 =	sld [smem:$0x3F98];
	s0 =	simm.s32 @p1 $0x1  }
0x15: {  	[smem:$0x3FB5] =	sst s0;
	s0 =	simm.s32 @!p2 $0x0  }
0x16: {  	s3 =	sld [smem:$0x3FDB];
	s0 =	simm.s32 @p2 $0x1  }
0x17: {  	s4 =	simm.s32 $0x1BF5;
	[smem:$0x3FB7] =	sst s0  }
0x18: {  	s0 =	sld [smem:$0x3F9A];
	_ =	swait.ge [sflag:s4], $0x0  }
0x19: {  	s7 =	sld [smem:$0x3F9B]  }
0x1a: {  	s8 =	sadd.s32 $0xFFFFE003, lr  }
0x1b: {  	s9 =	sadd.s32 $0xFFFFFEF7, lr;
	s5 =	simm.s32 $0xFFFFFFFF;
	p2 =	slt.u32 s8, $0xFFFFF086  }
0x1c: {  	p1 =	slt.u32 s9, $0xF7A;
	s5 =	simm.s32 @!p2 $0x0  }
0x1d: {  	s5 =	simm.s32 @p1 $0x1;
	p0 =	seq.s32 s7, s2  }
0x1e: {  	s7 =	smul.u32 @!p0 $0xF7A, s2;
	p2 =	seq.s32 @!p0 s5, $0x0  }
0x1f: {  	s9 =	smul.u32 $0xF7A, s1;
	s8 =	simm.s32 @!p0 $0x1BF5;
	p2 =	por !p2, p0  }
0x20: {  	[sflag:s8] =	ssyncset.s32 @!p0 $0xFFFFF086;
	s6 =	sadd.s32 @!p0 s3, s7;
	s7 =	simm.s32 @!p0 $0x108  }
0x21: {  	s3 =	sadd.s32 s3, s9;
	s6 =	sadd.s32 @!p0 $0x88, s6;
	s7 =	simm.s32 @p2 $0x1082  }
0x22: {  	[simem:s7], [sflag:s8] =	dma.local @!p0 [hbm:s6], $0xF7A  }
0x23: {  	s9 =	sor.u32 $0xD0000000, s2;
	s6 =	simm.s32 $0x108;
	_ =	swait.ge @!p0 [sflag:s8], $0x0  }
0x24: {  	s3 =	sadd.s32 $0x88, s3;
	s6 =	simm.s32 @!p1 $0x1082;
	[sflag:s4] =	ssyncset.s32 $0xFFFFF086  }
0x25: {  	[simem:s6], [sflag:s4] =	dma.local [hbm:s3], $0xF7A  }
0x26: {  	[smem:$0x3F9B] =	sst s1;
	(tag) =	ssettag s2;
	_ =	strace s9  }
0x27: {  	s1 =	sld [smem:$0x3FAB]  }
0x28: {  	s2 =	sld [smem:$0x3FAC]  }
0x29: {  	s4 =	sld [smem:$0x3FAE]  }
0x2a: {  	p0 =	seq.s32 s5, $0x0;
	s5 =	sld [smem:$0x3FAF]  }
0x2b: {  	s6 =	sld [smem:$0x3FB0]  }
0x2c: {  	s7 =	sld [smem:$0x3FB1]  }
0x2d: {  	s3 =	simm.s32 $0x108;
	s8 =	sld [smem:$0x3FB2]  }
0x2e: {  	s3 =	simm.s32 @!p0 $0x1082;
	s9 =	sld [smem:$0x3FB3]  }
0x2f: {  	lr =	sadd.s32 s0, s3;
	s0 =	sld [smem:$0x3FAA]  }
0x30: {  	s3 =	sld [smem:$0x3FAD]  }
0x31: {  	[smem:$0x3FB6] =	sst s10  }
0x32: {  	s10 =	sld [smem:$0x3FB4];
	_ =	sdelay $0x3  }
0x33: {  	p0 =	seq.s32 s10, $0x1;
	s10 =	sld [smem:$0x3FB6];
	_ =	sdelay $0x3  }
0x34: {  	[smem:$0x3FB6] =	sst s10  }
0x35: {  	s10 =	sld [smem:$0x3FB5];
	_ =	sdelay $0x3  }
0x36: {  	p1 =	seq.s32 s10, $0x1;
	s10 =	sld [smem:$0x3FB6];
	_ =	sdelay $0x3  }
0x37: {  	[smem:$0x3FB6] =	sst s10  }
0x38: {  	s10 =	sld [smem:$0x3FB7]  }
0x39: {  	_ = 	snop;
	(pc) =	sbr.ind lr, $3  }
0x3a: {  	_ = 	snop  }
0x3b: {  	_ = 	snop  }
0x3c: {  	p2 =	seq.s32 s10, $0x1;
	s10 =	sld [smem:$0x3FB6]  }
0x3d: {  	_ =	shalt  }
0x3e: {  	_ =	shalt  }
0x3f: {  	_ =	shalt  }
0x40: {  	_ =	shalt  }
0x41: {  	_ =	shalt  }
0x42: {  	_ =	shalt  }
0x43: {  	_ =	shalt  }
0x44: {  	_ =	shalt  }
0x45: {  	_ =	shalt  }
0x46: {  	_ =	shalt  }
0x47: {  	_ =	shalt  }
0x48: {  	_ =	shalt  }
0x49: {  	_ =	shalt  }
0x4a: {  	_ =	shalt  }
0x4b: {  	_ =	shalt  }
0x4c: {  	_ =	shalt  }
0x4d: {  	_ =	shalt  }
0x4e: {  	_ =	shalt  }
0x4f: {  	_ =	shalt  }
0x50: {  	_ =	shalt  }
0x51: {  	_ =	shalt  }
0x52: {  	_ =	shalt  }
0x53: {  	_ =	shalt  }
0x54: {  	_ =	shalt  }
0x55: {  	_ =	shalt  }
0x56: {  	_ =	shalt  }
0x57: {  	_ =	shalt  }
0x58: {  	_ =	shalt  }
0x59: {  	_ =	shalt  }
0x5a: {  	_ =	shalt  }
0x5b: {  	_ =	shalt  }
0x5c: {  	_ =	shalt  }
0x5d: {  	_ =	shalt  }
0x5e: {  	_ =	shalt  }
0x5f: {  	_ =	shalt  }
0x60: {  	_ =	shalt  }
0x61: {  	_ =	shalt  }
0x62: {  	_ =	shalt  }
0x63: {  	_ =	shalt  }
0x64: {  	_ =	shalt  }
0x65: {  	_ =	shalt  }
0x66: {  	_ =	shalt  }
0x67: {  	_ =	shalt  }
0x68: {  	_ =	shalt  }
0x69: {  	_ =	shalt  }
0x6a: {  	_ =	shalt  }
0x6b: {  	_ =	shalt  }
0x6c: {  	_ =	shalt  }
0x6d: {  	_ =	shalt  }
0x6e: {  	_ =	shalt  }
0x6f: {  	_ =	shalt  }
0x70: {  	_ =	shalt  }
0x71: {  	_ =	shalt  }
0x72: {  	_ =	shalt  }
0x73: {  	_ =	shalt  }
0x74: {  	_ =	shalt  }
0x75: {  	_ =	shalt  }
0x76: {  	_ =	shalt  }
0x77: {  	_ =	shalt  }
0x78: {  	_ =	shalt  }
0x79: {  	_ =	shalt  }
0x7a: {  	_ =	shalt  }
0x7b: {  	_ =	shalt  }
0x7c: {  	_ =	shalt  }
0x7d: {  	_ =	shalt  }
0x7e: {  	_ =	shalt  }
0x7f: {  	_ =	shalt  }
0x80: {  	_ =	shalt  }
0x81: {  	_ =	shalt  }
0x82: {  	_ =	shalt  }
0x83: {  	_ =	shalt  }
0x84: {  	_ =	shalt  }
0x85: {  	_ =	shalt  }
0x86: {  	_ =	shalt  }
0x87: {  	_ =	shalt  }
.Lfunc_end0:
.L_simem_size_0:
called_computation.1_lowered:
.L_overlay_start_0:
0x88: {  	s2 =	sld [smem:$0x3FD9]  }
0x89: {  	s3 =	sld [smem:$0x3FFE];
	_ =	sdelay $0x1  }
0x8a: {  	s1 =	srdreg.scid  }
0x8b: {  	s0 =	sand.u32 $0x1, s1  }
0x8c: {  	s16 =	sshll.u32 s0, $0xA;
	s2 =	sadd.s32 s3, s2  }
0x8d: {  	s2 =	sadd.s32 s2, s16  }
0x8e: {  	[smem:$0x3FC2] =	sst s2  }
0x8f: {  	_ = 	snop  }
0x90: {  	(tm) =	ssettm $0x1  }
0x91: {  	s17 =	sld [smem:$0x3FFB];
	_ =	sdelay $0x3  }
0x92: {  	_ =	strace s17  }
0x93: {  	s2 =	sld [smem:$0x3FFC];
	_ =	sdelay $0x3  }
0x94: {  	_ =	strace s2  }
0x95: {  	s2 =	sld [smem:$0x3FFD];
	_ =	sdelay $0x3  }
0x96: {  	_ =	strace s2  }
0x97: {  	_ =	strace $0x8FFFFFFF  }
0x98: {  	s18 =	sld [smem:$0x3FDB];
	_ =	sdelay $0x1  }
0x99: {  	s19 =	simm.s32 $_scs_section_size  }
0x9a: {  	s4 =	simm.s32 $_size__tile_overlayer_lowered;
	s5 =	simm.s32 $_tile_overlayer_lowered  }
0x9b: {  	s22 =	simm.s32 $0x1BFF;
	s21 =	sshll.u32 s5, $0x1;
	s2 =	sadd.s32 s19, s18  }
0x9c: {  	s6 =	simm.s32 $0x0;
	s20 =	sshll.u32 s4, $0x1;
	s4 =	sadd.s32 s21, s2  }
0x9d: {  	[timem:s6], [sflag:s22] =	dma.local [hbm:s4], s20  }
0x9e: {  	_ =	swait.ge [sflag:s22], s20  }
0x9f: {  	s3 =	ssub.s32 $0x0, s20;
	[sflag:s22] =	ssyncset.done $0x0  }
0xa0: {  	[sflag:s22] =	ssyncadd.s32 s3;
	_ =	sdelay $0x1  }
0xa1: {  	s23 =	simm.s32 $0x1B8B  }
0xa2: {  	_ =	swait.ge [sflag:s23], $0x1  }
0xa3: {  	[sflag:s23] =	ssyncset.done $0x0  }
0xa4: {  	s25 =	simm.s32 $0x1B8E;
	s24 =	sld [smem:$0x3FFE];
	[sflag:s23] =	ssyncadd.s32 $0xFFFFFFFF  }
0xa5: {  	s26 =	simm.s32 $execute0_lowered;
	[smem:$0x3FD2] =	sst s25  }
0xa6: {  	s4 =	sshll.u32 s26, $0x1;
	_ =	strace $0x80000049;
	[dreg:$0x1] =	wrdreg $0xFFFFFFFF  }
0xa7: {  	s28 =	simm.s32 $_size_execute0_lowered;
	s2 =	sadd.s32 s2, s4;
	[dreg:$0x0] =	wrdreg $0x0  }
0xa8: {  	s4 =	sshll.u32 s28, $0x1;
	[dreg:$0x2] =	wrdreg s2  }
0xa9: {  	[dreg:$0x3] =	wrdreg s4  }
0xaa: {  	[dreg:$0x4] =	wrdreg $0xC0  }
0xab: {  	_ =	task [dreg:s6], $0x5FFFF  }
0xac: {  	[dreg:$0x1] =	wrdreg $0xFFFFFFFF  }
0xad: {  	[dreg:$0x0] =	wrdreg $0x60  }
0xae: {  	[dreg:$0x2] =	wrdreg s24  }
0xaf: {  	[dreg:$0x3] =	wrdreg $0xB8000  }
0xb0: {  	[dreg:$0x4] =	wrdreg $0x9  }
0xb1: {  	_ =	task.clear_ibuf [dreg:s6], $0x5FFFF;
	_ =	strace $0x90000049  }
0xb2: {  	s29 =	simm.s32 $0x9;
	_ =	strace $0x8000004B  }
0xb3: {  	_ =	swait.ge [sflag:s29], $0x1  }
0xb4: {  	[sflag:s29] =	ssyncadd.s32 $0xFFFFFFFF  }
0xb5: {  	_ =	strace $0x9000004B  }
0xb6: {  	_ =	sfence  }
0xb7: {  	s30 =	sld [smem:$0x0];
	_ =	sdelay $0x2  }
0xb8: {  	s31 =	sshll.u32 s1, $0xD;
	s1 =	sshrl.u32 s1, $0x2  }
0xb9: {  	s3 =	sand.u32 $0x4000, s31;
	s1 =	sadd.s32 s1, s30  }
0xba: {  	s0 =	sor.u32 s3, s0;
	s1 =	sshll.u32 s1, $0x11  }
0xbb: {  	s0 =	sor.u32 s1, s0  }
0xbc: {  	s0 =	sadd.s32 $0x8F2B, s0  }
0xbd: {  	[sflag:s0] =	ssyncadd.remote.s32 $0x1  }
0xbe: {  	_ =	sfence.sel $0xFFFF  }
0xbf: {  	[dreg:$0x0] =	wrdreg $0xFFFFFFFF;
	(pc) =	sbr.abs _section_cstart, $3  }
0xc0: {  	[dreg:$0x1] =	wrdreg $0xFFFFFFFF  }
0xc1: {  	_ =	task.clear_ibuf [dreg:s6], $0x2FFFF;
	_ =	strace $0x9FFFFFFF  }
0xc2: {  	(tm) =	ssettm $0x7FFFFFFF  }
0xc3: {  	_ =	shalt  }
tec
execute0_lowered:
.L_overlay_start_1:
0x0: {  	(tag) =	ssettag $0x1  }
0x1: {  	s0 =	rddreg [dreg:$0x0]  }
0x2: {  	s2 =	rddreg [dreg:$0x1]  }
0x3: {  	s1 =	srdreg.scid;
	s4 =	stileid.u32  }
0x4: {  	s3 =	simm.s32 $0x0;
	s11 =	simm.s32 $0x11;
	s13 =	simm.s32 $0x80  }
0x5: {  	s14 =	simm.s32 $0x5000;
	s15 =	simm.s32 $0x5800;
	s17 =	simm.s32 $0x6000  }
0x6: {  	s19 =	simm.s32 $0x6800;
	s20 =	simm.s32 $0x1;
	s21 =	simm.s32 $0x7000  }
0x7: {  	s22 =	simm.s32 $0x2;
	s23 =	simm.s32 $0x7800;
	s28 =	simm.s32 $0x8800  }
0x8: {  	s29 =	simm.s32 $0x5;
	s30 =	simm.s32 $0x9;
	s31 =	simm.s32 $0x7  }
0x9: {  	s10 =	simm.s32 $0xC;
	s1 =	sand.u32 $0x1, s1;
	s5 =	smul.u32 $0x2800, s4  }
0xa: {  	[smem:$0x7FF] =	sst s3;
	s4 =	sshll.u32 s4, $0x1;
	s6 =	smul.u32 $0x28000, s1  }
0xb: {  	_ =	strace $0x8000004A;
	s4 =	sor.u32 s1, s4;
	s1 =	ssub.s32 $0x2, s1  }
0xc: {  	s7 =	smul.u32 $0x500, s4;
	s4 =	sadd.s32 $0xB600, s0;
	s8 =	sshrl.u32 s1, $0x1  }
0xd: {  	s6 =	sadd.s32 s5, s6;
	s1 =	ssub.s32 s1, s8;
	s5 =	sadd.s32 s5, s2  }
0xe: {  	s6 =	sshrl.u32 s6, $0x3;
	s7 =	sadd.s32 s7, s0;
	s26 =	smax.u32 s1, $0x1  }
.Ltmp0:
0xf: {  	s1 =	simm.s32 $0x8;
	s0 =	sadd.s32 s6, s0;
	(pc) =	sbr.rel .LBB2_1-.Ltmp0, $4  }
0x10: {  	s24 =	sadd.s32 $0x15600, s7;
	s25 =	sadd.s32 $0x1600, s7;
	[dreg:$0x6] =	wrdreg s26  }
0x11: {  	s26 =	simm.s32 $0x4;
	s6 =	simm.s32 $0x10;
	[dreg:$0x3] =	wrdreg s24  }
0x12: {  	[dreg:$0x4] =	wrdreg s25;
	s0 =	sadd.s32 $0x1F600, s0;
	s24 =	simm.s32 $0x3  }
0x13: {  	v0 =	vimm.f32 $0.0e+00;
	s25 =	simm.s32 $0x8000;
	[dreg:$0x5] =	wrdreg s0;
	s0 =	simm.s32 $0xB  }
.LBB2_6:
0x14: {  	_ =	swait.ge [sflag:s1], $0x800  }
0x15: {  	[sflag:s1] =	ssyncset.done $0x0  }
0x16: {  	[sflag:s1] =	ssyncadd.s32 $0xFFFFF800  }
0x17: {  	[spmem:s2] =	stream.indirect.scatter.add.f32 [tilespmem:s28], [sflag:$0x10], $0x10, s9, s13, $0xb8;
	[tilespmem:$0xE000] =	vst v63  }
0x18: {  	_ =	swait.ge [sflag:s10], $0x800  }
0x19: {  	[sflag:s10] =	ssyncset.done $0x0  }
0x1a: {  	s7 =	simm.s32 $0xD;
	[sflag:s10] =	ssyncadd.s32 $0xFFFFF800  }
0x1b: {  	_ =	swait.ge [sflag:s7], $0x800  }
0x1c: {  	[sflag:s7] =	ssyncset.done $0x0  }
0x1d: {  	s8 =	simm.s32 $0xE;
	[sflag:s7] =	ssyncadd.s32 $0xFFFFF800  }
0x1e: {  	_ =	swait.ge [sflag:s8], $0x800  }
0x1f: {  	[sflag:s8] =	ssyncset.done $0x0  }
0x20: {  	s9 =	simm.s32 $0xF;
	[sflag:s8] =	ssyncadd.s32 $0xFFFFF800  }
0x21: {  	_ =	swait.ge [sflag:s9], $0x800  }
0x22: {  	[sflag:s9] =	ssyncset.done $0x0  }
0x23: {  	[sflag:s9] =	ssyncadd.s32 $0xFFFFF800  }
0x24: {  	_ =	swait.ge [sflag:s6], $0x800  }
0x25: {  	[sflag:s6] =	ssyncset.done $0x0  }
0x26: {  	s12 =	stileid.u32;
	[sflag:s6] =	ssyncadd.s32 $0xFFFFF800  }
0x27: {  	s7 =	sshll.u32 s12, $0x6;
	[bflag:$0x0] =	sbarrier.arrive $0xFFFF  }
0x28: {  	s7 =	sor.u32 $0x1C11, s7;
	s8 =	sshrl.u32 s5, $0x3;
	s16 =	rddreg [dreg:$0x5]  }
0x29: {  	[hbm:s16], [sflag:s7] =	dma.local [spmem:s8], $0x500  }
0x2a: {  	_ =	swait.ge [sflag:s11], $0x500  }
0x2b: {  	s3 =	sadd.s32 $0x1, s3;
	s18 =	rddreg [dreg:$0x6]  }
0x2c: {  	p0 =	sne.s32 s3, s18  }
.Ltmp1:
0x2d: {  	_ = 	snop;
	(pc) =	sbr.rel @!p0 .LBB2_7-.Ltmp1, $3  }
0x2e: {  	_ =	sdelay $0x1  }
0x2f: {  	[sflag:s11] =	ssyncset.done $0x0  }
0x30: {  	[sflag:s11] =	ssyncadd.s32 $0xFFFFFB00  }
.LBB2_1:
0x31: {  	s7 =	simm.s32 $0x0;
	s8 =	simm.s32 $0x200  }
.LBB2_2:
0x32: {  	p0 =	sne.s32 s8, $0x9E00;
	[tilespmem:s7+$0x9070] =	vst v0  }
0x33: {  	[tilespmem:s7+$0x9000] =	vst v0  }
0x34: {  	[tilespmem:s7+$0x9010] =	vst v0  }
.Ltmp2:
0x35: {  	[tilespmem:s7+$0x9020] =	vst v0;
	(pc) =	sbr.rel @p0 .LBB2_2-.Ltmp2, $4  }
0x36: {  	[tilespmem:s7+$0x9030] =	vst v0  }
0x37: {  	[tilespmem:s7+$0x9040] =	vst v0  }
0x38: {  	[tilespmem:s7+$0x9050] =	vst v0  }
0x39: {  	[tilespmem:s7+$0x9060] =	vst v0;
	s7 =	sshra.s32 s8, $0x2;
	s8 =	sadd.s32 $0x200, s8  }
0x3a: {  	[tilespmem:s7+$0x9070] =	vst v0  }
0x3b: {  	[tilespmem:s7+$0x9000] =	vst v0  }
0x3c: {  	[tilespmem:s7+$0x9010] =	vst v0  }
0x3d: {  	[tilespmem:s7+$0x9020] =	vst v0  }
0x3e: {  	[tilespmem:s7+$0x9030] =	vst v0  }
0x3f: {  	[tilespmem:s7+$0x9040] =	vst v0  }
0x40: {  	[tilespmem:s7+$0x9050] =	vst v0  }
0x41: {  	[tilespmem:s7+$0x9060] =	vst v0;
	s9 =	simm.s32 $0x9000  }
0x42: {  	[spmem:s5] =	stream.linear.scatter [tilespmem:s9], [sflag:$0x11], $0x2800, $0x38;
	[tilespmem:$0xE000] =	vst v63  }
0x43: {  	_ =	swait.ge [sflag:s11], $0x2800  }
0x44: {  	[sflag:s11] =	ssyncset.done $0x0  }
0x45: {  	[sflag:s11] =	ssyncadd.s32 $0xFFFFD800  }
0x46: {  	[bflag:$0x0] =	sbarrier.arrive $0xFFFF  }
0x47: {  	s7 =	simm.s32 $0x0;
	s8 =	rddreg [dreg:$0x3]  }
0x48: {  	[tilespmem:s7], [sflag:$0x11] =	stream.linear.gather [hbm4b:s8+s7], $0x2800, $0x38;
	[tilespmem:$0xE000] =	vst v63  }
0x49: {  	_ =	swait.ge [sflag:s11], $0x2800  }
0x4a: {  	[sflag:s11] =	ssyncset.done $0x0  }
0x4b: {  	s9 =	simm.s32 $0x2800;
	s12 =	rddreg [dreg:$0x4];
	[sflag:s11] =	ssyncadd.s32 $0xFFFFD800  }
0x4c: {  	[tilespmem:s9], [sflag:$0x11] =	stream.linear.gather [hbm4b:s12+s7], $0x2800, $0x38;
	[tilespmem:$0xE000] =	vst v63  }
0x4d: {  	_ =	swait.ge [sflag:s11], $0x2800  }
0x4e: {  	[sflag:s11] =	ssyncset.done $0x0  }
0x4f: {  	[sflag:s11] =	ssyncadd.s32 $0xFFFFD800  }
0x50: {  	[tilespmem:s14], [sflag:$0x1] =	stream.indirect.gather [hbm4b:s4+s13], $0x10, s7, s13, $0xb8;
	[tilespmem:$0xE000] =	vst v63  }
0x51: {  	_ = 	snop  }
0x52: {  	[tilespmem:s15], [sflag:$0x2] =	stream.indirect.gather [hbm4b:s4+s13], $0x10, s13, s13, $0xb8;
	[tilespmem:$0xE000] =	vst v63  }
0x53: {  	s16 =	simm.s32 $0x100  }
0x54: {  	[tilespmem:s17], [sflag:$0x3] =	stream.indirect.gather [hbm4b:s4+s13], $0x10, s16, s13, $0xb8;
	[tilespmem:$0xE000] =	vst v63  }
0x55: {  	s18 =	simm.s32 $0x180  }
0x56: {  	[tilespmem:s19], [sflag:$0x4] =	stream.indirect.gather [hbm4b:s4+s13], $0x10, s18, s13, $0xb8;
	[tilespmem:$0xE000] =	vst v63  }
.LBB2_4:
0x57: {  	_ =	swait.ge [sflag:s20], $0x800  }
0x58: {  	s8 =	sshra.s32 s7, $0x2;
	[sflag:s20] =	ssyncset.done $0x0  }
0x59: {  	p0 =	seq.s32 s7, $0x0;
	s9 =	sadd.s32 $0x2800, s8;
	[sflag:s20] =	ssyncadd.s32 $0xFFFFF800  }
0x5a: {  	[spmem:s2] =	stream.indirect.scatter.add.f32 [tilespmem:s14], [sflag:$0x9], $0x10, s9, s13, $0xb8;
	[tilespmem:$0xE000] =	vst v63  }
0x5b: {  	s9 =	simm.s32 @!p0 $0xD  }
0x5c: {  	_ =	swait.ge @!p0 [sflag:s9], $0x800  }
0x5d: {  	[sflag:s9] =	ssyncset.done @!p0 $0x0  }
0x5e: {  	s12 =	sadd.s32 $0x200, s8;
	[sflag:s9] =	ssyncadd.s32 @!p0 $0xFFFFF800  }
0x5f: {  	[tilespmem:s21], [sflag:$0x5] =	stream.indirect.gather [hbm4b:s4+s13], $0x10, s12, s13, $0xb8;
	[tilespmem:$0xE000] =	vst v63  }
0x60: {  	_ =	swait.ge [sflag:s22], $0x800  }
0x61: {  	[sflag:s22] =	ssyncset.done $0x0  }
0x62: {  	s16 =	sadd.s32 $0x2880, s8;
	s9 =	simm.s32 @!p0 $0xE;
	[sflag:s22] =	ssyncadd.s32 $0xFFFFF800  }
0x63: {  	[spmem:s2] =	stream.indirect.scatter.add.f32 [tilespmem:s15], [sflag:$0xA], $0x10, s16, s13, $0xb8;
	[tilespmem:$0xE000] =	vst v63  }
0x64: {  	_ =	swait.ge @!p0 [sflag:s9], $0x800  }
0x65: {  	[sflag:s9] =	ssyncset.done @!p0 $0x0  }
0x66: {  	s18 =	sadd.s32 $0x280, s8;
	[sflag:s9] =	ssyncadd.s32 @!p0 $0xFFFFF800  }
0x67: {  	[tilespmem:s23], [sflag:$0x6] =	stream.indirect.gather [hbm4b:s4+s13], $0x10, s18, s13, $0xb8;
	[tilespmem:$0xE000] =	vst v63  }
0x68: {  	_ =	swait.ge [sflag:s24], $0x800  }
0x69: {  	[sflag:s24] =	ssyncset.done $0x0  }
0x6a: {  	s12 =	sadd.s32 $0x2900, s8;
	s9 =	simm.s32 @!p0 $0xF;
	[sflag:s24] =	ssyncadd.s32 $0xFFFFF800  }
0x6b: {  	[spmem:s2] =	stream.indirect.scatter.add.f32 [tilespmem:s17], [sflag:$0xB], $0x10, s12, s13, $0xb8;
	[tilespmem:$0xE000] =	vst v63  }
0x6c: {  	_ =	swait.ge @!p0 [sflag:s9], $0x800  }
0x6d: {  	[sflag:s9] =	ssyncset.done @!p0 $0x0  }
0x6e: {  	s16 =	sadd.s32 $0x300, s8;
	[sflag:s9] =	ssyncadd.s32 @!p0 $0xFFFFF800  }
0x6f: {  	[tilespmem:s25], [sflag:$0x7] =	stream.indirect.gather [hbm4b:s4+s13], $0x10, s16, s13, $0xb8;
	[tilespmem:$0xE000] =	vst v63  }
0x70: {  	_ =	swait.ge [sflag:s26], $0x800  }
0x71: {  	[sflag:s26] =	ssyncset.done $0x0  }
0x72: {  	s18 =	sadd.s32 $0x2980, s8;
	s9 =	simm.s32 @!p0 $0x10;
	[sflag:s26] =	ssyncadd.s32 $0xFFFFF800  }
0x73: {  	[spmem:s2] =	stream.indirect.scatter.add.f32 [tilespmem:s19], [sflag:$0xC], $0x10, s18, s13, $0xb8;
	[tilespmem:$0xE000] =	vst v63  }
0x74: {  	_ =	swait.ge @!p0 [sflag:s9], $0x800  }
0x75: {  	[sflag:s9] =	ssyncset.done @!p0 $0x0  }
0x76: {  	s12 =	sadd.s32 $0x380, s8;
	[sflag:s9] =	ssyncadd.s32 @!p0 $0xFFFFF800  }
0x77: {  	[tilespmem:s28], [sflag:$0x8] =	stream.indirect.gather [hbm4b:s4+s13], $0x10, s12, s13, $0xb8;
	[tilespmem:$0xE000] =	vst v63  }
0x78: {  	_ =	swait.ge [sflag:s29], $0x800  }
0x79: {  	[sflag:s29] =	ssyncset.done $0x0  }
0x7a: {  	s16 =	sadd.s32 $0x2A00, s8;
	[sflag:s29] =	ssyncadd.s32 $0xFFFFF800  }
0x7b: {  	[spmem:s2] =	stream.indirect.scatter.add.f32 [tilespmem:s21], [sflag:$0xD], $0x10, s16, s13, $0xb8;
	[tilespmem:$0xE000] =	vst v63  }
0x7c: {  	_ =	swait.ge [sflag:s30], $0x800  }
0x7d: {  	p0 =	seq.s32 s7, $0x9000;
	[sflag:s30] =	ssyncset.done $0x0  }
0x7e: {  	s9 =	simm.s32 @p0 $0x6;
	[sflag:s30] =	ssyncadd.s32 $0xFFFFF800  }
0x7f: {  	_ =	swait.ge @p0 [sflag:s9], $0x800  }
0x80: {  	[sflag:s9] =	ssyncset.done @p0 $0x0  }
0x81: {  	[sflag:s9] =	ssyncadd.s32 @p0 $0xFFFFF800;
	s9 =	sshra.s32 @p0 s7, $0x2  }
0x82: {  	s12 =	simm.s32 @p0 $0x80;
	s16 =	simm.s32 @p0 $0x7800;
	s9 =	sadd.s32 @p0 $0x2A80, s9  }
0x83: {  	[spmem:s2] =	stream.indirect.scatter.add.f32 @p0 [tilespmem:s16], [sflag:$0xE], $0x10, s9, s12, $0xb8;
	[tilespmem:$0xE000] =	vst v63  }
0x84: {  	s9 =	simm.s32 @p0 $0xA  }
0x85: {  	_ =	swait.ge @p0 [sflag:s9], $0x800  }
0x86: {  	[sflag:s9] =	ssyncset.done @p0 $0x0  }
0x87: {  	[sflag:s9] =	ssyncadd.s32 @p0 $0xFFFFF800;
	s9 =	sshra.s32 @!p0 s7, $0x2  }
0x88: {  	s18 =	simm.s32 @!p0 $0x5000;
	s16 =	simm.s32 @!p0 $0x80;
	s12 =	sadd.s32 @!p0 $0x400, s9  }
0x89: {  	[tilespmem:s18], [sflag:$0x1] =	stream.indirect.gather @!p0 [hbm4b:s4+s16], $0x10, s12, s16, $0xb8;
	[tilespmem:$0xE000] =	vst v63  }
0x8a: {  	s12 =	simm.s32 @!p0 $0x6  }
0x8b: {  	_ =	swait.ge @!p0 [sflag:s12], $0x800  }
0x8c: {  	[sflag:s12] =	ssyncset.done @!p0 $0x0  }
0x8d: {  	s18 =	simm.s32 @!p0 $0x7800;
	[sflag:s12] =	ssyncadd.s32 @!p0 $0xFFFFF800;
	s12 =	sadd.s32 @!p0 $0x2A80, s9  }
0x8e: {  	[spmem:s2] =	stream.indirect.scatter.add.f32 @!p0 [tilespmem:s18], [sflag:$0xE], $0x10, s12, s16, $0xb8;
	[tilespmem:$0xE000] =	vst v63  }
0x8f: {  	s12 =	simm.s32 @!p0 $0xA  }
0x90: {  	_ =	swait.ge @!p0 [sflag:s12], $0x800  }
0x91: {  	[sflag:s12] =	ssyncset.done @!p0 $0x0  }
0x92: {  	s9 =	sadd.s32 @!p0 $0x480, s9;
	[sflag:s12] =	ssyncadd.s32 @!p0 $0xFFFFF800;
	s12 =	simm.s32 @!p0 $0x5800  }
0x93: {  	[tilespmem:s12], [sflag:$0x2] =	stream.indirect.gather @!p0 [hbm4b:s4+s16], $0x10, s9, s16, $0xb8;
	[tilespmem:$0xE000] =	vst v63  }
0x94: {  	_ =	swait.ge [sflag:s31], $0x800  }
0x95: {  	[sflag:s31] =	ssyncset.done $0x0  }
.Ltmp3:
0x96: {  	s18 =	sadd.s32 $0x2B00, s8;
	[sflag:s31] =	ssyncadd.s32 $0xFFFFF800;
	(pc) =	sbr.rel @p0 .LBB2_6-.Ltmp3, $4  }
0x97: {  	[spmem:s2] =	stream.indirect.scatter.add.f32 [tilespmem:s25], [sflag:$0xF], $0x10, s18, s13, $0xb8;
	[tilespmem:$0xE000] =	vst v63  }
0x98: {  	_ =	swait.ge [sflag:s0], $0x800  }
0x99: {  	[sflag:s0] =	ssyncset.done $0x0  }
0x9a: {  	s9 =	sadd.s32 $0x2B80, s8;
	[sflag:s0] =	ssyncadd.s32 $0xFFFFF800  }
0x9b: {  	s12 =	sadd.s32 $0x500, s8  }
0x9c: {  	[tilespmem:s17], [sflag:$0x3] =	stream.indirect.gather [hbm4b:s4+s13], $0x10, s12, s13, $0xb8;
	[tilespmem:$0xE000] =	vst v63  }
0x9d: {  	_ =	swait.ge [sflag:s1], $0x800  }
0x9e: {  	[sflag:s1] =	ssyncset.done $0x0  }
0x9f: {  	[sflag:s1] =	ssyncadd.s32 $0xFFFFF800  }
0xa0: {  	[spmem:s2] =	stream.indirect.scatter.add.f32 [tilespmem:s28], [sflag:$0x10], $0x10, s9, s13, $0xb8;
	[tilespmem:$0xE000] =	vst v63  }
.Ltmp4:
0xa1: {  	_ = 	snop;
	(pc) =	sbr.rel .LBB2_4-.Ltmp4, $4  }
0xa2: {  	_ =	swait.ge [sflag:s10], $0x800  }
0xa3: {  	[sflag:s10] =	ssyncset.done $0x0  }
0xa4: {  	s18 =	sadd.s32 $0x580, s8;
	s7 =	sadd.s32 $0x1000, s7;
	[sflag:s10] =	ssyncadd.s32 $0xFFFFF800  }
0xa5: {  	[tilespmem:s19], [sflag:$0x4] =	stream.indirect.gather [hbm4b:s4+s13], $0x10, s18, s13, $0xb8;
	[tilespmem:$0xE000] =	vst v63  }
.LBB2_7:
0xa6: {  	_ =	sfence.sel $0x180000  }
0xa7: {  	[bflag:$0x0] =	sbarrier.arrive $0xFFFF  }
0xa8: {  	_ =	strace $0x9000004A  }
0xa9: {  	s0 =	stileid.u32;
	[bflag:$0x2] =	sbarrier.arrive $0xFFFF  }
0xaa: {  	p0 =	sne.s32 s0, $0x0;
	s0 =	rddreg [dreg:$0x2]  }
0xab: {  	s0 =	sadd.s32 @!p0 $0x100000, s0  }
0xac: {  	[sflag:s0] =	ssyncadd.tile.s32 @!p0 $0x1;
	_ =	shalt  }
.Lfunc_end2:
_tile_overlayer_lowered:
.L_overlay_start_2:
0xad: {  	(tag) =	ssettag $0x2  }
0xae: {  	s0 =	rddreg [dreg:$0x0];
	s2 =	stileid.u32  }
0xaf: {  	s1 =	rddreg [dreg:$0x1];
	p0 =	sne.s32 s2, $0x0  }
0xb0: {  	s3 =	rddreg [dreg:$0x2];
	[bflag:$0x3] =	sbarrier.arrive $0xFFFF;
	s2 =	simm.s32 @!p0 $0x1C11  }
0xb1: {  	[timem:s3], [sflag:s2] =	dma.local @!p0 [hbm:s0], s1  }
0xb2: {  	s0 =	simm.s32 @!p0 $0x11  }
0xb3: {  	_ =	swait.ge @!p0 [sflag:s0], s1  }
0xb4: {  	s1 =	ssub.s32 @!p0 $0x0, s1;
	[sflag:s0] =	ssyncset.done @!p0 $0x0  }
0xb5: {  	[sflag:s0] =	ssyncadd.s32 @!p0 s1  }
0xb6: {  	[bflag:$0x3] =	sbarrier.arrive $0xFFFF  }
0xb7: {  	_ =	shalt  }

// kernel: kernel.14.cloned.1.call-start
scs
__scs_entry_jumppad:
0x0: {  	(pc) =	sbr.rel $0x88, $3  }
0x1: {  	(tag) =	ssettag $0x0;
	lr =	simm.s32 $0x1  }
0x2: {  	[smem:$0x3F9B] =	sst lr;
	_ =	strace $0xD0000000  }
0x3: {  	_ = 	snop  }
0x4: {  	_ = 	snop  }
0x5: {  	_ = 	snop  }
0x6: {  	_ = 	snop  }
0x7: {  	_ = 	snop  }
__scs_overlays_trampoline_lowered:
0x8: {  	[smem:$0x3FAA] =	sst s0  }
0x9: {  	[smem:$0x3FAB] =	sst s1  }
0xa: {  	[smem:$0x3FAC] =	sst s2  }
0xb: {  	[smem:$0x3FAD] =	sst s3  }
0xc: {  	[smem:$0x3FAE] =	sst s4  }
0xd: {  	[smem:$0x3FAF] =	sst s5  }
0xe: {  	[smem:$0x3FB0] =	sst s6  }
0xf: {  	[smem:$0x3FB1] =	sst s7  }
0x10: {  	[smem:$0x3FB2] =	sst s8  }
0x11: {  	[smem:$0x3FB3] =	sst s9;
	s0 =	simm.s32 @!p0 $0x0  }
0x12: {  	s1 =	sld [smem:$0x3F99];
	s0 =	simm.s32 @p0 $0x1  }
0x13: {  	[smem:$0x3FB4] =	sst s0;
	s0 =	simm.s32 @!p1 $0x0  }
0x14: {  	s2 =	sld [smem:$0x3F98];
	s0 =	simm.s32 @p1 $0x1  }
0x15: {  	[smem:$0x3FB5] =	sst s0;
	s0 =	simm.s32 @!p2 $0x0  }
0x16: {  	s3 =	sld [smem:$0x3FDB];
	s0 =	simm.s32 @p2 $0x1  }
0x17: {  	s4 =	simm.s32 $0x1BF5;
	[smem:$0x3FB7] =	sst s0  }
0x18: {  	s0 =	sld [smem:$0x3F9A];
	_ =	swait.ge [sflag:s4], $0x0  }
0x19: {  	s7 =	sld [smem:$0x3F9B]  }
0x1a: {  	s8 =	sadd.s32 $0xFFFFE003, lr  }
0x1b: {  	s9 =	sadd.s32 $0xFFFFFEF7, lr;
	s5 =	simm.s32 $0xFFFFFFFF;
	p2 =	slt.u32 s8, $0xFFFFF086  }
0x1c: {  	p1 =	slt.u32 s9, $0xF7A;
	s5 =	simm.s32 @!p2 $0x0  }
0x1d: {  	s5 =	simm.s32 @p1 $0x1;
	p0 =	seq.s32 s7, s2  }
0x1e: {  	s7 =	smul.u32 @!p0 $0xF7A, s2;
	p2 =	seq.s32 @!p0 s5, $0x0  }
0x1f: {  	s9 =	smul.u32 $0xF7A, s1;
	s8 =	simm.s32 @!p0 $0x1BF5;
	p2 =	por !p2, p0  }
0x20: {  	[sflag:s8] =	ssyncset.s32 @!p0 $0xFFFFF086;
	s6 =	sadd.s32 @!p0 s3, s7;
	s7 =	simm.s32 @!p0 $0x108  }
0x21: {  	s3 =	sadd.s32 s3, s9;
	s6 =	sadd.s32 @!p0 $0x88, s6;
	s7 =	simm.s32 @p2 $0x1082  }
0x22: {  	[simem:s7], [sflag:s8] =	dma.local @!p0 [hbm:s6], $0xF7A  }
0x23: {  	s9 =	sor.u32 $0xD0000000, s2;
	s6 =	simm.s32 $0x108;
	_ =	swait.ge @!p0 [sflag:s8], $0x0  }
0x24: {  	s3 =	sadd.s32 $0x88, s3;
	s6 =	simm.s32 @!p1 $0x1082;
	[sflag:s4] =	ssyncset.s32 $0xFFFFF086  }
0x25: {  	[simem:s6], [sflag:s4] =	dma.local [hbm:s3], $0xF7A  }
0x26: {  	[smem:$0x3F9B] =	sst s1;
	(tag) =	ssettag s2;
	_ =	strace s9  }
0x27: {  	s1 =	sld [smem:$0x3FAB]  }
0x28: {  	s2 =	sld [smem:$0x3FAC]  }
0x29: {  	s4 =	sld [smem:$0x3FAE]  }
0x2a: {  	p0 =	seq.s32 s5, $0x0;
	s5 =	sld [smem:$0x3FAF]  }
0x2b: {  	s6 =	sld [smem:$0x3FB0]  }
0x2c: {  	s7 =	sld [smem:$0x3FB1]  }
0x2d: {  	s3 =	simm.s32 $0x108;
	s8 =	sld [smem:$0x3FB2]  }
0x2e: {  	s3 =	simm.s32 @!p0 $0x1082;
	s9 =	sld [smem:$0x3FB3]  }
0x2f: {  	lr =	sadd.s32 s0, s3;
	s0 =	sld [smem:$0x3FAA]  }
0x30: {  	s3 =	sld [smem:$0x3FAD]  }
0x31: {  	[smem:$0x3FB6] =	sst s10  }
0x32: {  	s10 =	sld [smem:$0x3FB4];
	_ =	sdelay $0x3  }
0x33: {  	p0 =	seq.s32 s10, $0x1;
	s10 =	sld [smem:$0x3FB6];
	_ =	sdelay $0x3  }
0x34: {  	[smem:$0x3FB6] =	sst s10  }
0x35: {  	s10 =	sld [smem:$0x3FB5];
	_ =	sdelay $0x3  }
0x36: {  	p1 =	seq.s32 s10, $0x1;
	s10 =	sld [smem:$0x3FB6];
	_ =	sdelay $0x3  }
0x37: {  	[smem:$0x3FB6] =	sst s10  }
0x38: {  	s10 =	sld [smem:$0x3FB7]  }
0x39: {  	_ = 	snop;
	(pc) =	sbr.ind lr, $3  }
0x3a: {  	_ = 	snop  }
0x3b: {  	_ = 	snop  }
0x3c: {  	p2 =	seq.s32 s10, $0x1;
	s10 =	sld [smem:$0x3FB6]  }
0x3d: {  	_ =	shalt  }
0x3e: {  	_ =	shalt  }
0x3f: {  	_ =	shalt  }
0x40: {  	_ =	shalt  }
0x41: {  	_ =	shalt  }
0x42: {  	_ =	shalt  }
0x43: {  	_ =	shalt  }
0x44: {  	_ =	shalt  }
0x45: {  	_ =	shalt  }
0x46: {  	_ =	shalt  }
0x47: {  	_ =	shalt  }
0x48: {  	_ =	shalt  }
0x49: {  	_ =	shalt  }
0x4a: {  	_ =	shalt  }
0x4b: {  	_ =	shalt  }
0x4c: {  	_ =	shalt  }
0x4d: {  	_ =	shalt  }
0x4e: {  	_ =	shalt  }
0x4f: {  	_ =	shalt  }
0x50: {  	_ =	shalt  }
0x51: {  	_ =	shalt  }
0x52: {  	_ =	shalt  }
0x53: {  	_ =	shalt  }
0x54: {  	_ =	shalt  }
0x55: {  	_ =	shalt  }
0x56: {  	_ =	shalt  }
0x57: {  	_ =	shalt  }
0x58: {  	_ =	shalt  }
0x59: {  	_ =	shalt  }
0x5a: {  	_ =	shalt  }
0x5b: {  	_ =	shalt  }
0x5c: {  	_ =	shalt  }
0x5d: {  	_ =	shalt  }
0x5e: {  	_ =	shalt  }
0x5f: {  	_ =	shalt  }
0x60: {  	_ =	shalt  }
0x61: {  	_ =	shalt  }
0x62: {  	_ =	shalt  }
0x63: {  	_ =	shalt  }
0x64: {  	_ =	shalt  }
0x65: {  	_ =	shalt  }
0x66: {  	_ =	shalt  }
0x67: {  	_ =	shalt  }
0x68: {  	_ =	shalt  }
0x69: {  	_ =	shalt  }
0x6a: {  	_ =	shalt  }
0x6b: {  	_ =	shalt  }
0x6c: {  	_ =	shalt  }
0x6d: {  	_ =	shalt  }
0x6e: {  	_ =	shalt  }
0x6f: {  	_ =	shalt  }
0x70: {  	_ =	shalt  }
0x71: {  	_ =	shalt  }
0x72: {  	_ =	shalt  }
0x73: {  	_ =	shalt  }
0x74: {  	_ =	shalt  }
0x75: {  	_ =	shalt  }
0x76: {  	_ =	shalt  }
0x77: {  	_ =	shalt  }
0x78: {  	_ =	shalt  }
0x79: {  	_ =	shalt  }
0x7a: {  	_ =	shalt  }
0x7b: {  	_ =	shalt  }
0x7c: {  	_ =	shalt  }
0x7d: {  	_ =	shalt  }
0x7e: {  	_ =	shalt  }
0x7f: {  	_ =	shalt  }
0x80: {  	_ =	shalt  }
0x81: {  	_ =	shalt  }
0x82: {  	_ =	shalt  }
0x83: {  	_ =	shalt  }
0x84: {  	_ =	shalt  }
0x85: {  	_ =	shalt  }
0x86: {  	_ =	shalt  }
0x87: {  	_ =	shalt  }
.Lfunc_end0:
.L_simem_size_0:
called_computation.2_lowered:
.L_overlay_start_0:
0x88: {  	s2 =	sld [smem:$0x3FD9]  }
0x89: {  	s3 =	sld [smem:$0x3FFE];
	_ =	sdelay $0x1  }
0x8a: {  	s1 =	srdreg.scid  }
0x8b: {  	s0 =	sand.u32 $0x1, s1  }
0x8c: {  	s16 =	sshll.u32 s0, $0xA;
	s2 =	sadd.s32 s3, s2  }
0x8d: {  	s2 =	sadd.s32 s2, s16  }
0x8e: {  	[smem:$0x3FC2] =	sst s2  }
0x8f: {  	_ = 	snop  }
0x90: {  	(tm) =	ssettm $0x1  }
0x91: {  	s17 =	sld [smem:$0x3FFB];
	_ =	sdelay $0x3  }
0x92: {  	_ =	strace s17  }
0x93: {  	s2 =	sld [smem:$0x3FFC];
	_ =	sdelay $0x3  }
0x94: {  	_ =	strace s2  }
0x95: {  	s2 =	sld [smem:$0x3FFD];
	_ =	sdelay $0x3  }
0x96: {  	_ =	strace s2  }
0x97: {  	_ =	strace $0x8FFFFFFF  }
0x98: {  	s18 =	sld [smem:$0x3FDB];
	_ =	sdelay $0x1  }
0x99: {  	s19 =	simm.s32 $_scs_section_size  }
0x9a: {  	s4 =	simm.s32 $_size__tile_overlayer_lowered;
	s5 =	simm.s32 $_tile_overlayer_lowered  }
0x9b: {  	s22 =	simm.s32 $0x1BFF;
	s21 =	sshll.u32 s5, $0x1;
	s2 =	sadd.s32 s19, s18  }
0x9c: {  	s6 =	simm.s32 $0x0;
	s20 =	sshll.u32 s4, $0x1;
	s4 =	sadd.s32 s21, s2  }
0x9d: {  	[timem:s6], [sflag:s22] =	dma.local [hbm:s4], s20  }
0x9e: {  	_ =	swait.ge [sflag:s22], s20  }
0x9f: {  	s3 =	ssub.s32 $0x0, s20;
	[sflag:s22] =	ssyncset.done $0x0  }
0xa0: {  	[sflag:s22] =	ssyncadd.s32 s3;
	_ =	sdelay $0x1  }
0xa1: {  	s23 =	simm.s32 $0x1B8B  }
0xa2: {  	_ =	swait.ge [sflag:s23], $0x1  }
0xa3: {  	[sflag:s23] =	ssyncset.done $0x0  }
0xa4: {  	s25 =	simm.s32 $0x1B8E;
	s24 =	sld [smem:$0x3FFE];
	[sflag:s23] =	ssyncadd.s32 $0xFFFFFFFF  }
0xa5: {  	s26 =	simm.s32 $execute0_lowered;
	[smem:$0x3FD2] =	sst s25  }
0xa6: {  	s4 =	sshll.u32 s26, $0x1;
	_ =	strace $0x8000004C;
	[dreg:$0x1] =	wrdreg $0xFFFFFFFF  }
0xa7: {  	s28 =	simm.s32 $_size_execute0_lowered;
	s2 =	sadd.s32 s2, s4;
	[dreg:$0x0] =	wrdreg $0x0  }
0xa8: {  	s4 =	sshll.u32 s28, $0x1;
	[dreg:$0x2] =	wrdreg s2  }
0xa9: {  	[dreg:$0x3] =	wrdreg s4  }
0xaa: {  	[dreg:$0x4] =	wrdreg $0xC0  }
0xab: {  	_ =	task [dreg:s6], $0x5FFFF  }
0xac: {  	[dreg:$0x1] =	wrdreg $0xFFFFFFFF  }
0xad: {  	[dreg:$0x0] =	wrdreg $0x60  }
0xae: {  	[dreg:$0x2] =	wrdreg s24  }
0xaf: {  	[dreg:$0x3] =	wrdreg $0xB8000  }
0xb0: {  	[dreg:$0x4] =	wrdreg $0x9  }
0xb1: {  	_ =	task.clear_ibuf [dreg:s6], $0x5FFFF;
	_ =	strace $0x9000004C  }
0xb2: {  	s29 =	simm.s32 $0x9;
	_ =	strace $0x8000004E  }
0xb3: {  	_ =	swait.ge [sflag:s29], $0x1  }
0xb4: {  	[sflag:s29] =	ssyncadd.s32 $0xFFFFFFFF  }
0xb5: {  	_ =	strace $0x9000004E  }
0xb6: {  	_ =	sfence  }
0xb7: {  	s30 =	sld [smem:$0x0];
	_ =	sdelay $0x2  }
0xb8: {  	s31 =	sshll.u32 s1, $0xD;
	s1 =	sshrl.u32 s1, $0x2  }
0xb9: {  	s3 =	sand.u32 $0x4000, s31;
	s1 =	sadd.s32 s1, s30  }
0xba: {  	s0 =	sor.u32 s3, s0;
	s1 =	sshll.u32 s1, $0x11  }
0xbb: {  	s0 =	sor.u32 s1, s0  }
0xbc: {  	s0 =	sadd.s32 $0x8F2B, s0  }
0xbd: {  	[sflag:s0] =	ssyncadd.remote.s32 $0x1  }
0xbe: {  	_ =	sfence.sel $0xFFFF  }
0xbf: {  	[dreg:$0x0] =	wrdreg $0xFFFFFFFF;
	(pc) =	sbr.abs _section_cstart, $3  }
0xc0: {  	[dreg:$0x1] =	wrdreg $0xFFFFFFFF  }
0xc1: {  	_ =	task.clear_ibuf [dreg:s6], $0x2FFFF;
	_ =	strace $0x9FFFFFFF  }
0xc2: {  	(tm) =	ssettm $0x7FFFFFFF  }
0xc3: {  	_ =	shalt  }
tec
execute0_lowered:
.L_overlay_start_1:
0x0: {  	(tag) =	ssettag $0x1  }
0x1: {  	s0 =	rddreg [dreg:$0x0]  }
0x2: {  	s2 =	rddreg [dreg:$0x1]  }
0x3: {  	s1 =	srdreg.scid;
	s4 =	stileid.u32  }
0x4: {  	s3 =	simm.s32 $0x0;
	s11 =	simm.s32 $0x11;
	s13 =	simm.s32 $0x80  }
0x5: {  	s14 =	simm.s32 $0x5000;
	s15 =	simm.s32 $0x5800;
	s17 =	simm.s32 $0x6000  }
0x6: {  	s19 =	simm.s32 $0x6800;
	s20 =	simm.s32 $0x1;
	s21 =	simm.s32 $0x7000  }
0x7: {  	s22 =	simm.s32 $0x2;
	s23 =	simm.s32 $0x7800;
	s28 =	simm.s32 $0x8800  }
0x8: {  	s29 =	simm.s32 $0x5;
	s30 =	simm.s32 $0x9;
	s31 =	simm.s32 $0x7  }
0x9: {  	s10 =	simm.s32 $0xC;
	s1 =	sand.u32 $0x1, s1;
	s5 =	smul.u32 $0x2800, s4  }
0xa: {  	[smem:$0x7FF] =	sst s3;
	s4 =	sshll.u32 s4, $0x1;
	s6 =	smul.u32 $0x28000, s1  }
0xb: {  	_ =	strace $0x8000004D;
	s4 =	sor.u32 s1, s4;
	s1 =	ssub.s32 $0x2, s1  }
0xc: {  	s7 =	smul.u32 $0x500, s4;
	s4 =	sadd.s32 $0xB600, s0;
	s8 =	sshrl.u32 s1, $0x1  }
0xd: {  	s6 =	sadd.s32 s5, s6;
	s1 =	ssub.s32 s1, s8;
	s5 =	sadd.s32 s5, s2  }
0xe: {  	s6 =	sshrl.u32 s6, $0x3;
	s7 =	sadd.s32 s7, s0;
	s26 =	smax.u32 s1, $0x1  }
.Ltmp0:
0xf: {  	s1 =	simm.s32 $0x8;
	s0 =	sadd.s32 s6, s0;
	(pc) =	sbr.rel .LBB2_1-.Ltmp0, $4  }
0x10: {  	s24 =	sadd.s32 $0x15600, s7;
	s25 =	sadd.s32 $0x1600, s7;
	[dreg:$0x6] =	wrdreg s26  }
0x11: {  	s26 =	simm.s32 $0x4;
	s6 =	simm.s32 $0x10;
	[dreg:$0x3] =	wrdreg s24  }
0x12: {  	[dreg:$0x4] =	wrdreg s25;
	s0 =	sadd.s32 $0x1F600, s0;
	s24 =	simm.s32 $0x3  }
0x13: {  	v0 =	vimm.f32 $0.0e+00;
	s25 =	simm.s32 $0x8000;
	[dreg:$0x5] =	wrdreg s0;
	s0 =	simm.s32 $0xB  }
.LBB2_6:
0x14: {  	_ =	swait.ge [sflag:s1], $0x800  }
0x15: {  	[sflag:s1] =	ssyncset.done $0x0  }
0x16: {  	[sflag:s1] =	ssyncadd.s32 $0xFFFFF800  }
0x17: {  	[spmem:s2] =	stream.indirect.scatter.add.f32 [tilespmem:s28], [sflag:$0x10], $0x10, s9, s13, $0xb8;
	[tilespmem:$0xE000] =	vst v63  }
0x18: {  	_ =	swait.ge [sflag:s10], $0x800  }
0x19: {  	[sflag:s10] =	ssyncset.done $0x0  }
0x1a: {  	s7 =	simm.s32 $0xD;
	[sflag:s10] =	ssyncadd.s32 $0xFFFFF800  }
0x1b: {  	_ =	swait.ge [sflag:s7], $0x800  }
0x1c: {  	[sflag:s7] =	ssyncset.done $0x0  }
0x1d: {  	s8 =	simm.s32 $0xE;
	[sflag:s7] =	ssyncadd.s32 $0xFFFFF800  }
0x1e: {  	_ =	swait.ge [sflag:s8], $0x800  }
0x1f: {  	[sflag:s8] =	ssyncset.done $0x0  }
0x20: {  	s9 =	simm.s32 $0xF;
	[sflag:s8] =	ssyncadd.s32 $0xFFFFF800  }
0x21: {  	_ =	swait.ge [sflag:s9], $0x800  }
0x22: {  	[sflag:s9] =	ssyncset.done $0x0  }
0x23: {  	[sflag:s9] =	ssyncadd.s32 $0xFFFFF800  }
0x24: {  	_ =	swait.ge [sflag:s6], $0x800  }
0x25: {  	[sflag:s6] =	ssyncset.done $0x0  }
0x26: {  	s12 =	stileid.u32;
	[sflag:s6] =	ssyncadd.s32 $0xFFFFF800  }
0x27: {  	s7 =	sshll.u32 s12, $0x6;
	[bflag:$0x0] =	sbarrier.arrive $0xFFFF  }
0x28: {  	s7 =	sor.u32 $0x1C11, s7;
	s8 =	sshrl.u32 s5, $0x3;
	s16 =	rddreg [dreg:$0x5]  }
0x29: {  	[hbm:s16], [sflag:s7] =	dma.local [spmem:s8], $0x500  }
0x2a: {  	_ =	swait.ge [sflag:s11], $0x500  }
0x2b: {  	s3 =	sadd.s32 $0x1, s3;
	s18 =	rddreg [dreg:$0x6]  }
0x2c: {  	p0 =	sne.s32 s3, s18  }
.Ltmp1:
0x2d: {  	_ = 	snop;
	(pc) =	sbr.rel @!p0 .LBB2_7-.Ltmp1, $3  }
0x2e: {  	_ =	sdelay $0x1  }
0x2f: {  	[sflag:s11] =	ssyncset.done $0x0  }
0x30: {  	[sflag:s11] =	ssyncadd.s32 $0xFFFFFB00  }
.LBB2_1:
0x31: {  	s7 =	simm.s32 $0x0;
	s8 =	simm.s32 $0x200  }
.LBB2_2:
0x32: {  	p0 =	sne.s32 s8, $0x9E00;
	[tilespmem:s7+$0x9070] =	vst v0  }
0x33: {  	[tilespmem:s7+$0x9000] =	vst v0  }
0x34: {  	[tilespmem:s7+$0x9010] =	vst v0  }
.Ltmp2:
0x35: {  	[tilespmem:s7+$0x9020] =	vst v0;
	(pc) =	sbr.rel @p0 .LBB2_2-.Ltmp2, $4  }
0x36: {  	[tilespmem:s7+$0x9030] =	vst v0  }
0x37: {  	[tilespmem:s7+$0x9040] =	vst v0  }
0x38: {  	[tilespmem:s7+$0x9050] =	vst v0  }
0x39: {  	[tilespmem:s7+$0x9060] =	vst v0;
	s7 =	sshra.s32 s8, $0x2;
	s8 =	sadd.s32 $0x200, s8  }
0x3a: {  	[tilespmem:s7+$0x9070] =	vst v0  }
0x3b: {  	[tilespmem:s7+$0x9000] =	vst v0  }
0x3c: {  	[tilespmem:s7+$0x9010] =	vst v0  }
0x3d: {  	[tilespmem:s7+$0x9020] =	vst v0  }
0x3e: {  	[tilespmem:s7+$0x9030] =	vst v0  }
0x3f: {  	[tilespmem:s7+$0x9040] =	vst v0  }
0x40: {  	[tilespmem:s7+$0x9050] =	vst v0  }
0x41: {  	[tilespmem:s7+$0x9060] =	vst v0;
	s9 =	simm.s32 $0x9000  }
0x42: {  	[spmem:s5] =	stream.linear.scatter [tilespmem:s9], [sflag:$0x11], $0x2800, $0x38;
	[tilespmem:$0xE000] =	vst v63  }
0x43: {  	_ =	swait.ge [sflag:s11], $0x2800  }
0x44: {  	[sflag:s11] =	ssyncset.done $0x0  }
0x45: {  	[sflag:s11] =	ssyncadd.s32 $0xFFFFD800  }
0x46: {  	[bflag:$0x0] =	sbarrier.arrive $0xFFFF  }
0x47: {  	s7 =	simm.s32 $0x0;
	s8 =	rddreg [dreg:$0x3]  }
0x48: {  	[tilespmem:s7], [sflag:$0x11] =	stream.linear.gather [hbm4b:s8+s7], $0x2800, $0x38;
	[tilespmem:$0xE000] =	vst v63  }
0x49: {  	_ =	swait.ge [sflag:s11], $0x2800  }
0x4a: {  	[sflag:s11] =	ssyncset.done $0x0  }
0x4b: {  	s9 =	simm.s32 $0x2800;
	s12 =	rddreg [dreg:$0x4];
	[sflag:s11] =	ssyncadd.s32 $0xFFFFD800  }
0x4c: {  	[tilespmem:s9], [sflag:$0x11] =	stream.linear.gather [hbm4b:s12+s7], $0x2800, $0x38;
	[tilespmem:$0xE000] =	vst v63  }
0x4d: {  	_ =	swait.ge [sflag:s11], $0x2800  }
0x4e: {  	[sflag:s11] =	ssyncset.done $0x0  }
0x4f: {  	[sflag:s11] =	ssyncadd.s32 $0xFFFFD800  }
0x50: {  	[tilespmem:s14], [sflag:$0x1] =	stream.indirect.gather [hbm4b:s4+s13], $0x10, s7, s13, $0xb8;
	[tilespmem:$0xE000] =	vst v63  }
0x51: {  	_ = 	snop  }
0x52: {  	[tilespmem:s15], [sflag:$0x2] =	stream.indirect.gather [hbm4b:s4+s13], $0x10, s13, s13, $0xb8;
	[tilespmem:$0xE000] =	vst v63  }
0x53: {  	s16 =	simm.s32 $0x100  }
0x54: {  	[tilespmem:s17], [sflag:$0x3] =	stream.indirect.gather [hbm4b:s4+s13], $0x10, s16, s13, $0xb8;
	[tilespmem:$0xE000] =	vst v63  }
0x55: {  	s18 =	simm.s32 $0x180  }
0x56: {  	[tilespmem:s19], [sflag:$0x4] =	stream.indirect.gather [hbm4b:s4+s13], $0x10, s18, s13, $0xb8;
	[tilespmem:$0xE000] =	vst v63  }
.LBB2_4:
0x57: {  	_ =	swait.ge [sflag:s20], $0x800  }
0x58: {  	s8 =	sshra.s32 s7, $0x2;
	[sflag:s20] =	ssyncset.done $0x0  }
0x59: {  	p0 =	seq.s32 s7, $0x0;
	s9 =	sadd.s32 $0x2800, s8;
	[sflag:s20] =	ssyncadd.s32 $0xFFFFF800  }
0x5a: {  	[spmem:s2] =	stream.indirect.scatter.add.f32 [tilespmem:s14], [sflag:$0x9], $0x10, s9, s13, $0xb8;
	[tilespmem:$0xE000] =	vst v63  }
0x5b: {  	s9 =	simm.s32 @!p0 $0xD  }
0x5c: {  	_ =	swait.ge @!p0 [sflag:s9], $0x800  }
0x5d: {  	[sflag:s9] =	ssyncset.done @!p0 $0x0  }
0x5e: {  	s12 =	sadd.s32 $0x200, s8;
	[sflag:s9] =	ssyncadd.s32 @!p0 $0xFFFFF800  }
0x5f: {  	[tilespmem:s21], [sflag:$0x5] =	stream.indirect.gather [hbm4b:s4+s13], $0x10, s12, s13, $0xb8;
	[tilespmem:$0xE000] =	vst v63  }
0x60: {  	_ =	swait.ge [sflag:s22], $0x800  }
0x61: {  	[sflag:s22] =	ssyncset.done $0x0  }
0x62: {  	s16 =	sadd.s32 $0x2880, s8;
	s9 =	simm.s32 @!p0 $0xE;
	[sflag:s22] =	ssyncadd.s32 $0xFFFFF800  }
0x63: {  	[spmem:s2] =	stream.indirect.scatter.add.f32 [tilespmem:s15], [sflag:$0xA], $0x10, s16, s13, $0xb8;
	[tilespmem:$0xE000] =	vst v63  }
0x64: {  	_ =	swait.ge @!p0 [sflag:s9], $0x800  }
0x65: {  	[sflag:s9] =	ssyncset.done @!p0 $0x0  }
0x66: {  	s18 =	sadd.s32 $0x280, s8;
	[sflag:s9] =	ssyncadd.s32 @!p0 $0xFFFFF800  }
0x67: {  	[tilespmem:s23], [sflag:$0x6] =	stream.indirect.gather [hbm4b:s4+s13], $0x10, s18, s13, $0xb8;
	[tilespmem:$0xE000] =	vst v63  }
0x68: {  	_ =	swait.ge [sflag:s24], $0x800  }
0x69: {  	[sflag:s24] =	ssyncset.done $0x0  }
0x6a: {  	s12 =	sadd.s32 $0x2900, s8;
	s9 =	simm.s32 @!p0 $0xF;
	[sflag:s24] =	ssyncadd.s32 $0xFFFFF800  }
0x6b: {  	[spmem:s2] =	stream.indirect.scatter.add.f32 [tilespmem:s17], [sflag:$0xB], $0x10, s12, s13, $0xb8;
	[tilespmem:$0xE000] =	vst v63  }
0x6c: {  	_ =	swait.ge @!p0 [sflag:s9], $0x800  }
0x6d: {  	[sflag:s9] =	ssyncset.done @!p0 $0x0  }
0x6e: {  	s16 =	sadd.s32 $0x300, s8;
	[sflag:s9] =	ssyncadd.s32 @!p0 $0xFFFFF800  }
0x6f: {  	[tilespmem:s25], [sflag:$0x7] =	stream.indirect.gather [hbm4b:s4+s13], $0x10, s16, s13, $0xb8;
	[tilespmem:$0xE000] =	vst v63  }
0x70: {  	_ =	swait.ge [sflag:s26], $0x800  }
0x71: {  	[sflag:s26] =	ssyncset.done $0x0  }
0x72: {  	s18 =	sadd.s32 $0x2980, s8;
	s9 =	simm.s32 @!p0 $0x10;
	[sflag:s26] =	ssyncadd.s32 $0xFFFFF800  }
0x73: {  	[spmem:s2] =	stream.indirect.scatter.add.f32 [tilespmem:s19], [sflag:$0xC], $0x10, s18, s13, $0xb8;
	[tilespmem:$0xE000] =	vst v63  }
0x74: {  	_ =	swait.ge @!p0 [sflag:s9], $0x800  }
0x75: {  	[sflag:s9] =	ssyncset.done @!p0 $0x0  }
0x76: {  	s12 =	sadd.s32 $0x380, s8;
	[sflag:s9] =	ssyncadd.s32 @!p0 $0xFFFFF800  }
0x77: {  	[tilespmem:s28], [sflag:$0x8] =	stream.indirect.gather [hbm4b:s4+s13], $0x10, s12, s13, $0xb8;
	[tilespmem:$0xE000] =	vst v63  }
0x78: {  	_ =	swait.ge [sflag:s29], $0x800  }
0x79: {  	[sflag:s29] =	ssyncset.done $0x0  }
0x7a: {  	s16 =	sadd.s32 $0x2A00, s8;
	[sflag:s29] =	ssyncadd.s32 $0xFFFFF800  }
0x7b: {  	[spmem:s2] =	stream.indirect.scatter.add.f32 [tilespmem:s21], [sflag:$0xD], $0x10, s16, s13, $0xb8;
	[tilespmem:$0xE000] =	vst v63  }
0x7c: {  	_ =	swait.ge [sflag:s30], $0x800  }
0x7d: {  	p0 =	seq.s32 s7, $0x9000;
	[sflag:s30] =	ssyncset.done $0x0  }
0x7e: {  	s9 =	simm.s32 @p0 $0x6;
	[sflag:s30] =	ssyncadd.s32 $0xFFFFF800  }
0x7f: {  	_ =	swait.ge @p0 [sflag:s9], $0x800  }
0x80: {  	[sflag:s9] =	ssyncset.done @p0 $0x0  }
0x81: {  	[sflag:s9] =	ssyncadd.s32 @p0 $0xFFFFF800;
	s9 =	sshra.s32 @p0 s7, $0x2  }
0x82: {  	s12 =	simm.s32 @p0 $0x80;
	s16 =	simm.s32 @p0 $0x7800;
	s9 =	sadd.s32 @p0 $0x2A80, s9  }
0x83: {  	[spmem:s2] =	stream.indirect.scatter.add.f32 @p0 [tilespmem:s16], [sflag:$0xE], $0x10, s9, s12, $0xb8;
	[tilespmem:$0xE000] =	vst v63  }
0x84: {  	s9 =	simm.s32 @p0 $0xA  }
0x85: {  	_ =	swait.ge @p0 [sflag:s9], $0x800  }
0x86: {  	[sflag:s9] =	ssyncset.done @p0 $0x0  }
0x87: {  	[sflag:s9] =	ssyncadd.s32 @p0 $0xFFFFF800;
	s9 =	sshra.s32 @!p0 s7, $0x2  }
0x88: {  	s18 =	simm.s32 @!p0 $0x5000;
	s16 =	simm.s32 @!p0 $0x80;
	s12 =	sadd.s32 @!p0 $0x400, s9  }
0x89: {  	[tilespmem:s18], [sflag:$0x1] =	stream.indirect.gather @!p0 [hbm4b:s4+s16], $0x10, s12, s16, $0xb8;
	[tilespmem:$0xE000] =	vst v63  }
0x8a: {  	s12 =	simm.s32 @!p0 $0x6  }
0x8b: {  	_ =	swait.ge @!p0 [sflag:s12], $0x800  }
0x8c: {  	[sflag:s12] =	ssyncset.done @!p0 $0x0  }
0x8d: {  	s18 =	simm.s32 @!p0 $0x7800;
	[sflag:s12] =	ssyncadd.s32 @!p0 $0xFFFFF800;
	s12 =	sadd.s32 @!p0 $0x2A80, s9  }
0x8e: {  	[spmem:s2] =	stream.indirect.scatter.add.f32 @!p0 [tilespmem:s18], [sflag:$0xE], $0x10, s12, s16, $0xb8;
	[tilespmem:$0xE000] =	vst v63  }
0x8f: {  	s12 =	simm.s32 @!p0 $0xA  }
0x90: {  	_ =	swait.ge @!p0 [sflag:s12], $0x800  }
0x91: {  	[sflag:s12] =	ssyncset.done @!p0 $0x0  }
0x92: {  	s9 =	sadd.s32 @!p0 $0x480, s9;
	[sflag:s12] =	ssyncadd.s32 @!p0 $0xFFFFF800;
	s12 =	simm.s32 @!p0 $0x5800  }
0x93: {  	[tilespmem:s12], [sflag:$0x2] =	stream.indirect.gather @!p0 [hbm4b:s4+s16], $0x10, s9, s16, $0xb8;
	[tilespmem:$0xE000] =	vst v63  }
0x94: {  	_ =	swait.ge [sflag:s31], $0x800  }
0x95: {  	[sflag:s31] =	ssyncset.done $0x0  }
.Ltmp3:
0x96: {  	s18 =	sadd.s32 $0x2B00, s8;
	[sflag:s31] =	ssyncadd.s32 $0xFFFFF800;
	(pc) =	sbr.rel @p0 .LBB2_6-.Ltmp3, $4  }
0x97: {  	[spmem:s2] =	stream.indirect.scatter.add.f32 [tilespmem:s25], [sflag:$0xF], $0x10, s18, s13, $0xb8;
	[tilespmem:$0xE000] =	vst v63  }
0x98: {  	_ =	swait.ge [sflag:s0], $0x800  }
0x99: {  	[sflag:s0] =	ssyncset.done $0x0  }
0x9a: {  	s9 =	sadd.s32 $0x2B80, s8;
	[sflag:s0] =	ssyncadd.s32 $0xFFFFF800  }
0x9b: {  	s12 =	sadd.s32 $0x500, s8  }
0x9c: {  	[tilespmem:s17], [sflag:$0x3] =	stream.indirect.gather [hbm4b:s4+s13], $0x10, s12, s13, $0xb8;
	[tilespmem:$0xE000] =	vst v63  }
0x9d: {  	_ =	swait.ge [sflag:s1], $0x800  }
0x9e: {  	[sflag:s1] =	ssyncset.done $0x0  }
0x9f: {  	[sflag:s1] =	ssyncadd.s32 $0xFFFFF800  }
0xa0: {  	[spmem:s2] =	stream.indirect.scatter.add.f32 [tilespmem:s28], [sflag:$0x10], $0x10, s9, s13, $0xb8;
	[tilespmem:$0xE000] =	vst v63  }
.Ltmp4:
0xa1: {  	_ = 	snop;
	(pc) =	sbr.rel .LBB2_4-.Ltmp4, $4  }
0xa2: {  	_ =	swait.ge [sflag:s10], $0x800  }
0xa3: {  	[sflag:s10] =	ssyncset.done $0x0  }
0xa4: {  	s18 =	sadd.s32 $0x580, s8;
	s7 =	sadd.s32 $0x1000, s7;
	[sflag:s10] =	ssyncadd.s32 $0xFFFFF800  }
0xa5: {  	[tilespmem:s19], [sflag:$0x4] =	stream.indirect.gather [hbm4b:s4+s13], $0x10, s18, s13, $0xb8;
	[tilespmem:$0xE000] =	vst v63  }
.LBB2_7:
0xa6: {  	_ =	sfence.sel $0x180000  }
0xa7: {  	[bflag:$0x0] =	sbarrier.arrive $0xFFFF  }
0xa8: {  	_ =	strace $0x9000004D  }
0xa9: {  	s0 =	stileid.u32;
	[bflag:$0x2] =	sbarrier.arrive $0xFFFF  }
0xaa: {  	p0 =	sne.s32 s0, $0x0;
	s0 =	rddreg [dreg:$0x2]  }
0xab: {  	s0 =	sadd.s32 @!p0 $0x100000, s0  }
0xac: {  	[sflag:s0] =	ssyncadd.tile.s32 @!p0 $0x1;
	_ =	shalt  }
.Lfunc_end2:
_tile_overlayer_lowered:
.L_overlay_start_2:
0xad: {  	(tag) =	ssettag $0x2  }
0xae: {  	s0 =	rddreg [dreg:$0x0];
	s2 =	stileid.u32  }
0xaf: {  	s1 =	rddreg [dreg:$0x1];
	p0 =	sne.s32 s2, $0x0  }
0xb0: {  	s3 =	rddreg [dreg:$0x2];
	[bflag:$0x3] =	sbarrier.arrive $0xFFFF;
	s2 =	simm.s32 @!p0 $0x1C11  }
0xb1: {  	[timem:s3], [sflag:s2] =	dma.local @!p0 [hbm:s0], s1  }
0xb2: {  	s0 =	simm.s32 @!p0 $0x11  }
0xb3: {  	_ =	swait.ge @!p0 [sflag:s0], s1  }
0xb4: {  	s1 =	ssub.s32 @!p0 $0x0, s1;
	[sflag:s0] =	ssyncset.done @!p0 $0x0  }
0xb5: {  	[sflag:s0] =	ssyncadd.s32 @!p0 s1  }
0xb6: {  	[bflag:$0x3] =	sbarrier.arrive $0xFFFF  }
0xb7: {  	_ =	shalt  }

// kernel: kernel.8.cloned.1.call-start
scs
__scs_entry_jumppad:
0x0: {  	(pc) =	sbr.rel $0x88, $3  }
0x1: {  	(tag) =	ssettag $0x0;
	lr =	simm.s32 $0x1  }
0x2: {  	[smem:$0x3F9B] =	sst lr;
	_ =	strace $0xD0000000  }
0x3: {  	_ = 	snop  }
0x4: {  	_ = 	snop  }
0x5: {  	_ = 	snop  }
0x6: {  	_ = 	snop  }
0x7: {  	_ = 	snop  }
__scs_overlays_trampoline_lowered:
0x8: {  	[smem:$0x3FAA] =	sst s0  }
0x9: {  	[smem:$0x3FAB] =	sst s1  }
0xa: {  	[smem:$0x3FAC] =	sst s2  }
0xb: {  	[smem:$0x3FAD] =	sst s3  }
0xc: {  	[smem:$0x3FAE] =	sst s4  }
0xd: {  	[smem:$0x3FAF] =	sst s5  }
0xe: {  	[smem:$0x3FB0] =	sst s6  }
0xf: {  	[smem:$0x3FB1] =	sst s7  }
0x10: {  	[smem:$0x3FB2] =	sst s8  }
0x11: {  	[smem:$0x3FB3] =	sst s9;
	s0 =	simm.s32 @!p0 $0x0  }
0x12: {  	s1 =	sld [smem:$0x3F99];
	s0 =	simm.s32 @p0 $0x1  }
0x13: {  	[smem:$0x3FB4] =	sst s0;
	s0 =	simm.s32 @!p1 $0x0  }
0x14: {  	s2 =	sld [smem:$0x3F98];
	s0 =	simm.s32 @p1 $0x1  }
0x15: {  	[smem:$0x3FB5] =	sst s0;
	s0 =	simm.s32 @!p2 $0x0  }
0x16: {  	s3 =	sld [smem:$0x3FDB];
	s0 =	simm.s32 @p2 $0x1  }
0x17: {  	s4 =	simm.s32 $0x1BF5;
	[smem:$0x3FB7] =	sst s0  }
0x18: {  	s0 =	sld [smem:$0x3F9A];
	_ =	swait.ge [sflag:s4], $0x0  }
0x19: {  	s7 =	sld [smem:$0x3F9B]  }
0x1a: {  	s8 =	sadd.s32 $0xFFFFE003, lr  }
0x1b: {  	s9 =	sadd.s32 $0xFFFFFEF7, lr;
	s5 =	simm.s32 $0xFFFFFFFF;
	p2 =	slt.u32 s8, $0xFFFFF086  }
0x1c: {  	p1 =	slt.u32 s9, $0xF7A;
	s5 =	simm.s32 @!p2 $0x0  }
0x1d: {  	s5 =	simm.s32 @p1 $0x1;
	p0 =	seq.s32 s7, s2  }
0x1e: {  	s7 =	smul.u32 @!p0 $0xF7A, s2;
	p2 =	seq.s32 @!p0 s5, $0x0  }
0x1f: {  	s9 =	smul.u32 $0xF7A, s1;
	s8 =	simm.s32 @!p0 $0x1BF5;
	p2 =	por !p2, p0  }
0x20: {  	[sflag:s8] =	ssyncset.s32 @!p0 $0xFFFFF086;
	s6 =	sadd.s32 @!p0 s3, s7;
	s7 =	simm.s32 @!p0 $0x108  }
0x21: {  	s3 =	sadd.s32 s3, s9;
	s6 =	sadd.s32 @!p0 $0x88, s6;
	s7 =	simm.s32 @p2 $0x1082  }
0x22: {  	[simem:s7], [sflag:s8] =	dma.local @!p0 [hbm:s6], $0xF7A  }
0x23: {  	s9 =	sor.u32 $0xD0000000, s2;
	s6 =	simm.s32 $0x108;
	_ =	swait.ge @!p0 [sflag:s8], $0x0  }
0x24: {  	s3 =	sadd.s32 $0x88, s3;
	s6 =	simm.s32 @!p1 $0x1082;
	[sflag:s4] =	ssyncset.s32 $0xFFFFF086  }
0x25: {  	[simem:s6], [sflag:s4] =	dma.local [hbm:s3], $0xF7A  }
0x26: {  	[smem:$0x3F9B] =	sst s1;
	(tag) =	ssettag s2;
	_ =	strace s9  }
0x27: {  	s1 =	sld [smem:$0x3FAB]  }
0x28: {  	s2 =	sld [smem:$0x3FAC]  }
0x29: {  	s4 =	sld [smem:$0x3FAE]  }
0x2a: {  	p0 =	seq.s32 s5, $0x0;
	s5 =	sld [smem:$0x3FAF]  }
0x2b: {  	s6 =	sld [smem:$0x3FB0]  }
0x2c: {  	s7 =	sld [smem:$0x3FB1]  }
0x2d: {  	s3 =	simm.s32 $0x108;
	s8 =	sld [smem:$0x3FB2]  }
0x2e: {  	s3 =	simm.s32 @!p0 $0x1082;
	s9 =	sld [smem:$0x3FB3]  }
0x2f: {  	lr =	sadd.s32 s0, s3;
	s0 =	sld [smem:$0x3FAA]  }
0x30: {  	s3 =	sld [smem:$0x3FAD]  }
0x31: {  	[smem:$0x3FB6] =	sst s10  }
0x32: {  	s10 =	sld [smem:$0x3FB4];
	_ =	sdelay $0x3  }
0x33: {  	p0 =	seq.s32 s10, $0x1;
	s10 =	sld [smem:$0x3FB6];
	_ =	sdelay $0x3  }
0x34: {  	[smem:$0x3FB6] =	sst s10  }
0x35: {  	s10 =	sld [smem:$0x3FB5];
	_ =	sdelay $0x3  }
0x36: {  	p1 =	seq.s32 s10, $0x1;
	s10 =	sld [smem:$0x3FB6];
	_ =	sdelay $0x3  }
0x37: {  	[smem:$0x3FB6] =	sst s10  }
0x38: {  	s10 =	sld [smem:$0x3FB7]  }
0x39: {  	_ = 	snop;
	(pc) =	sbr.ind lr, $3  }
0x3a: {  	_ = 	snop  }
0x3b: {  	_ = 	snop  }
0x3c: {  	p2 =	seq.s32 s10, $0x1;
	s10 =	sld [smem:$0x3FB6]  }
0x3d: {  	_ =	shalt  }
0x3e: {  	_ =	shalt  }
0x3f: {  	_ =	shalt  }
0x40: {  	_ =	shalt  }
0x41: {  	_ =	shalt  }
0x42: {  	_ =	shalt  }
0x43: {  	_ =	shalt  }
0x44: {  	_ =	shalt  }
0x45: {  	_ =	shalt  }
0x46: {  	_ =	shalt  }
0x47: {  	_ =	shalt  }
0x48: {  	_ =	shalt  }
0x49: {  	_ =	shalt  }
0x4a: {  	_ =	shalt  }
0x4b: {  	_ =	shalt  }
0x4c: {  	_ =	shalt  }
0x4d: {  	_ =	shalt  }
0x4e: {  	_ =	shalt  }
0x4f: {  	_ =	shalt  }
0x50: {  	_ =	shalt  }
0x51: {  	_ =	shalt  }
0x52: {  	_ =	shalt  }
0x53: {  	_ =	shalt  }
0x54: {  	_ =	shalt  }
0x55: {  	_ =	shalt  }
0x56: {  	_ =	shalt  }
0x57: {  	_ =	shalt  }
0x58: {  	_ =	shalt  }
0x59: {  	_ =	shalt  }
0x5a: {  	_ =	shalt  }
0x5b: {  	_ =	shalt  }
0x5c: {  	_ =	shalt  }
0x5d: {  	_ =	shalt  }
0x5e: {  	_ =	shalt  }
0x5f: {  	_ =	shalt  }
0x60: {  	_ =	shalt  }
0x61: {  	_ =	shalt  }
0x62: {  	_ =	shalt  }
0x63: {  	_ =	shalt  }
0x64: {  	_ =	shalt  }
0x65: {  	_ =	shalt  }
0x66: {  	_ =	shalt  }
0x67: {  	_ =	shalt  }
0x68: {  	_ =	shalt  }
0x69: {  	_ =	shalt  }
0x6a: {  	_ =	shalt  }
0x6b: {  	_ =	shalt  }
0x6c: {  	_ =	shalt  }
0x6d: {  	_ =	shalt  }
0x6e: {  	_ =	shalt  }
0x6f: {  	_ =	shalt  }
0x70: {  	_ =	shalt  }
0x71: {  	_ =	shalt  }
0x72: {  	_ =	shalt  }
0x73: {  	_ =	shalt  }
0x74: {  	_ =	shalt  }
0x75: {  	_ =	shalt  }
0x76: {  	_ =	shalt  }
0x77: {  	_ =	shalt  }
0x78: {  	_ =	shalt  }
0x79: {  	_ =	shalt  }
0x7a: {  	_ =	shalt  }
0x7b: {  	_ =	shalt  }
0x7c: {  	_ =	shalt  }
0x7d: {  	_ =	shalt  }
0x7e: {  	_ =	shalt  }
0x7f: {  	_ =	shalt  }
0x80: {  	_ =	shalt  }
0x81: {  	_ =	shalt  }
0x82: {  	_ =	shalt  }
0x83: {  	_ =	shalt  }
0x84: {  	_ =	shalt  }
0x85: {  	_ =	shalt  }
0x86: {  	_ =	shalt  }
0x87: {  	_ =	shalt  }
.Lfunc_end0:
.L_simem_size_0:
called_computation_lowered:
.L_overlay_start_0:
0x88: {  	s2 =	sld [smem:$0x3FD9]  }
0x89: {  	s3 =	sld [smem:$0x3FFE];
	_ =	sdelay $0x1  }
0x8a: {  	s1 =	srdreg.scid  }
0x8b: {  	s0 =	sand.u32 $0x1, s1  }
0x8c: {  	s16 =	sshll.u32 s0, $0xA;
	s2 =	sadd.s32 s3, s2  }
0x8d: {  	s2 =	sadd.s32 s2, s16  }
0x8e: {  	[smem:$0x3FC2] =	sst s2  }
0x8f: {  	_ = 	snop  }
0x90: {  	(tm) =	ssettm $0x1  }
0x91: {  	s17 =	sld [smem:$0x3FFB];
	_ =	sdelay $0x3  }
0x92: {  	_ =	strace s17  }
0x93: {  	s2 =	sld [smem:$0x3FFC];
	_ =	sdelay $0x3  }
0x94: {  	_ =	strace s2  }
0x95: {  	s2 =	sld [smem:$0x3FFD];
	_ =	sdelay $0x3  }
0x96: {  	_ =	strace s2  }
0x97: {  	_ =	strace $0x8FFFFFFF  }
0x98: {  	s18 =	sld [smem:$0x3FDB];
	_ =	sdelay $0x1  }
0x99: {  	s19 =	simm.s32 $_scs_section_size  }
0x9a: {  	s4 =	simm.s32 $_size__tile_overlayer_lowered;
	s5 =	simm.s32 $_tile_overlayer_lowered  }
0x9b: {  	s22 =	simm.s32 $0x1BFF;
	s21 =	sshll.u32 s5, $0x1;
	s2 =	sadd.s32 s19, s18  }
0x9c: {  	s6 =	simm.s32 $0x0;
	s20 =	sshll.u32 s4, $0x1;
	s4 =	sadd.s32 s21, s2  }
0x9d: {  	[timem:s6], [sflag:s22] =	dma.local [hbm:s4], s20  }
0x9e: {  	_ =	swait.ge [sflag:s22], s20  }
0x9f: {  	s3 =	ssub.s32 $0x0, s20;
	[sflag:s22] =	ssyncset.done $0x0  }
0xa0: {  	[sflag:s22] =	ssyncadd.s32 s3;
	_ =	sdelay $0x1  }
0xa1: {  	s23 =	simm.s32 $0x1B8B  }
0xa2: {  	_ =	swait.ge [sflag:s23], $0x1  }
0xa3: {  	[sflag:s23] =	ssyncset.done $0x0  }
0xa4: {  	s25 =	simm.s32 $0x1B8E;
	s24 =	sld [smem:$0x3FFE];
	[sflag:s23] =	ssyncadd.s32 $0xFFFFFFFF  }
0xa5: {  	s26 =	simm.s32 $execute0_lowered;
	[smem:$0x3FD2] =	sst s25  }
0xa6: {  	s4 =	sshll.u32 s26, $0x1;
	_ =	strace $0x80000046;
	[dreg:$0x1] =	wrdreg $0xFFFFFFFF  }
0xa7: {  	s28 =	simm.s32 $_size_execute0_lowered;
	s2 =	sadd.s32 s2, s4;
	[dreg:$0x0] =	wrdreg $0x0  }
0xa8: {  	s4 =	sshll.u32 s28, $0x1;
	[dreg:$0x2] =	wrdreg s2  }
0xa9: {  	[dreg:$0x3] =	wrdreg s4  }
0xaa: {  	[dreg:$0x4] =	wrdreg $0xC0  }
0xab: {  	_ =	task [dreg:s6], $0x5FFFF  }
0xac: {  	[dreg:$0x1] =	wrdreg $0xFFFFFFFF  }
0xad: {  	[dreg:$0x0] =	wrdreg $0x60  }
0xae: {  	[dreg:$0x2] =	wrdreg s24  }
0xaf: {  	[dreg:$0x3] =	wrdreg $0x58000  }
0xb0: {  	[dreg:$0x4] =	wrdreg $0x9  }
0xb1: {  	_ =	task.clear_ibuf [dreg:s6], $0x5FFFF;
	_ =	strace $0x90000046  }
0xb2: {  	s29 =	simm.s32 $0x9;
	_ =	strace $0x80000048  }
0xb3: {  	_ =	swait.ge [sflag:s29], $0x1  }
0xb4: {  	[sflag:s29] =	ssyncadd.s32 $0xFFFFFFFF  }
0xb5: {  	_ =	strace $0x90000048  }
0xb6: {  	_ =	sfence  }
0xb7: {  	s30 =	sld [smem:$0x0];
	_ =	sdelay $0x2  }
0xb8: {  	s31 =	sshll.u32 s1, $0xD;
	s1 =	sshrl.u32 s1, $0x2  }
0xb9: {  	s3 =	sand.u32 $0x4000, s31;
	s1 =	sadd.s32 s1, s30  }
0xba: {  	s0 =	sor.u32 s3, s0;
	s1 =	sshll.u32 s1, $0x11  }
0xbb: {  	s0 =	sor.u32 s1, s0  }
0xbc: {  	s0 =	sadd.s32 $0x8F2B, s0  }
0xbd: {  	[sflag:s0] =	ssyncadd.remote.s32 $0x1  }
0xbe: {  	_ =	sfence.sel $0xFFFF  }
0xbf: {  	[dreg:$0x0] =	wrdreg $0xFFFFFFFF;
	(pc) =	sbr.abs _section_cstart, $3  }
0xc0: {  	[dreg:$0x1] =	wrdreg $0xFFFFFFFF  }
0xc1: {  	_ =	task.clear_ibuf [dreg:s6], $0x2FFFF;
	_ =	strace $0x9FFFFFFF  }
0xc2: {  	(tm) =	ssettm $0x7FFFFFFF  }
0xc3: {  	_ =	shalt  }
tec
execute0_lowered:
.L_overlay_start_1:
0x0: {  	(tag) =	ssettag $0x1  }
0x1: {  	s1 =	srdreg.scid;
	s4 =	rddreg [dreg:$0x0]  }
0x2: {  	s0 =	stileid.u32;
	s2 =	rddreg [dreg:$0x1];
	s3 =	simm.s32 $0x0  }
0x3: {  	s10 =	simm.s32 $0x80;
	s11 =	simm.s32 $0x2800;
	s5 =	sand.u32 $0x1, s1  }
0x4: {  	s6 =	smul.u32 $0x2800, s0;
	s7 =	sshll.u32 s0, $0x1;
	s1 =	rddreg [dreg:$0x2]  }
0x5: {  	[smem:$0x7FF] =	sst s3;
	s12 =	sshll.u32 s0, $0x6;
	s8 =	smul.u32 $0x28000, s5  }
0x6: {  	s7 =	sor.u32 s5, s7;
	_ =	strace $0x80000047;
	s5 =	ssub.s32 $0x2, s5  }
0x7: {  	s7 =	smul.u32 $0x500, s7;
	s31 =	sshrl.u32 s5, $0x1;
	s8 =	sadd.s32 s6, s8  }
0x8: {  	s12 =	sor.u32 $0x1C01, s12;
	s9 =	ssub.s32 s5, s31;
	s8 =	sshrl.u32 s8, $0x3  }
0x9: {  	s7 =	sadd.s32 s7, s4;
	s8 =	sadd.s32 s8, s4;
	s4 =	sadd.s32 s6, s2  }
0xa: {  	s5 =	sadd.s32 $0x1600, s7;
	s7 =	smax.u32 s9, $0x1;
	s9 =	simm.s32 $0x1  }
0xb: {  	v0 =	vimm.f32 $0.0e+00;
	v1 =	vimm.f32 $1.000000000e+00;
	s6 =	sadd.s32 $0xB600, s8;
	s8 =	simm.s32 $0x3000;
	s13 =	sshrl.u32 s4, $0x3  }
.LBB2_1:
0xc: {  	s14 =	simm.s32 $0x0;
	s15 =	simm.s32 $0x200  }
.LBB2_2:
0xd: {  	p0 =	sne.s32 s15, $0x9E00;
	[tilespmem:s14+$0x3070] =	vst v0  }
0xe: {  	[tilespmem:s14+$0x3000] =	vst v0  }
0xf: {  	[tilespmem:s14+$0x3010] =	vst v0  }
.Ltmp0:
0x10: {  	[tilespmem:s14+$0x3020] =	vst v0;
	(pc) =	sbr.rel @p0 .LBB2_2-.Ltmp0, $4  }
0x11: {  	[tilespmem:s14+$0x3030] =	vst v0  }
0x12: {  	[tilespmem:s14+$0x3040] =	vst v0  }
0x13: {  	[tilespmem:s14+$0x3050] =	vst v0  }
0x14: {  	[tilespmem:s14+$0x3060] =	vst v0;
	s14 =	sshra.s32 s15, $0x2;
	s15 =	sadd.s32 $0x200, s15  }
0x15: {  	[tilespmem:s14+$0x3070] =	vst v0  }
0x16: {  	[tilespmem:s14+$0x3000] =	vst v0  }
0x17: {  	[tilespmem:s14+$0x3010] =	vst v0  }
0x18: {  	[tilespmem:s14+$0x3020] =	vst v0  }
0x19: {  	[tilespmem:s14+$0x3030] =	vst v0  }
0x1a: {  	[tilespmem:s14+$0x3040] =	vst v0  }
0x1b: {  	[tilespmem:s14+$0x3050] =	vst v0  }
0x1c: {  	[tilespmem:s14+$0x3060] =	vst v0  }
0x1d: {  	[spmem:s4] =	stream.linear.scatter [tilespmem:s8], [sflag:$0x1], $0x2800, $0x38;
	[tilespmem:$0x8000] =	vst v63  }
0x1e: {  	_ =	swait.ge [sflag:s9], $0x2800  }
0x1f: {  	[sflag:s9] =	ssyncset.done $0x0  }
0x20: {  	[sflag:s9] =	ssyncadd.s32 $0xFFFFD800  }
0x21: {  	s14 =	simm.s32 $0x0;
	s15 =	simm.s32 $0x200;
	[bflag:$0x0] =	sbarrier.arrive $0xFFFF  }
.LBB2_4:
0x22: {  	p0 =	sne.s32 s15, $0x1E00;
	[tilespmem:s14+$0x2870] =	vst v1  }
0x23: {  	[tilespmem:s14+$0x2800] =	vst v1  }
0x24: {  	[tilespmem:s14+$0x2810] =	vst v1  }
.Ltmp1:
0x25: {  	[tilespmem:s14+$0x2820] =	vst v1;
	(pc) =	sbr.rel @p0 .LBB2_4-.Ltmp1, $4  }
0x26: {  	[tilespmem:s14+$0x2830] =	vst v1  }
0x27: {  	[tilespmem:s14+$0x2840] =	vst v1  }
0x28: {  	[tilespmem:s14+$0x2850] =	vst v1  }
0x29: {  	[tilespmem:s14+$0x2860] =	vst v1;
	s14 =	sshra.s32 s15, $0x2;
	s15 =	sadd.s32 $0x200, s15  }
0x2a: {  	[tilespmem:s14+$0x2870] =	vst v1  }
0x2b: {  	[tilespmem:s14+$0x2800] =	vst v1  }
0x2c: {  	[tilespmem:s14+$0x2810] =	vst v1  }
0x2d: {  	[tilespmem:s14+$0x2820] =	vst v1  }
0x2e: {  	[tilespmem:s14+$0x2830] =	vst v1  }
0x2f: {  	[tilespmem:s14+$0x2840] =	vst v1  }
0x30: {  	[tilespmem:s14+$0x2850] =	vst v1  }
0x31: {  	[tilespmem:s14+$0x2860] =	vst v1;
	s30 =	simm.s32 $0x0  }
0x32: {  	[tilespmem:s30], [sflag:$0x1] =	stream.linear.gather [hbm4b:s5+s30], $0x2800, $0x38;
	[tilespmem:$0x8000] =	vst v63  }
0x33: {  	_ =	swait.ge [sflag:s9], $0x2800  }
0x34: {  	[sflag:s9] =	ssyncset.done $0x0  }
0x35: {  	s31 =	simm.s32 $0x0;
	[sflag:s9] =	ssyncadd.s32 $0xFFFFD800  }
0x36: {  	[spmem:s2] =	stream.indirect.scatter.add.f32 [tilespmem:s11], [sflag:$0x1], $0x10, s31, s10, $0xb8;
	[tilespmem:$0x8000] =	vst v63  }
0x37: {  	_ =	swait.ge [sflag:s9], $0x800  }
0x38: {  	s14 =	simm.s32 $0x200;
	[sflag:s9] =	ssyncset.done $0x0  }
.LBB2_6:
0x39: {  	s15 =	sshra.s32 s14, $0x2;
	[sflag:s9] =	ssyncadd.s32 $0xFFFFF800;
	p0 =	sne.s32 s14, $0x9E00  }
0x3a: {  	[spmem:s2] =	stream.indirect.scatter.add.f32 [tilespmem:s11], [sflag:$0x1], $0x10, s15, s10, $0xb8;
	[tilespmem:$0x8000] =	vst v63  }
.Ltmp2:
0x3b: {  	_ = 	snop;
	(pc) =	sbr.rel @p0 .LBB2_6-.Ltmp2, $4  }
0x3c: {  	_ = 	snop  }
0x3d: {  	s14 =	sadd.s32 $0x200, s14  }
0x3e: {  	_ =	swait.ge [sflag:s9], $0x800  }
0x3f: {  	[sflag:s9] =	ssyncset.done $0x0  }
0x40: {  	s3 =	sadd.s32 $0x1, s3  }
0x41: {  	[sflag:s9] =	ssyncadd.s32 $0xFFFFF800;
	p0 =	sne.s32 s3, s7  }
.Ltmp3:
0x42: {  	[bflag:$0x0] =	sbarrier.arrive $0xFFFF;
	(pc) =	sbr.rel @p0 .LBB2_1-.Ltmp3, $4  }
0x43: {  	[hbm:s6], [sflag:s12] =	dma.local [spmem:s13], $0x500  }
0x44: {  	_ =	swait.ge [sflag:s9], $0x500  }
0x45: {  	[sflag:s9] =	ssyncset.done $0x0  }
0x46: {  	[sflag:s9] =	ssyncadd.s32 $0xFFFFFB00  }
0x47: {  	_ =	sfence.sel $0x180000  }
0x48: {  	[bflag:$0x0] =	sbarrier.arrive $0xFFFF  }
0x49: {  	p0 =	sne.s32 s0, $0x0;
	_ =	strace $0x90000047  }
0x4a: {  	s0 =	sadd.s32 @!p0 $0x100000, s1;
	[bflag:$0x2] =	sbarrier.arrive $0xFFFF  }
0x4b: {  	[sflag:s0] =	ssyncadd.tile.s32 @!p0 $0x1;
	_ =	shalt  }
.Lfunc_end2:
_tile_overlayer_lowered:
.L_overlay_start_2:
0x4c: {  	(tag) =	ssettag $0x2  }
0x4d: {  	s0 =	rddreg [dreg:$0x0];
	s2 =	stileid.u32  }
0x4e: {  	s1 =	rddreg [dreg:$0x1];
	p0 =	sne.s32 s2, $0x0  }
0x4f: {  	s3 =	rddreg [dreg:$0x2];
	[bflag:$0x3] =	sbarrier.arrive $0xFFFF;
	s2 =	simm.s32 @!p0 $0x1C01  }
0x50: {  	[timem:s3], [sflag:s2] =	dma.local @!p0 [hbm:s0], s1  }
0x51: {  	s0 =	simm.s32 @!p0 $0x1  }
0x52: {  	_ =	swait.ge @!p0 [sflag:s0], s1  }
0x53: {  	s1 =	ssub.s32 @!p0 $0x0, s1;
	[sflag:s0] =	ssyncset.done @!p0 $0x0  }
0x54: {  	[sflag:s0] =	ssyncadd.s32 @!p0 s1  }
0x55: {  	[bflag:$0x3] =	sbarrier.arrive $0xFFFF  }
0x56: {  	_ =	shalt  }

</sc_bundles>
